<compile_context>
chip_gen: v7x
topology: tpu7x:2x2x1
jax: 0.10.2.dev20260603
libtpu: 0.0.44.dev20260713+nightly
codegen_flags: <defaults>
</compile_context>

<pallas_src>
import functools

import jax
import jax.numpy as jnp
from jax import lax
from jax.experimental import pallas as pl
from jax.experimental.pallas import tpu as pltpu
from jax.experimental.pallas import tpu_sc as plsc

_BATCH = 16384
_HIST = 50
_DIM = 64
_VOCAB = 1000000
_B = _BATCH * _HIST

_NC = 2
_NS = 16
_NW = _NC * _NS
_BPW = _B // _NW
_C = 128
_NCHUNK = _BPW // _C

_mesh = plsc.VectorSubcoreMesh(core_axis_name="c", subcore_axis_name="s")


@functools.partial(
    pl.kernel,
    mesh=_mesh,
    out_type=jax.ShapeDtypeStruct((_B, _DIM), jnp.float32),
    scratch_types=[
        pltpu.VMEM((_BPW,), jnp.int32),
        pltpu.VMEM((2, _C, 128), jnp.float32),
        pltpu.VMEM((2, _C, _DIM), jnp.float32),
    ]
    + [pltpu.SemaphoreType.DMA] * 4,
)
def _gather_kernel(idx_hbm, tabp_hbm, out_hbm, idx_all, pairs, rows,
                   gsem0, gsem1, wsem0, wsem1):
    wid = lax.axis_index("s") * _NC + lax.axis_index("c")
    base = wid * _BPW
    gsem = (gsem0, gsem1)
    wsem = (wsem0, wsem1)
    pltpu.sync_copy(idx_hbm.at[pl.ds(base, _BPW)], idx_all)

    def fire_gather(c, s):
        src = tabp_hbm.at[idx_all.at[pl.ds(c * _C, _C)]]
        pltpu.async_copy(src, pairs.at[s], gsem[s])

    def wait_gather(s):
        src = tabp_hbm.at[idx_all.at[pl.ds(0, _C)]]
        pltpu.make_async_copy(src, pairs.at[s], gsem[s]).wait()

    def compact(s, w):
        def gbody(g, carry):
            for u in range(16):
                j = g * 16 + u
                for k in range(_DIM // 16):
                    rows[w, j, pl.ds(k * 16, 16)] = (
                        pairs[s, j, pl.ds(k * 16, 16)]
                    )
            return carry

        lax.fori_loop(0, _C // 16, gbody, 0)

    def start_write(c, w):
        dst = out_hbm.at[pl.ds(base + c * _C, _C)]
        pltpu.async_copy(rows.at[w], dst, wsem[w])

    def wait_write(w):
        dst = out_hbm.at[pl.ds(base, _C)]
        pltpu.make_async_copy(rows.at[w], dst, wsem[w]).wait()

    fire_gather(0, 0)

    def body(i, carry):
        for s in range(2):
            c = 2 * i + s
            ns = 1 - s

            @pl.when(c + 1 < _NCHUNK)
            def _():
                fire_gather(c + 1, ns)

            wait_gather(s)

            @pl.when(c >= 2)
            def _():
                wait_write(s)

            compact(s, s)
            start_write(c, s)
        return carry

    lax.fori_loop(0, _NCHUNK // 2, body, 0)
    wait_write(0)
    wait_write(1)


def kernel(x, table):
    idx = x.T.reshape(-1).astype(jnp.int32)
    tabp = jnp.pad(table, ((0, 0), (0, 128 - _DIM)))
    out_t = _gather_kernel(idx, tabp)
    return out_t.reshape(_HIST, _BATCH, _DIM).transpose(1, 0, 2)

# --- scband reference (transcript-rebuilt; emitter-appended) ---
"""Pipeline reference for scband-embedding1-d-1331439861873 (READ-ONLY COPY).

The authoritative reference and input builder live on the scoring server;
editing this copy changes nothing except your own understanding.
"""

import jax, jax.numpy as jnp
import numpy as np

VOCAB = 1000000
EMBED_DIM = 64
BATCH = 16384
HIST = 50

def setup_inputs(seed: int = 0) -> dict:
    key = jax.random.key(seed)
    k_idx, k_tab = jax.random.split(key)
    x = jax.random.randint(k_idx, (BATCH, HIST), 0, VOCAB, dtype=jnp.int64 if jax.config.jax_enable_x64 else jnp.int32)
    table = jax.random.normal(k_tab, (VOCAB, EMBED_DIM), dtype=jnp.float32)
    return {"x": x, "table": table}

def reference(x, table):
    # nn.Embedding forward: gather rows of the table by index
    out = jnp.take(table, x, axis=0)
    return out

if __name__ == "__main__":
    import jax
    _d = setup_inputs()
    print(jax.jit(kernel)(*tuple(_d.values())))

</pallas_src>

<mosaic_0001>
#map = affine_map<(d0, d1) -> (0)>
#map1 = affine_map<(d0, d1) -> (0, 0)>
module attributes {stable_mosaic.version = 14 : i64} {
  func.func @_gather_kernel(%arg0: i32, %arg1: i32, %arg2: memref<819200xi32, #tpu.memory_space<hbm>>, %arg3: memref<1000000x128xf32, #tpu.memory_space<hbm>>, %arg4: memref<819200x64xf32, #tpu.memory_space<hbm>>, %arg5: memref<25600xi32, #tpu.memory_space<vmem>>, %arg6: memref<2x128x128xf32, #tpu.memory_space<vmem>>, %arg7: memref<2x128x64xf32, #tpu.memory_space<vmem>>, %arg8: memref<!tpu.dma_semaphore, #tpu.memory_space<semaphore_mem>>, %arg9: memref<!tpu.dma_semaphore, #tpu.memory_space<semaphore_mem>>, %arg10: memref<!tpu.dma_semaphore, #tpu.memory_space<semaphore_mem>>, %arg11: memref<!tpu.dma_semaphore, #tpu.memory_space<semaphore_mem>>) attributes {dimension_semantics = [#tpu.dimension_semantics<core_parallel>, #tpu.dimension_semantics<subcore_parallel>], iteration_bounds = array<i64: 2, 16>, scalar_prefetch = 0 : i64, scratch_operands = 7 : i64, tpu.core_type = #tpu.core_type<sc_vector_subcore>, window_params = [{transform_indices = #map}, {transform_indices = #map1}, {transform_indices = #map1}]} {
    %mul3A = arith.constant 2 : i32
    %mul3A_0 = arith.muli %arg1, %mul3A : i32
    %add3A = arith.addi %mul3A_0, %arg0 : i32
    %mul3A_1 = arith.constant 25600 : i32
    %mul3A_2 = arith.muli %add3A, %mul3A_1 : i32
    "tpu.region"() ({
      %run_scoped3A = tpu.sem_alloc : memref<!tpu.dma_semaphore, #tpu.memory_space<semaphore_mem>>
      %dma_start3A_42 = tpu.memref_slice %arg2[%mul3A_2] : memref<819200xi32, #tpu.memory_space<hbm>> -> memref<25600xi32, #tpu.memory_space<hbm>>
      %dma_start3A_43 = tpu.memref_slice %arg2[%mul3A_2] : memref<819200xi32, #tpu.memory_space<hbm>> -> memref<25600xi32, #tpu.memory_space<hbm>>
      tpu.enqueue_dma source(%dma_start3A_43 : memref<25600xi32, #tpu.memory_space<hbm>>) target(%arg5 : memref<25600xi32, #tpu.memory_space<vmem>>) target_semaphore(%run_scoped3A : memref<!tpu.dma_semaphore, #tpu.memory_space<semaphore_mem>>)
      %dma_wait3A_44 = tpu.memref_slice %arg2[%mul3A_2] : memref<819200xi32, #tpu.memory_space<hbm>> -> memref<25600xi32, #tpu.memory_space<hbm>>
      %dma_wait3A_45 = tpu.memref_slice %arg2[%mul3A_2] : memref<819200xi32, #tpu.memory_space<hbm>> -> memref<25600xi32, #tpu.memory_space<hbm>>
      tpu.wait_dma2 semaphore(%run_scoped3A : memref<!tpu.dma_semaphore, #tpu.memory_space<semaphore_mem>>) src(%dma_wait3A_45 : memref<25600xi32, #tpu.memory_space<hbm>>) dst(%arg5 : memref<25600xi32, #tpu.memory_space<vmem>>)
      tpu.yield
    }) : () -> ()
    %dma_start3A = arith.constant 0 : i32
    %dma_start3A_3 = arith.constant 0 : i32
    %dma_start3A_4 = arith.constant 0 : i32
    %dma_start3A_5 = tpu.memref_slice %arg6[%dma_start3A, %dma_start3A_3, %dma_start3A_4] : memref<2x128x128xf32, #tpu.memory_space<vmem>> -> memref<1x128x128xf32, #tpu.memory_space<vmem>>
    %dma_start3A_6 = tpu.memref_squeeze %dma_start3A_5 : memref<1x128x128xf32, #tpu.memory_space<vmem>> -> memref<128x128xf32, #tpu.memory_space<vmem>>
    %dma_start3A_7 = arith.constant 0 : i32
    %dma_start3A_8 = tpu.memref_slice %arg5[%dma_start3A_7] : memref<25600xi32, #tpu.memory_space<vmem>> -> memref<128xi32, #tpu.memory_space<vmem>>
    %dma_start3A_9 = arith.constant 0 : i32
    %dma_start3A_10 = arith.constant 0 : i32
    %dma_start3A_11 = tpu.memref_slice %arg3[%dma_start3A_9, %dma_start3A_10] : memref<1000000x128xf32, #tpu.memory_space<hbm>> -> memref<1000000x128xf32, #tpu.memory_space<hbm>>
    tpu.enqueue_indirect_dma source(%dma_start3A_11 : memref<1000000x128xf32, #tpu.memory_space<hbm>>) target(%dma_start3A_6 : memref<128x128xf32, #tpu.memory_space<vmem>>) offsets(%dma_start3A_8 : memref<128xi32, #tpu.memory_space<vmem>>) semaphore(%arg8 : memref<!tpu.dma_semaphore, #tpu.memory_space<semaphore_mem>>)
    %scan3A = arith.constant 0 : i32
    %scan3A_12 = arith.constant 0 : i32
    %scan3A_13 = arith.constant 100 : i32
    %scan3A_14 = arith.addi %scan3A_12, %scan3A_13 : i32
    %scan3A_15 = arith.constant 1 : i32
    scf.for %scan3A_42 = %scan3A_12 to %scan3A_14 step %scan3A_15  : i32 {
      %mul3A_43 = arith.constant 2 : i32
      %mul3A_44 = arith.muli %mul3A_43, %scan3A_42 : i32
      %add3A_45 = arith.constant 0 : i32
      %add3A_46 = arith.addi %mul3A_44, %add3A_45 : i32
      %add3A_47 = arith.constant 1 : i32
      %add3A_48 = arith.addi %add3A_46, %add3A_47 : i32
      %lt3A = arith.constant 200 : i32
      %lt3A_49 = arith.cmpi slt, %add3A_48, %lt3A : i32
      %convert_element_type3A = arith.extui %lt3A_49 : i1 to i32
      %cond3A = arith.constant 0 : i32
      %cond3A_50 = arith.cmpi ne, %convert_element_type3A, %cond3A : i32
      scf.if %cond3A_50 {
        %add3A_135 = arith.constant 1 : i32
        %add3A_136 = arith.addi %add3A_46, %add3A_135 : i32
        %mul3A_137 = arith.constant 128 : i32
        %mul3A_138 = arith.muli %add3A_136, %mul3A_137 : i32
        %dma_start3A_139 = arith.constant 1 : i32
        %dma_start3A_140 = arith.constant 0 : i32
        %dma_start3A_141 = arith.constant 0 : i32
        %dma_start3A_142 = tpu.memref_slice %arg6[%dma_start3A_139, %dma_start3A_140, %dma_start3A_141] : memref<2x128x128xf32, #tpu.memory_space<vmem>> -> memref<1x128x128xf32, #tpu.memory_space<vmem>>
        %dma_start3A_143 = tpu.memref_squeeze %dma_start3A_142 : memref<1x128x128xf32, #tpu.memory_space<vmem>> -> memref<128x128xf32, #tpu.memory_space<vmem>>
        %dma_start3A_144 = tpu.memref_slice %arg5[%mul3A_138] : memref<25600xi32, #tpu.memory_space<vmem>> -> memref<128xi32, #tpu.memory_space<vmem>>
        %dma_start3A_145 = arith.constant 0 : i32
        %dma_start3A_146 = arith.constant 0 : i32
        %dma_start3A_147 = tpu.memref_slice %arg3[%dma_start3A_145, %dma_start3A_146] : memref<1000000x128xf32, #tpu.memory_space<hbm>> -> memref<1000000x128xf32, #tpu.memory_space<hbm>>
        tpu.enqueue_indirect_dma source(%dma_start3A_147 : memref<1000000x128xf32, #tpu.memory_space<hbm>>) target(%dma_start3A_143 : memref<128x128xf32, #tpu.memory_space<vmem>>) offsets(%dma_start3A_144 : memref<128xi32, #tpu.memory_space<vmem>>) semaphore(%arg9 : memref<!tpu.dma_semaphore, #tpu.memory_space<semaphore_mem>>)
      } else {
      }
      %dma_wait3A_51 = arith.constant 0 : i32
      %dma_wait3A_52 = arith.constant 0 : i32
      %dma_wait3A_53 = arith.constant 0 : i32
      %dma_wait3A_54 = tpu.memref_slice %arg6[%dma_wait3A_51, %dma_wait3A_52, %dma_wait3A_53] : memref<2x128x128xf32, #tpu.memory_space<vmem>> -> memref<1x128x128xf32, #tpu.memory_space<vmem>>
      %dma_wait3A_55 = tpu.memref_squeeze %dma_wait3A_54 : memref<1x128x128xf32, #tpu.memory_space<vmem>> -> memref<128x128xf32, #tpu.memory_space<vmem>>
      %dma_wait3A_56 = arith.constant 0 : i32
      %dma_wait3A_57 = tpu.memref_slice %arg5[%dma_wait3A_56] : memref<25600xi32, #tpu.memory_space<vmem>> -> memref<128xi32, #tpu.memory_space<vmem>>
      %dma_wait3A_58 = arith.constant 0 : i32
      %dma_wait3A_59 = arith.constant 0 : i32
      %dma_wait3A_60 = tpu.memref_slice %arg3[%dma_wait3A_58, %dma_wait3A_59] : memref<1000000x128xf32, #tpu.memory_space<hbm>> -> memref<1000000x128xf32, #tpu.memory_space<hbm>>
      tpu.wait_indirect_dma semaphore(%arg8 : memref<!tpu.dma_semaphore, #tpu.memory_space<semaphore_mem>>) src(%dma_wait3A_60 : memref<1000000x128xf32, #tpu.memory_space<hbm>>) dst(%dma_wait3A_55 : memref<128x128xf32, #tpu.memory_space<vmem>>)
      %ge3A = arith.constant 2 : i32
      %ge3A_61 = arith.cmpi sge, %add3A_46, %ge3A : i32
      %convert_element_type3A_62 = arith.extui %ge3A_61 : i1 to i32
      %cond3A_63 = arith.constant 0 : i32
      %cond3A_64 = arith.cmpi ne, %convert_element_type3A_62, %cond3A_63 : i32
      scf.if %cond3A_64 {
        %dma_wait3A_135 = arith.constant 0 : i32
        %dma_wait3A_136 = arith.constant 0 : i32
        %dma_wait3A_137 = arith.constant 0 : i32
        %dma_wait3A_138 = tpu.memref_slice %arg7[%dma_wait3A_135, %dma_wait3A_136, %dma_wait3A_137] : memref<2x128x64xf32, #tpu.memory_space<vmem>> -> memref<1x128x64xf32, #tpu.memory_space<vmem>>
        %dma_wait3A_139 = tpu.memref_squeeze %dma_wait3A_138 : memref<1x128x64xf32, #tpu.memory_space<vmem>> -> memref<128x64xf32, #tpu.memory_space<vmem>>
        %dma_wait3A_140 = arith.constant 0 : i32
        %dma_wait3A_141 = tpu.memref_slice %arg4[%mul3A_2, %dma_wait3A_140] : memref<819200x64xf32, #tpu.memory_space<hbm>> -> memref<128x64xf32, #tpu.memory_space<hbm>>
        %dma_wait3A_142 = arith.constant 0 : i32
        %dma_wait3A_143 = tpu.memref_slice %arg4[%mul3A_2, %dma_wait3A_142] : memref<819200x64xf32, #tpu.memory_space<hbm>> -> memref<128x64xf32, #tpu.memory_space<hbm>>
        %dma_wait3A_144 = arith.constant 0 : i32
        %dma_wait3A_145 = arith.constant 0 : i32
        %dma_wait3A_146 = tpu.memref_slice %arg7[%dma_wait3A_135, %dma_wait3A_144, %dma_wait3A_145] : memref<2x128x64xf32, #tpu.memory_space<vmem>> -> memref<1x128x64xf32, #tpu.memory_space<vmem>>
        %dma_wait3A_147 = tpu.memref_squeeze %dma_wait3A_146 : memref<1x128x64xf32, #tpu.memory_space<vmem>> -> memref<128x64xf32, #tpu.memory_space<vmem>>
        tpu.wait_dma2 semaphore(%arg10 : memref<!tpu.dma_semaphore, #tpu.memory_space<semaphore_mem>>) src(%dma_wait3A_147 : memref<128x64xf32, #tpu.memory_space<vmem>>) dst(%dma_wait3A_143 : memref<128x64xf32, #tpu.memory_space<hbm>>)
      } else {
      }
      %scan3A_65 = arith.constant 0 : i32
      %scan3A_66 = arith.constant 0 : i32
      %scan3A_67 = arith.constant 8 : i32
      %scan3A_68 = arith.addi %scan3A_66, %scan3A_67 : i32
      %scan3A_69 = arith.constant 1 : i32
      scf.for %scan3A_135 = %scan3A_66 to %scan3A_68 step %scan3A_69  : i32 {
        %mul3A_136 = arith.constant 16 : i32
        %mul3A_137 = arith.muli %scan3A_135, %mul3A_136 : i32
        %add3A_138 = arith.constant 0 : i32
        %add3A_139 = arith.addi %mul3A_137, %add3A_138 : i32
        %get3A = arith.constant 0 : i32
        %get3A_140 = arith.index_cast %get3A : i32 to index
        %get3A_141 = arith.index_cast %add3A_139 : i32 to index
        %get3A_142 = arith.constant 0 : index
        %get3A_143 = tpu.vector_load %arg6[%get3A_140, %get3A_141, %get3A_142] {strides = array<i32>} : memref<2x128x128xf32, #tpu.memory_space<vmem>>, vector<1x1x16xf32>,
        %get3A_144 = vector.shape_cast %get3A_143 : vector<1x1x16xf32> to vector<16xf32>
        %swap3A = arith.constant 0 : i32
        %swap3A_145 = arith.index_cast %swap3A : i32 to index
        %swap3A_146 = arith.index_cast %add3A_139 : i32 to index
        %swap3A_147 = arith.constant 0 : index
        %swap3A_148 = tpu.vector_load %arg7[%swap3A_145, %swap3A_146, %swap3A_147] {strides = array<i32>} : memref<2x128x64xf32, #tpu.memory_space<vmem>>, vector<1x1x16xf32>,
        %swap3A_149 = vector.shape_cast %swap3A_148 : vector<1x1x16xf32> to vector<16xf32>
        %swap3A_150 = vector.shape_cast %get3A_144 : vector<16xf32> to vector<1x1x16xf32>
        tpu.vector_store %arg7[%swap3A_145, %swap3A_146, %swap3A_147], %swap3A_150 {strides = array<i32>} : memref<2x128x64xf32, #tpu.memory_space<vmem>>, vector<1x1x16xf32>,
        %get3A_151 = arith.constant 0 : i32
        %get3A_152 = arith.index_cast %get3A_151 : i32 to index
        %get3A_153 = arith.index_cast %add3A_139 : i32 to index
        %get3A_154 = arith.constant 16 : index
        %get3A_155 = tpu.vector_load %arg6[%get3A_152, %get3A_153, %get3A_154] {strides = array<i32>} : memref<2x128x128xf32, #tpu.memory_space<vmem>>, vector<1x1x16xf32>,
        %get3A_156 = vector.shape_cast %get3A_155 : vector<1x1x16xf32> to vector<16xf32>
        %swap3A_157 = arith.constant 0 : i32
        %swap3A_158 = arith.index_cast %swap3A_157 : i32 to index
        %swap3A_159 = arith.index_cast %add3A_139 : i32 to index
        %swap3A_160 = arith.constant 16 : index
        %swap3A_161 = tpu.vector_load %arg7[%swap3A_158, %swap3A_159, %swap3A_160] {strides = array<i32>} : memref<2x128x64xf32, #tpu.memory_space<vmem>>, vector<1x1x16xf32>,
        %swap3A_162 = vector.shape_cast %swap3A_161 : vector<1x1x16xf32> to vector<16xf32>
        %swap3A_163 = vector.shape_cast %get3A_156 : vector<16xf32> to vector<1x1x16xf32>
        tpu.vector_store %arg7[%swap3A_158, %swap3A_159, %swap3A_160], %swap3A_163 {strides = array<i32>} : memref<2x128x64xf32, #tpu.memory_space<vmem>>, vector<1x1x16xf32>,
        %get3A_164 = arith.constant 0 : i32
        %get3A_165 = arith.index_cast %get3A_164 : i32 to index
        %get3A_166 = arith.index_cast %add3A_139 : i32 to index
        %get3A_167 = arith.constant 32 : index
        %get3A_168 = tpu.vector_load %arg6[%get3A_165, %get3A_166, %get3A_167] {strides = array<i32>} : memref<2x128x128xf32, #tpu.memory_space<vmem>>, vector<1x1x16xf32>,
        %get3A_169 = vector.shape_cast %get3A_168 : vector<1x1x16xf32> to vector<16xf32>
        %swap3A_170 = arith.constant 0 : i32
        %swap3A_171 = arith.index_cast %swap3A_170 : i32 to index
        %swap3A_172 = arith.index_cast %add3A_139 : i32 to index
        %swap3A_173 = arith.constant 32 : index
        %swap3A_174 = tpu.vector_load %arg7[%swap3A_171, %swap3A_172, %swap3A_173] {strides = array<i32>} : memref<2x128x64xf32, #tpu.memory_space<vmem>>, vector<1x1x16xf32>,
        %swap3A_175 = vector.shape_cast %swap3A_174 : vector<1x1x16xf32> to vector<16xf32>
        %swap3A_176 = vector.shape_cast %get3A_169 : vector<16xf32> to vector<1x1x16xf32>
        tpu.vector_store %arg7[%swap3A_171, %swap3A_172, %swap3A_173], %swap3A_176 {strides = array<i32>} : memref<2x128x64xf32, #tpu.memory_space<vmem>>, vector<1x1x16xf32>,
        %get3A_177 = arith.constant 0 : i32
        %get3A_178 = arith.index_cast %get3A_177 : i32 to index
        %get3A_179 = arith.index_cast %add3A_139 : i32 to index
        %get3A_180 = arith.constant 48 : index
        %get3A_181 = tpu.vector_load %arg6[%get3A_178, %get3A_179, %get3A_180] {strides = array<i32>} : memref<2x128x128xf32, #tpu.memory_space<vmem>>, vector<1x1x16xf32>,
        %get3A_182 = vector.shape_cast %get3A_181 : vector<1x1x16xf32> to vector<16xf32>
        %swap3A_183 = arith.constant 0 : i32
        %swap3A_184 = arith.index_cast %swap3A_183 : i32 to index
        %swap3A_185 = arith.index_cast %add3A_139 : i32 to index
        %swap3A_186 = arith.constant 48 : index
        %swap3A_187 = tpu.vector_load %arg7[%swap3A_184, %swap3A_185, %swap3A_186] {strides = array<i32>} : memref<2x128x64xf32, #tpu.memory_space<vmem>>, vector<1x1x16xf32>,
        %swap3A_188 = vector.shape_cast %swap3A_187 : vector<1x1x16xf32> to vector<16xf32>
        %swap3A_189 = vector.shape_cast %get3A_182 : vector<16xf32> to vector<1x1x16xf32>
        tpu.vector_store %arg7[%swap3A_184, %swap3A_185, %swap3A_186], %swap3A_189 {strides = array<i32>} : memref<2x128x64xf32, #tpu.memory_space<vmem>>, vector<1x1x16xf32>,
        %mul3A_190 = arith.constant 16 : i32
        %mul3A_191 = arith.muli %scan3A_135, %mul3A_190 : i32
        %add3A_192 = arith.constant 1 : i32
        %add3A_193 = arith.addi %mul3A_191, %add3A_192 : i32
        %get3A_194 = arith.constant 0 : i32
        %get3A_195 = arith.index_cast %get3A_194 : i32 to index
        %get3A_196 = arith.index_cast %add3A_193 : i32 to index
        %get3A_197 = arith.constant 0 : index
        %get3A_198 = tpu.vector_load %arg6[%get3A_195, %get3A_196, %get3A_197] {strides = array<i32>} : memref<2x128x128xf32, #tpu.memory_space<vmem>>, vector<1x1x16xf32>,
        %get3A_199 = vector.shape_cast %get3A_198 : vector<1x1x16xf32> to vector<16xf32>
        %swap3A_200 = arith.constant 0 : i32
        %swap3A_201 = arith.index_cast %swap3A_200 : i32 to index
        %swap3A_202 = arith.index_cast %add3A_193 : i32 to index
        %swap3A_203 = arith.constant 0 : index
        %swap3A_204 = tpu.vector_load %arg7[%swap3A_201, %swap3A_202, %swap3A_203] {strides = array<i32>} : memref<2x128x64xf32, #tpu.memory_space<vmem>>, vector<1x1x16xf32>,
        %swap3A_205 = vector.shape_cast %swap3A_204 : vector<1x1x16xf32> to vector<16xf32>
        %swap3A_206 = vector.shape_cast %get3A_199 : vector<16xf32> to vector<1x1x16xf32>
        tpu.vector_store %arg7[%swap3A_201, %swap3A_202, %swap3A_203], %swap3A_206 {strides = array<i32>} : memref<2x128x64xf32, #tpu.memory_space<vmem>>, vector<1x1x16xf32>,
        %get3A_207 = arith.constant 0 : i32
        %get3A_208 = arith.index_cast %get3A_207 : i32 to index
        %get3A_209 = arith.index_cast %add3A_193 : i32 to index
        %get3A_210 = arith.constant 16 : index
        %get3A_211 = tpu.vector_load %arg6[%get3A_208, %get3A_209, %get3A_210] {strides = array<i32>} : memref<2x128x128xf32, #tpu.memory_space<vmem>>, vector<1x1x16xf32>,
        %get3A_212 = vector.shape_cast %get3A_211 : vector<1x1x16xf32> to vector<16xf32>
        %swap3A_213 = arith.constant 0 : i32
        %swap3A_214 = arith.index_cast %swap3A_213 : i32 to index
        %swap3A_215 = arith.index_cast %add3A_193 : i32 to index
        %swap3A_216 = arith.constant 16 : index
        %swap3A_217 = tpu.vector_load %arg7[%swap3A_214, %swap3A_215, %swap3A_216] {strides = array<i32>} : memref<2x128x64xf32, #tpu.memory_space<vmem>>, vector<1x1x16xf32>,
        %swap3A_218 = vector.shape_cast %swap3A_217 : vector<1x1x16xf32> to vector<16xf32>
        %swap3A_219 = vector.shape_cast %get3A_212 : vector<16xf32> to vector<1x1x16xf32>
        tpu.vector_store %arg7[%swap3A_214, %swap3A_215, %swap3A_216], %swap3A_219 {strides = array<i32>} : memref<2x128x64xf32, #tpu.memory_space<vmem>>, vector<1x1x16xf32>,
        %get3A_220 = arith.constant 0 : i32
        %get3A_221 = arith.index_cast %get3A_220 : i32 to index
        %get3A_222 = arith.index_cast %add3A_193 : i32 to index
        %get3A_223 = arith.constant 32 : index
        %get3A_224 = tpu.vector_load %arg6[%get3A_221, %get3A_222, %get3A_223] {strides = array<i32>} : memref<2x128x128xf32, #tpu.memory_space<vmem>>, vector<1x1x16xf32>,
        %get3A_225 = vector.shape_cast %get3A_224 : vector<1x1x16xf32> to vector<16xf32>
        %swap3A_226 = arith.constant 0 : i32
        %swap3A_227 = arith.index_cast %swap3A_226 : i32 to index
        %swap3A_228 = arith.index_cast %add3A_193 : i32 to index
        %swap3A_229 = arith.constant 32 : index
        %swap3A_230 = tpu.vector_load %arg7[%swap3A_227, %swap3A_228, %swap3A_229] {strides = array<i32>} : memref<2x128x64xf32, #tpu.memory_space<vmem>>, vector<1x1x16xf32>,
        %swap3A_231 = vector.shape_cast %swap3A_230 : vector<1x1x16xf32> to vector<16xf32>
        %swap3A_232 = vector.shape_cast %get3A_225 : vector<16xf32> to vector<1x1x16xf32>
        tpu.vector_store %arg7[%swap3A_227, %swap3A_228, %swap3A_229], %swap3A_232 {strides = array<i32>} : memref<2x128x64xf32, #tpu.memory_space<vmem>>, vector<1x1x16xf32>,
        %get3A_233 = arith.constant 0 : i32
        %get3A_234 = arith.index_cast %get3A_233 : i32 to index
        %get3A_235 = arith.index_cast %add3A_193 : i32 to index
        %get3A_236 = arith.constant 48 : index
        %get3A_237 = tpu.vector_load %arg6[%get3A_234, %get3A_235, %get3A_236] {strides = array<i32>} : memref<2x128x128xf32, #tpu.memory_space<vmem>>, vector<1x1x16xf32>,
        %get3A_238 = vector.shape_cast %get3A_237 : vector<1x1x16xf32> to vector<16xf32>
        %swap3A_239 = arith.constant 0 : i32
        %swap3A_240 = arith.index_cast %swap3A_239 : i32 to index
        %swap3A_241 = arith.index_cast %add3A_193 : i32 to index
        %swap3A_242 = arith.constant 48 : index
        %swap3A_243 = tpu.vector_load %arg7[%swap3A_240, %swap3A_241, %swap3A_242] {strides = array<i32>} : memref<2x128x64xf32, #tpu.memory_space<vmem>>, vector<1x1x16xf32>,
        %swap3A_244 = vector.shape_cast %swap3A_243 : vector<1x1x16xf32> to vector<16xf32>
        %swap3A_245 = vector.shape_cast %get3A_238 : vector<16xf32> to vector<1x1x16xf32>
        tpu.vector_store %arg7[%swap3A_240, %swap3A_241, %swap3A_242], %swap3A_245 {strides = array<i32>} : memref<2x128x64xf32, #tpu.memory_space<vmem>>, vector<1x1x16xf32>,
        %mul3A_246 = arith.constant 16 : i32
        %mul3A_247 = arith.muli %scan3A_135, %mul3A_246 : i32
        %add3A_248 = arith.constant 2 : i32
        %add3A_249 = arith.addi %mul3A_247, %add3A_248 : i32
        %get3A_250 = arith.constant 0 : i32
        %get3A_251 = arith.index_cast %get3A_250 : i32 to index
        %get3A_252 = arith.index_cast %add3A_249 : i32 to index
        %get3A_253 = arith.constant 0 : index
        %get3A_254 = tpu.vector_load %arg6[%get3A_251, %get3A_252, %get3A_253] {strides = array<i32>} : memref<2x128x128xf32, #tpu.memory_space<vmem>>, vector<1x1x16xf32>,
        %get3A_255 = vector.shape_cast %get3A_254 : vector<1x1x16xf32> to vector<16xf32>
        %swap3A_256 = arith.constant 0 : i32
        %swap3A_257 = arith.index_cast %swap3A_256 : i32 to index
        %swap3A_258 = arith.index_cast %add3A_249 : i32 to index
        %swap3A_259 = arith.constant 0 : index
        %swap3A_260 = tpu.vector_load %arg7[%swap3A_257, %swap3A_258, %swap3A_259] {strides = array<i32>} : memref<2x128x64xf32, #tpu.memory_space<vmem>>, vector<1x1x16xf32>,
        %swap3A_261 = vector.shape_cast %swap3A_260 : vector<1x1x16xf32> to vector<16xf32>
        %swap3A_262 = vector.shape_cast %get3A_255 : vector<16xf32> to vector<1x1x16xf32>
        tpu.vector_store %arg7[%swap3A_257, %swap3A_258, %swap3A_259], %swap3A_262 {strides = array<i32>} : memref<2x128x64xf32, #tpu.memory_space<vmem>>, vector<1x1x16xf32>,
        %get3A_263 = arith.constant 0 : i32
        %get3A_264 = arith.index_cast %get3A_263 : i32 to index
        %get3A_265 = arith.index_cast %add3A_249 : i32 to index
        %get3A_266 = arith.constant 16 : index
        %get3A_267 = tpu.vector_load %arg6[%get3A_264, %get3A_265, %get3A_266] {strides = array<i32>} : memref<2x128x128xf32, #tpu.memory_space<vmem>>, vector<1x1x16xf32>,
        %get3A_268 = vector.shape_cast %get3A_267 : vector<1x1x16xf32> to vector<16xf32>
        %swap3A_269 = arith.constant 0 : i32
        %swap3A_270 = arith.index_cast %swap3A_269 : i32 to index
        %swap3A_271 = arith.index_cast %add3A_249 : i32 to index
        %swap3A_272 = arith.constant 16 : index
        %swap3A_273 = tpu.vector_load %arg7[%swap3A_270, %swap3A_271, %swap3A_272] {strides = array<i32>} : memref<2x128x64xf32, #tpu.memory_space<vmem>>, vector<1x1x16xf32>,
        %swap3A_274 = vector.shape_cast %swap3A_273 : vector<1x1x16xf32> to vector<16xf32>
        %swap3A_275 = vector.shape_cast %get3A_268 : vector<16xf32> to vector<1x1x16xf32>
        tpu.vector_store %arg7[%swap3A_270, %swap3A_271, %swap3A_272], %swap3A_275 {strides = array<i32>} : memref<2x128x64xf32, #tpu.memory_space<vmem>>, vector<1x1x16xf32>,
        %get3A_276 = arith.constant 0 : i32
        %get3A_277 = arith.index_cast %get3A_276 : i32 to index
        %get3A_278 = arith.index_cast %add3A_249 : i32 to index
        %get3A_279 = arith.constant 32 : index
        %get3A_280 = tpu.vector_load %arg6[%get3A_277, %get3A_278, %get3A_279] {strides = array<i32>} : memref<2x128x128xf32, #tpu.memory_space<vmem>>, vector<1x1x16xf32>,
        %get3A_281 = vector.shape_cast %get3A_280 : vector<1x1x16xf32> to vector<16xf32>
        %swap3A_282 = arith.constant 0 : i32
        %swap3A_283 = arith.index_cast %swap3A_282 : i32 to index
        %swap3A_284 = arith.index_cast %add3A_249 : i32 to index
        %swap3A_285 = arith.constant 32 : index
        %swap3A_286 = tpu.vector_load %arg7[%swap3A_283, %swap3A_284, %swap3A_285] {strides = array<i32>} : memref<2x128x64xf32, #tpu.memory_space<vmem>>, vector<1x1x16xf32>,
        %swap3A_287 = vector.shape_cast %swap3A_286 : vector<1x1x16xf32> to vector<16xf32>
        %swap3A_288 = vector.shape_cast %get3A_281 : vector<16xf32> to vector<1x1x16xf32>
        tpu.vector_store %arg7[%swap3A_283, %swap3A_284, %swap3A_285], %swap3A_288 {strides = array<i32>} : memref<2x128x64xf32, #tpu.memory_space<vmem>>, vector<1x1x16xf32>,
        %get3A_289 = arith.constant 0 : i32
        %get3A_290 = arith.index_cast %get3A_289 : i32 to index
        %get3A_291 = arith.index_cast %add3A_249 : i32 to index
        %get3A_292 = arith.constant 48 : index
        %get3A_293 = tpu.vector_load %arg6[%get3A_290, %get3A_291, %get3A_292] {strides = array<i32>} : memref<2x128x128xf32, #tpu.memory_space<vmem>>, vector<1x1x16xf32>,
        %get3A_294 = vector.shape_cast %get3A_293 : vector<1x1x16xf32> to vector<16xf32>
        %swap3A_295 = arith.constant 0 : i32
        %swap3A_296 = arith.index_cast %swap3A_295 : i32 to index
        %swap3A_297 = arith.index_cast %add3A_249 : i32 to index
        %swap3A_298 = arith.constant 48 : index
        %swap3A_299 = tpu.vector_load %arg7[%swap3A_296, %swap3A_297, %swap3A_298] {strides = array<i32>} : memref<2x128x64xf32, #tpu.memory_space<vmem>>, vector<1x1x16xf32>,
        %swap3A_300 = vector.shape_cast %swap3A_299 : vector<1x1x16xf32> to vector<16xf32>
        %swap3A_301 = vector.shape_cast %get3A_294 : vector<16xf32> to vector<1x1x16xf32>
        tpu.vector_store %arg7[%swap3A_296, %swap3A_297, %swap3A_298], %swap3A_301 {strides = array<i32>} : memref<2x128x64xf32, #tpu.memory_space<vmem>>, vector<1x1x16xf32>,
        %mul3A_302 = arith.constant 16 : i32
        %mul3A_303 = arith.muli %scan3A_135, %mul3A_302 : i32
        %add3A_304 = arith.constant 3 : i32
        %add3A_305 = arith.addi %mul3A_303, %add3A_304 : i32
        %get3A_306 = arith.constant 0 : i32
        %get3A_307 = arith.index_cast %get3A_306 : i32 to index
        %get3A_308 = arith.index_cast %add3A_305 : i32 to index
        %get3A_309 = arith.constant 0 : index
        %get3A_310 = tpu.vector_load %arg6[%get3A_307, %get3A_308, %get3A_309] {strides = array<i32>} : memref<2x128x128xf32, #tpu.memory_space<vmem>>, vector<1x1x16xf32>,
        %get3A_311 = vector.shape_cast %get3A_310 : vector<1x1x16xf32> to vector<16xf32>
        %swap3A_312 = arith.constant 0 : i32
        %swap3A_313 = arith.index_cast %swap3A_312 : i32 to index
        %swap3A_314 = arith.index_cast %add3A_305 : i32 to index
        %swap3A_315 = arith.constant 0 : index
        %swap3A_316 = tpu.vector_load %arg7[%swap3A_313, %swap3A_314, %swap3A_315] {strides = array<i32>} : memref<2x128x64xf32, #tpu.memory_space<vmem>>, vector<1x1x16xf32>,
        %swap3A_317 = vector.shape_cast %swap3A_316 : vector<1x1x16xf32> to vector<16xf32>
        %swap3A_318 = vector.shape_cast %get3A_311 : vector<16xf32> to vector<1x1x16xf32>
        tpu.vector_store %arg7[%swap3A_313, %swap3A_314, %swap3A_315], %swap3A_318 {strides = array<i32>} : memref<2x128x64xf32, #tpu.memory_space<vmem>>, vector<1x1x16xf32>,
        %get3A_319 = arith.constant 0 : i32
        %get3A_320 = arith.index_cast %get3A_319 : i32 to index
        %get3A_321 = arith.index_cast %add3A_305 : i32 to index
        %get3A_322 = arith.constant 16 : index
        %get3A_323 = tpu.vector_load %arg6[%get3A_320, %get3A_321, %get3A_322] {strides = array<i32>} : memref<2x128x128xf32, #tpu.memory_space<vmem>>, vector<1x1x16xf32>,
        %get3A_324 = vector.shape_cast %get3A_323 : vector<1x1x16xf32> to vector<16xf32>
        %swap3A_325 = arith.constant 0 : i32
        %swap3A_326 = arith.index_cast %swap3A_325 : i32 to index
        %swap3A_327 = arith.index_cast %add3A_305 : i32 to index
        %swap3A_328 = arith.constant 16 : index
        %swap3A_329 = tpu.vector_load %arg7[%swap3A_326, %swap3A_327, %swap3A_328] {strides = array<i32>} : memref<2x128x64xf32, #tpu.memory_space<vmem>>, vector<1x1x16xf32>,
        %swap3A_330 = vector.shape_cast %swap3A_329 : vector<1x1x16xf32> to vector<16xf32>
        %swap3A_331 = vector.shape_cast %get3A_324 : vector<16xf32> to vector<1x1x16xf32>
        tpu.vector_store %arg7[%swap3A_326, %swap3A_327, %swap3A_328], %swap3A_331 {strides = array<i32>} : memref<2x128x64xf32, #tpu.memory_space<vmem>>, vector<1x1x16xf32>,
        %get3A_332 = arith.constant 0 : i32
        %get3A_333 = arith.index_cast %get3A_332 : i32 to index
        %get3A_334 = arith.index_cast %add3A_305 : i32 to index
        %get3A_335 = arith.constant 32 : index
        %get3A_336 = tpu.vector_load %arg6[%get3A_333, %get3A_334, %get3A_335] {strides = array<i32>} : memref<2x128x128xf32, #tpu.memory_space<vmem>>, vector<1x1x16xf32>,
        %get3A_337 = vector.shape_cast %get3A_336 : vector<1x1x16xf32> to vector<16xf32>
        %swap3A_338 = arith.constant 0 : i32
        %swap3A_339 = arith.index_cast %swap3A_338 : i32 to index
        %swap3A_340 = arith.index_cast %add3A_305 : i32 to index
        %swap3A_341 = arith.constant 32 : index
        %swap3A_342 = tpu.vector_load %arg7[%swap3A_339, %swap3A_340, %swap3A_341] {strides = array<i32>} : memref<2x128x64xf32, #tpu.memory_space<vmem>>, vector<1x1x16xf32>,
        %swap3A_343 = vector.shape_cast %swap3A_342 : vector<1x1x16xf32> to vector<16xf32>
        %swap3A_344 = vector.shape_cast %get3A_337 : vector<16xf32> to vector<1x1x16xf32>
        tpu.vector_store %arg7[%swap3A_339, %swap3A_340, %swap3A_341], %swap3A_344 {strides = array<i32>} : memref<2x128x64xf32, #tpu.memory_space<vmem>>, vector<1x1x16xf32>,
        %get3A_345 = arith.constant 0 : i32
        %get3A_346 = arith.index_cast %get3A_345 : i32 to index
        %get3A_347 = arith.index_cast %add3A_305 : i32 to index
        %get3A_348 = arith.constant 48 : index
        %get3A_349 = tpu.vector_load %arg6[%get3A_346, %get3A_347, %get3A_348] {strides = array<i32>} : memref<2x128x128xf32, #tpu.memory_space<vmem>>, vector<1x1x16xf32>,
        %get3A_350 = vector.shape_cast %get3A_349 : vector<1x1x16xf32> to vector<16xf32>
        %swap3A_351 = arith.constant 0 : i32
        %swap3A_352 = arith.index_cast %swap3A_351 : i32 to index
        %swap3A_353 = arith.index_cast %add3A_305 : i32 to index
        %swap3A_354 = arith.constant 48 : index
        %swap3A_355 = tpu.vector_load %arg7[%swap3A_352, %swap3A_353, %swap3A_354] {strides = array<i32>} : memref<2x128x64xf32, #tpu.memory_space<vmem>>, vector<1x1x16xf32>,
        %swap3A_356 = vector.shape_cast %swap3A_355 : vector<1x1x16xf32> to vector<16xf32>
        %swap3A_357 = vector.shape_cast %get3A_350 : vector<16xf32> to vector<1x1x16xf32>
        tpu.vector_store %arg7[%swap3A_352, %swap3A_353, %swap3A_354], %swap3A_357 {strides = array<i32>} : memref<2x128x64xf32, #tpu.memory_space<vmem>>, vector<1x1x16xf32>,
        %mul3A_358 = arith.constant 16 : i32
        %mul3A_359 = arith.muli %scan3A_135, %mul3A_358 : i32
        %add3A_360 = arith.constant 4 : i32
        %add3A_361 = arith.addi %mul3A_359, %add3A_360 : i32
        %get3A_362 = arith.constant 0 : i32
        %get3A_363 = arith.index_cast %get3A_362 : i32 to index
        %get3A_364 = arith.index_cast %add3A_361 : i32 to index
        %get3A_365 = arith.constant 0 : index
        %get3A_366 = tpu.vector_load %arg6[%get3A_363, %get3A_364, %get3A_365] {strides = array<i32>} : memref<2x128x128xf32, #tpu.memory_space<vmem>>, vector<1x1x16xf32>,
        %get3A_367 = vector.shape_cast %get3A_366 : vector<1x1x16xf32> to vector<16xf32>
        %swap3A_368 = arith.constant 0 : i32
        %swap3A_369 = arith.index_cast %swap3A_368 : i32 to index
        %swap3A_370 = arith.index_cast %add3A_361 : i32 to index
        %swap3A_371 = arith.constant 0 : index
        %swap3A_372 = tpu.vector_load %arg7[%swap3A_369, %swap3A_370, %swap3A_371] {strides = array<i32>} : memref<2x128x64xf32, #tpu.memory_space<vmem>>, vector<1x1x16xf32>,
        %swap3A_373 = vector.shape_cast %swap3A_372 : vector<1x1x16xf32> to vector<16xf32>
        %swap3A_374 = vector.shape_cast %get3A_367 : vector<16xf32> to vector<1x1x16xf32>
        tpu.vector_store %arg7[%swap3A_369, %swap3A_370, %swap3A_371], %swap3A_374 {strides = array<i32>} : memref<2x128x64xf32, #tpu.memory_space<vmem>>, vector<1x1x16xf32>,
        %get3A_375 = arith.constant 0 : i32
        %get3A_376 = arith.index_cast %get3A_375 : i32 to index
        %get3A_377 = arith.index_cast %add3A_361 : i32 to index
        %get3A_378 = arith.constant 16 : index
        %get3A_379 = tpu.vector_load %arg6[%get3A_376, %get3A_377, %get3A_378] {strides = array<i32>} : memref<2x128x128xf32, #tpu.memory_space<vmem>>, vector<1x1x16xf32>,
        %get3A_380 = vector.shape_cast %get3A_379 : vector<1x1x16xf32> to vector<16xf32>
        %swap3A_381 = arith.constant 0 : i32
        %swap3A_382 = arith.index_cast %swap3A_381 : i32 to index
        %swap3A_383 = arith.index_cast %add3A_361 : i32 to index
        %swap3A_384 = arith.constant 16 : index
        %swap3A_385 = tpu.vector_load %arg7[%swap3A_382, %swap3A_383, %swap3A_384] {strides = array<i32>} : memref<2x128x64xf32, #tpu.memory_space<vmem>>, vector<1x1x16xf32>,
        %swap3A_386 = vector.shape_cast %swap3A_385 : vector<1x1x16xf32> to vector<16xf32>
        %swap3A_387 = vector.shape_cast %get3A_380 : vector<16xf32> to vector<1x1x16xf32>
        tpu.vector_store %arg7[%swap3A_382, %swap3A_383, %swap3A_384], %swap3A_387 {strides = array<i32>} : memref<2x128x64xf32, #tpu.memory_space<vmem>>, vector<1x1x16xf32>,
        %get3A_388 = arith.constant 0 : i32
        %get3A_389 = arith.index_cast %get3A_388 : i32 to index
        %get3A_390 = arith.index_cast %add3A_361 : i32 to index
        %get3A_391 = arith.constant 32 : index
        %get3A_392 = tpu.vector_load %arg6[%get3A_389, %get3A_390, %get3A_391] {strides = array<i32>} : memref<2x128x128xf32, #tpu.memory_space<vmem>>, vector<1x1x16xf32>,
        %get3A_393 = vector.shape_cast %get3A_392 : vector<1x1x16xf32> to vector<16xf32>
        %swap3A_394 = arith.constant 0 : i32
        %swap3A_395 = arith.index_cast %swap3A_394 : i32 to index
        %swap3A_396 = arith.index_cast %add3A_361 : i32 to index
        %swap3A_397 = arith.constant 32 : index
        %swap3A_398 = tpu.vector_load %arg7[%swap3A_395, %swap3A_396, %swap3A_397] {strides = array<i32>} : memref<2x128x64xf32, #tpu.memory_space<vmem>>, vector<1x1x16xf32>,
        %swap3A_399 = vector.shape_cast %swap3A_398 : vector<1x1x16xf32> to vector<16xf32>
        %swap3A_400 = vector.shape_cast %get3A_393 : vector<16xf32> to vector<1x1x16xf32>
        tpu.vector_store %arg7[%swap3A_395, %swap3A_396, %swap3A_397], %swap3A_400 {strides = array<i32>} : memref<2x128x64xf32, #tpu.memory_space<vmem>>, vector<1x1x16xf32>,
        %get3A_401 = arith.constant 0 : i32
        %get3A_402 = arith.index_cast %get3A_401 : i32 to index
        %get3A_403 = arith.index_cast %add3A_361 : i32 to index
        %get3A_404 = arith.constant 48 : index
        %get3A_405 = tpu.vector_load %arg6[%get3A_402, %get3A_403, %get3A_404] {strides = array<i32>} : memref<2x128x128xf32, #tpu.memory_space<vmem>>, vector<1x1x16xf32>,
        %get3A_406 = vector.shape_cast %get3A_405 : vector<1x1x16xf32> to vector<16xf32>
        %swap3A_407 = arith.constant 0 : i32
        %swap3A_408 = arith.index_cast %swap3A_407 : i32 to index
        %swap3A_409 = arith.index_cast %add3A_361 : i32 to index
        %swap3A_410 = arith.constant 48 : index
        %swap3A_411 = tpu.vector_load %arg7[%swap3A_408, %swap3A_409, %swap3A_410] {strides = array<i32>} : memref<2x128x64xf32, #tpu.memory_space<vmem>>, vector<1x1x16xf32>,
        %swap3A_412 = vector.shape_cast %swap3A_411 : vector<1x1x16xf32> to vector<16xf32>
        %swap3A_413 = vector.shape_cast %get3A_406 : vector<16xf32> to vector<1x1x16xf32>
        tpu.vector_store %arg7[%swap3A_408, %swap3A_409, %swap3A_410], %swap3A_413 {strides = array<i32>} : memref<2x128x64xf32, #tpu.memory_space<vmem>>, vector<1x1x16xf32>,
        %mul3A_414 = arith.constant 16 : i32
        %mul3A_415 = arith.muli %scan3A_135, %mul3A_414 : i32
        %add3A_416 = arith.constant 5 : i32
        %add3A_417 = arith.addi %mul3A_415, %add3A_416 : i32
        %get3A_418 = arith.constant 0 : i32
        %get3A_419 = arith.index_cast %get3A_418 : i32 to index
        %get3A_420 = arith.index_cast %add3A_417 : i32 to index
        %get3A_421 = arith.constant 0 : index
        %get3A_422 = tpu.vector_load %arg6[%get3A_419, %get3A_420, %get3A_421] {strides = array<i32>} : memref<2x128x128xf32, #tpu.memory_space<vmem>>, vector<1x1x16xf32>,
        %get3A_423 = vector.shape_cast %get3A_422 : vector<1x1x16xf32> to vector<16xf32>
        %swap3A_424 = arith.constant 0 : i32
        %swap3A_425 = arith.index_cast %swap3A_424 : i32 to index
        %swap3A_426 = arith.index_cast %add3A_417 : i32 to index
        %swap3A_427 = arith.constant 0 : index
        %swap3A_428 = tpu.vector_load %arg7[%swap3A_425, %swap3A_426, %swap3A_427] {strides = array<i32>} : memref<2x128x64xf32, #tpu.memory_space<vmem>>, vector<1x1x16xf32>,
        %swap3A_429 = vector.shape_cast %swap3A_428 : vector<1x1x16xf32> to vector<16xf32>
        %swap3A_430 = vector.shape_cast %get3A_423 : vector<16xf32> to vector<1x1x16xf32>
        tpu.vector_store %arg7[%swap3A_425, %swap3A_426, %swap3A_427], %swap3A_430 {strides = array<i32>} : memref<2x128x64xf32, #tpu.memory_space<vmem>>, vector<1x1x16xf32>,
        %get3A_431 = arith.constant 0 : i32
        %get3A_432 = arith.index_cast %get3A_431 : i32 to index
        %get3A_433 = arith.index_cast %add3A_417 : i32 to index
        %get3A_434 = arith.constant 16 : index
        %get3A_435 = tpu.vector_load %arg6[%get3A_432, %get3A_433, %get3A_434] {strides = array<i32>} : memref<2x128x128xf32, #tpu.memory_space<vmem>>, vector<1x1x16xf32>,
        %get3A_436 = vector.shape_cast %get3A_435 : vector<1x1x16xf32> to vector<16xf32>
        %swap3A_437 = arith.constant 0 : i32
        %swap3A_438 = arith.index_cast %swap3A_437 : i32 to index
        %swap3A_439 = arith.index_cast %add3A_417 : i32 to index
        %swap3A_440 = arith.constant 16 : index
        %swap3A_441 = tpu.vector_load %arg7[%swap3A_438, %swap3A_439, %swap3A_440] {strides = array<i32>} : memref<2x128x64xf32, #tpu.memory_space<vmem>>, vector<1x1x16xf32>,
        %swap3A_442 = vector.shape_cast %swap3A_441 : vector<1x1x16xf32> to vector<16xf32>
        %swap3A_443 = vector.shape_cast %get3A_436 : vector<16xf32> to vector<1x1x16xf32>
        tpu.vector_store %arg7[%swap3A_438, %swap3A_439, %swap3A_440], %swap3A_443 {strides = array<i32>} : memref<2x128x64xf32, #tpu.memory_space<vmem>>, vector<1x1x16xf32>,
        %get3A_444 = arith.constant 0 : i32
        %get3A_445 = arith.index_cast %get3A_444 : i32 to index
        %get3A_446 = arith.index_cast %add3A_417 : i32 to index
        %get3A_447 = arith.constant 32 : index
        %get3A_448 = tpu.vector_load %arg6[%get3A_445, %get3A_446, %get3A_447] {strides = array<i32>} : memref<2x128x128xf32, #tpu.memory_space<vmem>>, vector<1x1x16xf32>,
        %get3A_449 = vector.shape_cast %get3A_448 : vector<1x1x16xf32> to vector<16xf32>
        %swap3A_450 = arith.constant 0 : i32
        %swap3A_451 = arith.index_cast %swap3A_450 : i32 to index
        %swap3A_452 = arith.index_cast %add3A_417 : i32 to index
        %swap3A_453 = arith.constant 32 : index
        %swap3A_454 = tpu.vector_load %arg7[%swap3A_451, %swap3A_452, %swap3A_453] {strides = array<i32>} : memref<2x128x64xf32, #tpu.memory_space<vmem>>, vector<1x1x16xf32>,
        %swap3A_455 = vector.shape_cast %swap3A_454 : vector<1x1x16xf32> to vector<16xf32>
        %swap3A_456 = vector.shape_cast %get3A_449 : vector<16xf32> to vector<1x1x16xf32>
        tpu.vector_store %arg7[%swap3A_451, %swap3A_452, %swap3A_453], %swap3A_456 {strides = array<i32>} : memref<2x128x64xf32, #tpu.memory_space<vmem>>, vector<1x1x16xf32>,
        %get3A_457 = arith.constant 0 : i32
        %get3A_458 = arith.index_cast %get3A_457 : i32 to index
        %get3A_459 = arith.index_cast %add3A_417 : i32 to index
        %get3A_460 = arith.constant 48 : index
        %get3A_461 = tpu.vector_load %arg6[%get3A_458, %get3A_459, %get3A_460] {strides = array<i32>} : memref<2x128x128xf32, #tpu.memory_space<vmem>>, vector<1x1x16xf32>,
        %get3A_462 = vector.shape_cast %get3A_461 : vector<1x1x16xf32> to vector<16xf32>
        %swap3A_463 = arith.constant 0 : i32
        %swap3A_464 = arith.index_cast %swap3A_463 : i32 to index
        %swap3A_465 = arith.index_cast %add3A_417 : i32 to index
        %swap3A_466 = arith.constant 48 : index
        %swap3A_467 = tpu.vector_load %arg7[%swap3A_464, %swap3A_465, %swap3A_466] {strides = array<i32>} : memref<2x128x64xf32, #tpu.memory_space<vmem>>, vector<1x1x16xf32>,
        %swap3A_468 = vector.shape_cast %swap3A_467 : vector<1x1x16xf32> to vector<16xf32>
        %swap3A_469 = vector.shape_cast %get3A_462 : vector<16xf32> to vector<1x1x16xf32>
        tpu.vector_store %arg7[%swap3A_464, %swap3A_465, %swap3A_466], %swap3A_469 {strides = array<i32>} : memref<2x128x64xf32, #tpu.memory_space<vmem>>, vector<1x1x16xf32>,
        %mul3A_470 = arith.constant 16 : i32
        %mul3A_471 = arith.muli %scan3A_135, %mul3A_470 : i32
        %add3A_472 = arith.constant 6 : i32
        %add3A_473 = arith.addi %mul3A_471, %add3A_472 : i32
        %get3A_474 = arith.constant 0 : i32
        %get3A_475 = arith.index_cast %get3A_474 : i32 to index
        %get3A_476 = arith.index_cast %add3A_473 : i32 to index
        %get3A_477 = arith.constant 0 : index
        %get3A_478 = tpu.vector_load %arg6[%get3A_475, %get3A_476, %get3A_477] {strides = array<i32>} : memref<2x128x128xf32, #tpu.memory_space<vmem>>, vector<1x1x16xf32>,
        %get3A_479 = vector.shape_cast %get3A_478 : vector<1x1x16xf32> to vector<16xf32>
        %swap3A_480 = arith.constant 0 : i32
        %swap3A_481 = arith.index_cast %swap3A_480 : i32 to index
        %swap3A_482 = arith.index_cast %add3A_473 : i32 to index
        %swap3A_483 = arith.constant 0 : index
        %swap3A_484 = tpu.vector_load %arg7[%swap3A_481, %swap3A_482, %swap3A_483] {strides = array<i32>} : memref<2x128x64xf32, #tpu.memory_space<vmem>>, vector<1x1x16xf32>,
        %swap3A_485 = vector.shape_cast %swap3A_484 : vector<1x1x16xf32> to vector<16xf32>
        %swap3A_486 = vector.shape_cast %get3A_479 : vector<16xf32> to vector<1x1x16xf32>
        tpu.vector_store %arg7[%swap3A_481, %swap3A_482, %swap3A_483], %swap3A_486 {strides = array<i32>} : memref<2x128x64xf32, #tpu.memory_space<vmem>>, vector<1x1x16xf32>,
        %get3A_487 = arith.constant 0 : i32
        %get3A_488 = arith.index_cast %get3A_487 : i32 to index
        %get3A_489 = arith.index_cast %add3A_473 : i32 to index
        %get3A_490 = arith.constant 16 : index
        %get3A_491 = tpu.vector_load %arg6[%get3A_488, %get3A_489, %get3A_490] {strides = array<i32>} : memref<2x128x128xf32, #tpu.memory_space<vmem>>, vector<1x1x16xf32>,
        %get3A_492 = vector.shape_cast %get3A_491 : vector<1x1x16xf32> to vector<16xf32>
        %swap3A_493 = arith.constant 0 : i32
        %swap3A_494 = arith.index_cast %swap3A_493 : i32 to index
        %swap3A_495 = arith.index_cast %add3A_473 : i32 to index
        %swap3A_496 = arith.constant 16 : index
        %swap3A_497 = tpu.vector_load %arg7[%swap3A_494, %swap3A_495, %swap3A_496] {strides = array<i32>} : memref<2x128x64xf32, #tpu.memory_space<vmem>>, vector<1x1x16xf32>,
        %swap3A_498 = vector.shape_cast %swap3A_497 : vector<1x1x16xf32> to vector<16xf32>
        %swap3A_499 = vector.shape_cast %get3A_492 : vector<16xf32> to vector<1x1x16xf32>
        tpu.vector_store %arg7[%swap3A_494, %swap3A_495, %swap3A_496], %swap3A_499 {strides = array<i32>} : memref<2x128x64xf32, #tpu.memory_space<vmem>>, vector<1x1x16xf32>,
        %get3A_500 = arith.constant 0 : i32
        %get3A_501 = arith.index_cast %get3A_500 : i32 to index
        %get3A_502 = arith.index_cast %add3A_473 : i32 to index
        %get3A_503 = arith.constant 32 : index
        %get3A_504 = tpu.vector_load %arg6[%get3A_501, %get3A_502, %get3A_503] {strides = array<i32>} : memref<2x128x128xf32, #tpu.memory_space<vmem>>, vector<1x1x16xf32>,
        %get3A_505 = vector.shape_cast %get3A_504 : vector<1x1x16xf32> to vector<16xf32>
        %swap3A_506 = arith.constant 0 : i32
        %swap3A_507 = arith.index_cast %swap3A_506 : i32 to index
        %swap3A_508 = arith.index_cast %add3A_473 : i32 to index
        %swap3A_509 = arith.constant 32 : index
        %swap3A_510 = tpu.vector_load %arg7[%swap3A_507, %swap3A_508, %swap3A_509] {strides = array<i32>} : memref<2x128x64xf32, #tpu.memory_space<vmem>>, vector<1x1x16xf32>,
        %swap3A_511 = vector.shape_cast %swap3A_510 : vector<1x1x16xf32> to vector<16xf32>
        %swap3A_512 = vector.shape_cast %get3A_505 : vector<16xf32> to vector<1x1x16xf32>
        tpu.vector_store %arg7[%swap3A_507, %swap3A_508, %swap3A_509], %swap3A_512 {strides = array<i32>} : memref<2x128x64xf32, #tpu.memory_space<vmem>>, vector<1x1x16xf32>,
        %get3A_513 = arith.constant 0 : i32
        %get3A_514 = arith.index_cast %get3A_513 : i32 to index
        %get3A_515 = arith.index_cast %add3A_473 : i32 to index
        %get3A_516 = arith.constant 48 : index
        %get3A_517 = tpu.vector_load %arg6[%get3A_514, %get3A_515, %get3A_516] {strides = array<i32>} : memref<2x128x128xf32, #tpu.memory_space<vmem>>, vector<1x1x16xf32>,
        %get3A_518 = vector.shape_cast %get3A_517 : vector<1x1x16xf32> to vector<16xf32>
        %swap3A_519 = arith.constant 0 : i32
        %swap3A_520 = arith.index_cast %swap3A_519 : i32 to index
        %swap3A_521 = arith.index_cast %add3A_473 : i32 to index
        %swap3A_522 = arith.constant 48 : index
        %swap3A_523 = tpu.vector_load %arg7[%swap3A_520, %swap3A_521, %swap3A_522] {strides = array<i32>} : memref<2x128x64xf32, #tpu.memory_space<vmem>>, vector<1x1x16xf32>,
        %swap3A_524 = vector.shape_cast %swap3A_523 : vector<1x1x16xf32> to vector<16xf32>
        %swap3A_525 = vector.shape_cast %get3A_518 : vector<16xf32> to vector<1x1x16xf32>
        tpu.vector_store %arg7[%swap3A_520, %swap3A_521, %swap3A_522], %swap3A_525 {strides = array<i32>} : memref<2x128x64xf32, #tpu.memory_space<vmem>>, vector<1x1x16xf32>,
        %mul3A_526 = arith.constant 16 : i32
        %mul3A_527 = arith.muli %scan3A_135, %mul3A_526 : i32
        %add3A_528 = arith.constant 7 : i32
        %add3A_529 = arith.addi %mul3A_527, %add3A_528 : i32
        %get3A_530 = arith.constant 0 : i32
        %get3A_531 = arith.index_cast %get3A_530 : i32 to index
        %get3A_532 = arith.index_cast %add3A_529 : i32 to index
        %get3A_533 = arith.constant 0 : index
        %get3A_534 = tpu.vector_load %arg6[%get3A_531, %get3A_532, %get3A_533] {strides = array<i32>} : memref<2x128x128xf32, #tpu.memory_space<vmem>>, vector<1x1x16xf32>,
        %get3A_535 = vector.shape_cast %get3A_534 : vector<1x1x16xf32> to vector<16xf32>
        %swap3A_536 = arith.constant 0 : i32
        %swap3A_537 = arith.index_cast %swap3A_536 : i32 to index
        %swap3A_538 = arith.index_cast %add3A_529 : i32 to index
        %swap3A_539 = arith.constant 0 : index
        %swap3A_540 = tpu.vector_load %arg7[%swap3A_537, %swap3A_538, %swap3A_539] {strides = array<i32>} : memref<2x128x64xf32, #tpu.memory_space<vmem>>, vector<1x1x16xf32>,
        %swap3A_541 = vector.shape_cast %swap3A_540 : vector<1x1x16xf32> to vector<16xf32>
        %swap3A_542 = vector.shape_cast %get3A_535 : vector<16xf32> to vector<1x1x16xf32>
        tpu.vector_store %arg7[%swap3A_537, %swap3A_538, %swap3A_539], %swap3A_542 {strides = array<i32>} : memref<2x128x64xf32, #tpu.memory_space<vmem>>, vector<1x1x16xf32>,
        %get3A_543 = arith.constant 0 : i32
        %get3A_544 = arith.index_cast %get3A_543 : i32 to index
        %get3A_545 = arith.index_cast %add3A_529 : i32 to index
        %get3A_546 = arith.constant 16 : index
        %get3A_547 = tpu.vector_load %arg6[%get3A_544, %get3A_545, %get3A_546] {strides = array<i32>} : memref<2x128x128xf32, #tpu.memory_space<vmem>>, vector<1x1x16xf32>,
        %get3A_548 = vector.shape_cast %get3A_547 : vector<1x1x16xf32> to vector<16xf32>
        %swap3A_549 = arith.constant 0 : i32
        %swap3A_550 = arith.index_cast %swap3A_549 : i32 to index
        %swap3A_551 = arith.index_cast %add3A_529 : i32 to index
        %swap3A_552 = arith.constant 16 : index
        %swap3A_553 = tpu.vector_load %arg7[%swap3A_550, %swap3A_551, %swap3A_552] {strides = array<i32>} : memref<2x128x64xf32, #tpu.memory_space<vmem>>, vector<1x1x16xf32>,
        %swap3A_554 = vector.shape_cast %swap3A_553 : vector<1x1x16xf32> to vector<16xf32>
        %swap3A_555 = vector.shape_cast %get3A_548 : vector<16xf32> to vector<1x1x16xf32>
        tpu.vector_store %arg7[%swap3A_550, %swap3A_551, %swap3A_552], %swap3A_555 {strides = array<i32>} : memref<2x128x64xf32, #tpu.memory_space<vmem>>, vector<1x1x16xf32>,
        %get3A_556 = arith.constant 0 : i32
        %get3A_557 = arith.index_cast %get3A_556 : i32 to index
        %get3A_558 = arith.index_cast %add3A_529 : i32 to index
        %get3A_559 = arith.constant 32 : index
        %get3A_560 = tpu.vector_load %arg6[%get3A_557, %get3A_558, %get3A_559] {strides = array<i32>} : memref<2x128x128xf32, #tpu.memory_space<vmem>>, vector<1x1x16xf32>,
        %get3A_561 = vector.shape_cast %get3A_560 : vector<1x1x16xf32> to vector<16xf32>
        %swap3A_562 = arith.constant 0 : i32
        %swap3A_563 = arith.index_cast %swap3A_562 : i32 to index
        %swap3A_564 = arith.index_cast %add3A_529 : i32 to index
        %swap3A_565 = arith.constant 32 : index
        %swap3A_566 = tpu.vector_load %arg7[%swap3A_563, %swap3A_564, %swap3A_565] {strides = array<i32>} : memref<2x128x64xf32, #tpu.memory_space<vmem>>, vector<1x1x16xf32>,
        %swap3A_567 = vector.shape_cast %swap3A_566 : vector<1x1x16xf32> to vector<16xf32>
        %swap3A_568 = vector.shape_cast %get3A_561 : vector<16xf32> to vector<1x1x16xf32>
        tpu.vector_store %arg7[%swap3A_563, %swap3A_564, %swap3A_565], %swap3A_568 {strides = array<i32>} : memref<2x128x64xf32, #tpu.memory_space<vmem>>, vector<1x1x16xf32>,
        %get3A_569 = arith.constant 0 : i32
        %get3A_570 = arith.index_cast %get3A_569 : i32 to index
        %get3A_571 = arith.index_cast %add3A_529 : i32 to index
        %get3A_572 = arith.constant 48 : index
        %get3A_573 = tpu.vector_load %arg6[%get3A_570, %get3A_571, %get3A_572] {strides = array<i32>} : memref<2x128x128xf32, #tpu.memory_space<vmem>>, vector<1x1x16xf32>,
        %get3A_574 = vector.shape_cast %get3A_573 : vector<1x1x16xf32> to vector<16xf32>
        %swap3A_575 = arith.constant 0 : i32
        %swap3A_576 = arith.index_cast %swap3A_575 : i32 to index
        %swap3A_577 = arith.index_cast %add3A_529 : i32 to index
        %swap3A_578 = arith.constant 48 : index
        %swap3A_579 = tpu.vector_load %arg7[%swap3A_576, %swap3A_577, %swap3A_578] {strides = array<i32>} : memref<2x128x64xf32, #tpu.memory_space<vmem>>, vector<1x1x16xf32>,
        %swap3A_580 = vector.shape_cast %swap3A_579 : vector<1x1x16xf32> to vector<16xf32>
        %swap3A_581 = vector.shape_cast %get3A_574 : vector<16xf32> to vector<1x1x16xf32>
        tpu.vector_store %arg7[%swap3A_576, %swap3A_577, %swap3A_578], %swap3A_581 {strides = array<i32>} : memref<2x128x64xf32, #tpu.memory_space<vmem>>, vector<1x1x16xf32>,
        %mul3A_582 = arith.constant 16 : i32
        %mul3A_583 = arith.muli %scan3A_135, %mul3A_582 : i32
        %add3A_584 = arith.constant 8 : i32
        %add3A_585 = arith.addi %mul3A_583, %add3A_584 : i32
        %get3A_586 = arith.constant 0 : i32
        %get3A_587 = arith.index_cast %get3A_586 : i32 to index
        %get3A_588 = arith.index_cast %add3A_585 : i32 to index
        %get3A_589 = arith.constant 0 : index
        %get3A_590 = tpu.vector_load %arg6[%get3A_587, %get3A_588, %get3A_589] {strides = array<i32>} : memref<2x128x128xf32, #tpu.memory_space<vmem>>, vector<1x1x16xf32>,
        %get3A_591 = vector.shape_cast %get3A_590 : vector<1x1x16xf32> to vector<16xf32>
        %swap3A_592 = arith.constant 0 : i32
        %swap3A_593 = arith.index_cast %swap3A_592 : i32 to index
        %swap3A_594 = arith.index_cast %add3A_585 : i32 to index
        %swap3A_595 = arith.constant 0 : index
        %swap3A_596 = tpu.vector_load %arg7[%swap3A_593, %swap3A_594, %swap3A_595] {strides = array<i32>} : memref<2x128x64xf32, #tpu.memory_space<vmem>>, vector<1x1x16xf32>,
        %swap3A_597 = vector.shape_cast %swap3A_596 : vector<1x1x16xf32> to vector<16xf32>
        %swap3A_598 = vector.shape_cast %get3A_591 : vector<16xf32> to vector<1x1x16xf32>
        tpu.vector_store %arg7[%swap3A_593, %swap3A_594, %swap3A_595], %swap3A_598 {strides = array<i32>} : memref<2x128x64xf32, #tpu.memory_space<vmem>>, vector<1x1x16xf32>,
        %get3A_599 = arith.constant 0 : i32
        %get3A_600 = arith.index_cast %get3A_599 : i32 to index
        %get3A_601 = arith.index_cast %add3A_585 : i32 to index
        %get3A_602 = arith.constant 16 : index
        %get3A_603 = tpu.vector_load %arg6[%get3A_600, %get3A_601, %get3A_602] {strides = array<i32>} : memref<2x128x128xf32, #tpu.memory_space<vmem>>, vector<1x1x16xf32>,
        %get3A_604 = vector.shape_cast %get3A_603 : vector<1x1x16xf32> to vector<16xf32>
        %swap3A_605 = arith.constant 0 : i32
        %swap3A_606 = arith.index_cast %swap3A_605 : i32 to index
        %swap3A_607 = arith.index_cast %add3A_585 : i32 to index
        %swap3A_608 = arith.constant 16 : index
        %swap3A_609 = tpu.vector_load %arg7[%swap3A_606, %swap3A_607, %swap3A_608] {strides = array<i32>} : memref<2x128x64xf32, #tpu.memory_space<vmem>>, vector<1x1x16xf32>,
        %swap3A_610 = vector.shape_cast %swap3A_609 : vector<1x1x16xf32> to vector<16xf32>
        %swap3A_611 = vector.shape_cast %get3A_604 : vector<16xf32> to vector<1x1x16xf32>
        tpu.vector_store %arg7[%swap3A_606, %swap3A_607, %swap3A_608], %swap3A_611 {strides = array<i32>} : memref<2x128x64xf32, #tpu.memory_space<vmem>>, vector<1x1x16xf32>,
        %get3A_612 = arith.constant 0 : i32
        %get3A_613 = arith.index_cast %get3A_612 : i32 to index
        %get3A_614 = arith.index_cast %add3A_585 : i32 to index
        %get3A_615 = arith.constant 32 : index
        %get3A_616 = tpu.vector_load %arg6[%get3A_613, %get3A_614, %get3A_615] {strides = array<i32>} : memref<2x128x128xf32, #tpu.memory_space<vmem>>, vector<1x1x16xf32>,
        %get3A_617 = vector.shape_cast %get3A_616 : vector<1x1x16xf32> to vector<16xf32>
        %swap3A_618 = arith.constant 0 : i32
        %swap3A_619 = arith.index_cast %swap3A_618 : i32 to index
        %swap3A_620 = arith.index_cast %add3A_585 : i32 to index
        %swap3A_621 = arith.constant 32 : index
        %swap3A_622 = tpu.vector_load %arg7[%swap3A_619, %swap3A_620, %swap3A_621] {strides = array<i32>} : memref<2x128x64xf32, #tpu.memory_space<vmem>>, vector<1x1x16xf32>,
        %swap3A_623 = vector.shape_cast %swap3A_622 : vector<1x1x16xf32> to vector<16xf32>
        %swap3A_624 = vector.shape_cast %get3A_617 : vector<16xf32> to vector<1x1x16xf32>
        tpu.vector_store %arg7[%swap3A_619, %swap3A_620, %swap3A_621], %swap3A_624 {strides = array<i32>} : memref<2x128x64xf32, #tpu.memory_space<vmem>>, vector<1x1x16xf32>,
        %get3A_625 = arith.constant 0 : i32
        %get3A_626 = arith.index_cast %get3A_625 : i32 to index
        %get3A_627 = arith.index_cast %add3A_585 : i32 to index
        %get3A_628 = arith.constant 48 : index
        %get3A_629 = tpu.vector_load %arg6[%get3A_626, %get3A_627, %get3A_628] {strides = array<i32>} : memref<2x128x128xf32, #tpu.memory_space<vmem>>, vector<1x1x16xf32>,
        %get3A_630 = vector.shape_cast %get3A_629 : vector<1x1x16xf32> to vector<16xf32>
        %swap3A_631 = arith.constant 0 : i32
        %swap3A_632 = arith.index_cast %swap3A_631 : i32 to index
        %swap3A_633 = arith.index_cast %add3A_585 : i32 to index
        %swap3A_634 = arith.constant 48 : index
        %swap3A_635 = tpu.vector_load %arg7[%swap3A_632, %swap3A_633, %swap3A_634] {strides = array<i32>} : memref<2x128x64xf32, #tpu.memory_space<vmem>>, vector<1x1x16xf32>,
        %swap3A_636 = vector.shape_cast %swap3A_635 : vector<1x1x16xf32> to vector<16xf32>
        %swap3A_637 = vector.shape_cast %get3A_630 : vector<16xf32> to vector<1x1x16xf32>
        tpu.vector_store %arg7[%swap3A_632, %swap3A_633, %swap3A_634], %swap3A_637 {strides = array<i32>} : memref<2x128x64xf32, #tpu.memory_space<vmem>>, vector<1x1x16xf32>,
        %mul3A_638 = arith.constant 16 : i32
        %mul3A_639 = arith.muli %scan3A_135, %mul3A_638 : i32
        %add3A_640 = arith.constant 9 : i32
        %add3A_641 = arith.addi %mul3A_639, %add3A_640 : i32
        %get3A_642 = arith.constant 0 : i32
        %get3A_643 = arith.index_cast %get3A_642 : i32 to index
        %get3A_644 = arith.index_cast %add3A_641 : i32 to index
        %get3A_645 = arith.constant 0 : index
        %get3A_646 = tpu.vector_load %arg6[%get3A_643, %get3A_644, %get3A_645] {strides = array<i32>} : memref<2x128x128xf32, #tpu.memory_space<vmem>>, vector<1x1x16xf32>,
        %get3A_647 = vector.shape_cast %get3A_646 : vector<1x1x16xf32> to vector<16xf32>
        %swap3A_648 = arith.constant 0 : i32
        %swap3A_649 = arith.index_cast %swap3A_648 : i32 to index
        %swap3A_650 = arith.index_cast %add3A_641 : i32 to index
        %swap3A_651 = arith.constant 0 : index
        %swap3A_652 = tpu.vector_load %arg7[%swap3A_649, %swap3A_650, %swap3A_651] {strides = array<i32>} : memref<2x128x64xf32, #tpu.memory_space<vmem>>, vector<1x1x16xf32>,
        %swap3A_653 = vector.shape_cast %swap3A_652 : vector<1x1x16xf32> to vector<16xf32>
        %swap3A_654 = vector.shape_cast %get3A_647 : vector<16xf32> to vector<1x1x16xf32>
        tpu.vector_store %arg7[%swap3A_649, %swap3A_650, %swap3A_651], %swap3A_654 {strides = array<i32>} : memref<2x128x64xf32, #tpu.memory_space<vmem>>, vector<1x1x16xf32>,
        %get3A_655 = arith.constant 0 : i32
        %get3A_656 = arith.index_cast %get3A_655 : i32 to index
        %get3A_657 = arith.index_cast %add3A_641 : i32 to index
        %get3A_658 = arith.constant 16 : index
        %get3A_659 = tpu.vector_load %arg6[%get3A_656, %get3A_657, %get3A_658] {strides = array<i32>} : memref<2x128x128xf32, #tpu.memory_space<vmem>>, vector<1x1x16xf32>,
        %get3A_660 = vector.shape_cast %get3A_659 : vector<1x1x16xf32> to vector<16xf32>
        %swap3A_661 = arith.constant 0 : i32
        %swap3A_662 = arith.index_cast %swap3A_661 : i32 to index
        %swap3A_663 = arith.index_cast %add3A_641 : i32 to index
        %swap3A_664 = arith.constant 16 : index
        %swap3A_665 = tpu.vector_load %arg7[%swap3A_662, %swap3A_663, %swap3A_664] {strides = array<i32>} : memref<2x128x64xf32, #tpu.memory_space<vmem>>, vector<1x1x16xf32>,
        %swap3A_666 = vector.shape_cast %swap3A_665 : vector<1x1x16xf32> to vector<16xf32>
        %swap3A_667 = vector.shape_cast %get3A_660 : vector<16xf32> to vector<1x1x16xf32>
        tpu.vector_store %arg7[%swap3A_662, %swap3A_663, %swap3A_664], %swap3A_667 {strides = array<i32>} : memref<2x128x64xf32, #tpu.memory_space<vmem>>, vector<1x1x16xf32>,
        %get3A_668 = arith.constant 0 : i32
        %get3A_669 = arith.index_cast %get3A_668 : i32 to index
        %get3A_670 = arith.index_cast %add3A_641 : i32 to index
        %get3A_671 = arith.constant 32 : index
        %get3A_672 = tpu.vector_load %arg6[%get3A_669, %get3A_670, %get3A_671] {strides = array<i32>} : memref<2x128x128xf32, #tpu.memory_space<vmem>>, vector<1x1x16xf32>,
        %get3A_673 = vector.shape_cast %get3A_672 : vector<1x1x16xf32> to vector<16xf32>
        %swap3A_674 = arith.constant 0 : i32
        %swap3A_675 = arith.index_cast %swap3A_674 : i32 to index
        %swap3A_676 = arith.index_cast %add3A_641 : i32 to index
        %swap3A_677 = arith.constant 32 : index
        %swap3A_678 = tpu.vector_load %arg7[%swap3A_675, %swap3A_676, %swap3A_677] {strides = array<i32>} : memref<2x128x64xf32, #tpu.memory_space<vmem>>, vector<1x1x16xf32>,
        %swap3A_679 = vector.shape_cast %swap3A_678 : vector<1x1x16xf32> to vector<16xf32>
        %swap3A_680 = vector.shape_cast %get3A_673 : vector<16xf32> to vector<1x1x16xf32>
        tpu.vector_store %arg7[%swap3A_675, %swap3A_676, %swap3A_677], %swap3A_680 {strides = array<i32>} : memref<2x128x64xf32, #tpu.memory_space<vmem>>, vector<1x1x16xf32>,
        %get3A_681 = arith.constant 0 : i32
        %get3A_682 = arith.index_cast %get3A_681 : i32 to index
        %get3A_683 = arith.index_cast %add3A_641 : i32 to index
        %get3A_684 = arith.constant 48 : index
        %get3A_685 = tpu.vector_load %arg6[%get3A_682, %get3A_683, %get3A_684] {strides = array<i32>} : memref<2x128x128xf32, #tpu.memory_space<vmem>>, vector<1x1x16xf32>,
        %get3A_686 = vector.shape_cast %get3A_685 : vector<1x1x16xf32> to vector<16xf32>
        %swap3A_687 = arith.constant 0 : i32
        %swap3A_688 = arith.index_cast %swap3A_687 : i32 to index
        %swap3A_689 = arith.index_cast %add3A_641 : i32 to index
        %swap3A_690 = arith.constant 48 : index
        %swap3A_691 = tpu.vector_load %arg7[%swap3A_688, %swap3A_689, %swap3A_690] {strides = array<i32>} : memref<2x128x64xf32, #tpu.memory_space<vmem>>, vector<1x1x16xf32>,
        %swap3A_692 = vector.shape_cast %swap3A_691 : vector<1x1x16xf32> to vector<16xf32>
        %swap3A_693 = vector.shape_cast %get3A_686 : vector<16xf32> to vector<1x1x16xf32>
        tpu.vector_store %arg7[%swap3A_688, %swap3A_689, %swap3A_690], %swap3A_693 {strides = array<i32>} : memref<2x128x64xf32, #tpu.memory_space<vmem>>, vector<1x1x16xf32>,
        %mul3A_694 = arith.constant 16 : i32
        %mul3A_695 = arith.muli %scan3A_135, %mul3A_694 : i32
        %add3A_696 = arith.constant 10 : i32
        %add3A_697 = arith.addi %mul3A_695, %add3A_696 : i32
        %get3A_698 = arith.constant 0 : i32
        %get3A_699 = arith.index_cast %get3A_698 : i32 to index
        %get3A_700 = arith.index_cast %add3A_697 : i32 to index
        %get3A_701 = arith.constant 0 : index
        %get3A_702 = tpu.vector_load %arg6[%get3A_699, %get3A_700, %get3A_701] {strides = array<i32>} : memref<2x128x128xf32, #tpu.memory_space<vmem>>, vector<1x1x16xf32>,
        %get3A_703 = vector.shape_cast %get3A_702 : vector<1x1x16xf32> to vector<16xf32>
        %swap3A_704 = arith.constant 0 : i32
        %swap3A_705 = arith.index_cast %swap3A_704 : i32 to index
        %swap3A_706 = arith.index_cast %add3A_697 : i32 to index
        %swap3A_707 = arith.constant 0 : index
        %swap3A_708 = tpu.vector_load %arg7[%swap3A_705, %swap3A_706, %swap3A_707] {strides = array<i32>} : memref<2x128x64xf32, #tpu.memory_space<vmem>>, vector<1x1x16xf32>,
        %swap3A_709 = vector.shape_cast %swap3A_708 : vector<1x1x16xf32> to vector<16xf32>
        %swap3A_710 = vector.shape_cast %get3A_703 : vector<16xf32> to vector<1x1x16xf32>
        tpu.vector_store %arg7[%swap3A_705, %swap3A_706, %swap3A_707], %swap3A_710 {strides = array<i32>} : memref<2x128x64xf32, #tpu.memory_space<vmem>>, vector<1x1x16xf32>,
        %get3A_711 = arith.constant 0 : i32
        %get3A_712 = arith.index_cast %get3A_711 : i32 to index
        %get3A_713 = arith.index_cast %add3A_697 : i32 to index
        %get3A_714 = arith.constant 16 : index
        %get3A_715 = tpu.vector_load %arg6[%get3A_712, %get3A_713, %get3A_714] {strides = array<i32>} : memref<2x128x128xf32, #tpu.memory_space<vmem>>, vector<1x1x16xf32>,
        %get3A_716 = vector.shape_cast %get3A_715 : vector<1x1x16xf32> to vector<16xf32>
        %swap3A_717 = arith.constant 0 : i32
        %swap3A_718 = arith.index_cast %swap3A_717 : i32 to index
        %swap3A_719 = arith.index_cast %add3A_697 : i32 to index
        %swap3A_720 = arith.constant 16 : index
        %swap3A_721 = tpu.vector_load %arg7[%swap3A_718, %swap3A_719, %swap3A_720] {strides = array<i32>} : memref<2x128x64xf32, #tpu.memory_space<vmem>>, vector<1x1x16xf32>,
        %swap3A_722 = vector.shape_cast %swap3A_721 : vector<1x1x16xf32> to vector<16xf32>
        %swap3A_723 = vector.shape_cast %get3A_716 : vector<16xf32> to vector<1x1x16xf32>
        tpu.vector_store %arg7[%swap3A_718, %swap3A_719, %swap3A_720], %swap3A_723 {strides = array<i32>} : memref<2x128x64xf32, #tpu.memory_space<vmem>>, vector<1x1x16xf32>,
        %get3A_724 = arith.constant 0 : i32
        %get3A_725 = arith.index_cast %get3A_724 : i32 to index
        %get3A_726 = arith.index_cast %add3A_697 : i32 to index
        %get3A_727 = arith.constant 32 : index
        %get3A_728 = tpu.vector_load %arg6[%get3A_725, %get3A_726, %get3A_727] {strides = array<i32>} : memref<2x128x128xf32, #tpu.memory_space<vmem>>, vector<1x1x16xf32>,
        %get3A_729 = vector.shape_cast %get3A_728 : vector<1x1x16xf32> to vector<16xf32>
        %swap3A_730 = arith.constant 0 : i32
        %swap3A_731 = arith.index_cast %swap3A_730 : i32 to index
        %swap3A_732 = arith.index_cast %add3A_697 : i32 to index
        %swap3A_733 = arith.constant 32 : index
        %swap3A_734 = tpu.vector_load %arg7[%swap3A_731, %swap3A_732, %swap3A_733] {strides = array<i32>} : memref<2x128x64xf32, #tpu.memory_space<vmem>>, vector<1x1x16xf32>,
        %swap3A_735 = vector.shape_cast %swap3A_734 : vector<1x1x16xf32> to vector<16xf32>
        %swap3A_736 = vector.shape_cast %get3A_729 : vector<16xf32> to vector<1x1x16xf32>
        tpu.vector_store %arg7[%swap3A_731, %swap3A_732, %swap3A_733], %swap3A_736 {strides = array<i32>} : memref<2x128x64xf32, #tpu.memory_space<vmem>>, vector<1x1x16xf32>,
        %get3A_737 = arith.constant 0 : i32
        %get3A_738 = arith.index_cast %get3A_737 : i32 to index
        %get3A_739 = arith.index_cast %add3A_697 : i32 to index
        %get3A_740 = arith.constant 48 : index
        %get3A_741 = tpu.vector_load %arg6[%get3A_738, %get3A_739, %get3A_740] {strides = array<i32>} : memref<2x128x128xf32, #tpu.memory_space<vmem>>, vector<1x1x16xf32>,
        %get3A_742 = vector.shape_cast %get3A_741 : vector<1x1x16xf32> to vector<16xf32>
        %swap3A_743 = arith.constant 0 : i32
        %swap3A_744 = arith.index_cast %swap3A_743 : i32 to index
        %swap3A_745 = arith.index_cast %add3A_697 : i32 to index
        %swap3A_746 = arith.constant 48 : index
        %swap3A_747 = tpu.vector_load %arg7[%swap3A_744, %swap3A_745, %swap3A_746] {strides = array<i32>} : memref<2x128x64xf32, #tpu.memory_space<vmem>>, vector<1x1x16xf32>,
        %swap3A_748 = vector.shape_cast %swap3A_747 : vector<1x1x16xf32> to vector<16xf32>
        %swap3A_749 = vector.shape_cast %get3A_742 : vector<16xf32> to vector<1x1x16xf32>
        tpu.vector_store %arg7[%swap3A_744, %swap3A_745, %swap3A_746], %swap3A_749 {strides = array<i32>} : memref<2x128x64xf32, #tpu.memory_space<vmem>>, vector<1x1x16xf32>,
        %mul3A_750 = arith.constant 16 : i32
        %mul3A_751 = arith.muli %scan3A_135, %mul3A_750 : i32
        %add3A_752 = arith.constant 11 : i32
        %add3A_753 = arith.addi %mul3A_751, %add3A_752 : i32
        %get3A_754 = arith.constant 0 : i32
        %get3A_755 = arith.index_cast %get3A_754 : i32 to index
        %get3A_756 = arith.index_cast %add3A_753 : i32 to index
        %get3A_757 = arith.constant 0 : index
        %get3A_758 = tpu.vector_load %arg6[%get3A_755, %get3A_756, %get3A_757] {strides = array<i32>} : memref<2x128x128xf32, #tpu.memory_space<vmem>>, vector<1x1x16xf32>,
        %get3A_759 = vector.shape_cast %get3A_758 : vector<1x1x16xf32> to vector<16xf32>
        %swap3A_760 = arith.constant 0 : i32
        %swap3A_761 = arith.index_cast %swap3A_760 : i32 to index
        %swap3A_762 = arith.index_cast %add3A_753 : i32 to index
        %swap3A_763 = arith.constant 0 : index
        %swap3A_764 = tpu.vector_load %arg7[%swap3A_761, %swap3A_762, %swap3A_763] {strides = array<i32>} : memref<2x128x64xf32, #tpu.memory_space<vmem>>, vector<1x1x16xf32>,
        %swap3A_765 = vector.shape_cast %swap3A_764 : vector<1x1x16xf32> to vector<16xf32>
        %swap3A_766 = vector.shape_cast %get3A_759 : vector<16xf32> to vector<1x1x16xf32>
        tpu.vector_store %arg7[%swap3A_761, %swap3A_762, %swap3A_763], %swap3A_766 {strides = array<i32>} : memref<2x128x64xf32, #tpu.memory_space<vmem>>, vector<1x1x16xf32>,
        %get3A_767 = arith.constant 0 : i32
        %get3A_768 = arith.index_cast %get3A_767 : i32 to index
        %get3A_769 = arith.index_cast %add3A_753 : i32 to index
        %get3A_770 = arith.constant 16 : index
        %get3A_771 = tpu.vector_load %arg6[%get3A_768, %get3A_769, %get3A_770] {strides = array<i32>} : memref<2x128x128xf32, #tpu.memory_space<vmem>>, vector<1x1x16xf32>,
        %get3A_772 = vector.shape_cast %get3A_771 : vector<1x1x16xf32> to vector<16xf32>
        %swap3A_773 = arith.constant 0 : i32
        %swap3A_774 = arith.index_cast %swap3A_773 : i32 to index
        %swap3A_775 = arith.index_cast %add3A_753 : i32 to index
        %swap3A_776 = arith.constant 16 : index
        %swap3A_777 = tpu.vector_load %arg7[%swap3A_774, %swap3A_775, %swap3A_776] {strides = array<i32>} : memref<2x128x64xf32, #tpu.memory_space<vmem>>, vector<1x1x16xf32>,
        %swap3A_778 = vector.shape_cast %swap3A_777 : vector<1x1x16xf32> to vector<16xf32>
        %swap3A_779 = vector.shape_cast %get3A_772 : vector<16xf32> to vector<1x1x16xf32>
        tpu.vector_store %arg7[%swap3A_774, %swap3A_775, %swap3A_776], %swap3A_779 {strides = array<i32>} : memref<2x128x64xf32, #tpu.memory_space<vmem>>, vector<1x1x16xf32>,
        %get3A_780 = arith.constant 0 : i32
        %get3A_781 = arith.index_cast %get3A_780 : i32 to index
        %get3A_782 = arith.index_cast %add3A_753 : i32 to index
        %get3A_783 = arith.constant 32 : index
        %get3A_784 = tpu.vector_load %arg6[%get3A_781, %get3A_782, %get3A_783] {strides = array<i32>} : memref<2x128x128xf32, #tpu.memory_space<vmem>>, vector<1x1x16xf32>,
        %get3A_785 = vector.shape_cast %get3A_784 : vector<1x1x16xf32> to vector<16xf32>
        %swap3A_786 = arith.constant 0 : i32
        %swap3A_787 = arith.index_cast %swap3A_786 : i32 to index
        %swap3A_788 = arith.index_cast %add3A_753 : i32 to index
        %swap3A_789 = arith.constant 32 : index
        %swap3A_790 = tpu.vector_load %arg7[%swap3A_787, %swap3A_788, %swap3A_789] {strides = array<i32>} : memref<2x128x64xf32, #tpu.memory_space<vmem>>, vector<1x1x16xf32>,
        %swap3A_791 = vector.shape_cast %swap3A_790 : vector<1x1x16xf32> to vector<16xf32>
        %swap3A_792 = vector.shape_cast %get3A_785 : vector<16xf32> to vector<1x1x16xf32>
        tpu.vector_store %arg7[%swap3A_787, %swap3A_788, %swap3A_789], %swap3A_792 {strides = array<i32>} : memref<2x128x64xf32, #tpu.memory_space<vmem>>, vector<1x1x16xf32>,
        %get3A_793 = arith.constant 0 : i32
        %get3A_794 = arith.index_cast %get3A_793 : i32 to index
        %get3A_795 = arith.index_cast %add3A_753 : i32 to index
        %get3A_796 = arith.constant 48 : index
        %get3A_797 = tpu.vector_load %arg6[%get3A_794, %get3A_795, %get3A_796] {strides = array<i32>} : memref<2x128x128xf32, #tpu.memory_space<vmem>>, vector<1x1x16xf32>,
        %get3A_798 = vector.shape_cast %get3A_797 : vector<1x1x16xf32> to vector<16xf32>
        %swap3A_799 = arith.constant 0 : i32
        %swap3A_800 = arith.index_cast %swap3A_799 : i32 to index
        %swap3A_801 = arith.index_cast %add3A_753 : i32 to index
        %swap3A_802 = arith.constant 48 : index
        %swap3A_803 = tpu.vector_load %arg7[%swap3A_800, %swap3A_801, %swap3A_802] {strides = array<i32>} : memref<2x128x64xf32, #tpu.memory_space<vmem>>, vector<1x1x16xf32>,
        %swap3A_804 = vector.shape_cast %swap3A_803 : vector<1x1x16xf32> to vector<16xf32>
        %swap3A_805 = vector.shape_cast %get3A_798 : vector<16xf32> to vector<1x1x16xf32>
        tpu.vector_store %arg7[%swap3A_800, %swap3A_801, %swap3A_802], %swap3A_805 {strides = array<i32>} : memref<2x128x64xf32, #tpu.memory_space<vmem>>, vector<1x1x16xf32>,
        %mul3A_806 = arith.constant 16 : i32
        %mul3A_807 = arith.muli %scan3A_135, %mul3A_806 : i32
        %add3A_808 = arith.constant 12 : i32
        %add3A_809 = arith.addi %mul3A_807, %add3A_808 : i32
        %get3A_810 = arith.constant 0 : i32
        %get3A_811 = arith.index_cast %get3A_810 : i32 to index
        %get3A_812 = arith.index_cast %add3A_809 : i32 to index
        %get3A_813 = arith.constant 0 : index
        %get3A_814 = tpu.vector_load %arg6[%get3A_811, %get3A_812, %get3A_813] {strides = array<i32>} : memref<2x128x128xf32, #tpu.memory_space<vmem>>, vector<1x1x16xf32>,
        %get3A_815 = vector.shape_cast %get3A_814 : vector<1x1x16xf32> to vector<16xf32>
        %swap3A_816 = arith.constant 0 : i32
        %swap3A_817 = arith.index_cast %swap3A_816 : i32 to index
        %swap3A_818 = arith.index_cast %add3A_809 : i32 to index
        %swap3A_819 = arith.constant 0 : index
        %swap3A_820 = tpu.vector_load %arg7[%swap3A_817, %swap3A_818, %swap3A_819] {strides = array<i32>} : memref<2x128x64xf32, #tpu.memory_space<vmem>>, vector<1x1x16xf32>,
        %swap3A_821 = vector.shape_cast %swap3A_820 : vector<1x1x16xf32> to vector<16xf32>
        %swap3A_822 = vector.shape_cast %get3A_815 : vector<16xf32> to vector<1x1x16xf32>
        tpu.vector_store %arg7[%swap3A_817, %swap3A_818, %swap3A_819], %swap3A_822 {strides = array<i32>} : memref<2x128x64xf32, #tpu.memory_space<vmem>>, vector<1x1x16xf32>,
        %get3A_823 = arith.constant 0 : i32
        %get3A_824 = arith.index_cast %get3A_823 : i32 to index
        %get3A_825 = arith.index_cast %add3A_809 : i32 to index
        %get3A_826 = arith.constant 16 : index
        %get3A_827 = tpu.vector_load %arg6[%get3A_824, %get3A_825, %get3A_826] {strides = array<i32>} : memref<2x128x128xf32, #tpu.memory_space<vmem>>, vector<1x1x16xf32>,
        %get3A_828 = vector.shape_cast %get3A_827 : vector<1x1x16xf32> to vector<16xf32>
        %swap3A_829 = arith.constant 0 : i32
        %swap3A_830 = arith.index_cast %swap3A_829 : i32 to index
        %swap3A_831 = arith.index_cast %add3A_809 : i32 to index
        %swap3A_832 = arith.constant 16 : index
        %swap3A_833 = tpu.vector_load %arg7[%swap3A_830, %swap3A_831, %swap3A_832] {strides = array<i32>} : memref<2x128x64xf32, #tpu.memory_space<vmem>>, vector<1x1x16xf32>,
        %swap3A_834 = vector.shape_cast %swap3A_833 : vector<1x1x16xf32> to vector<16xf32>
        %swap3A_835 = vector.shape_cast %get3A_828 : vector<16xf32> to vector<1x1x16xf32>
        tpu.vector_store %arg7[%swap3A_830, %swap3A_831, %swap3A_832], %swap3A_835 {strides = array<i32>} : memref<2x128x64xf32, #tpu.memory_space<vmem>>, vector<1x1x16xf32>,
        %get3A_836 = arith.constant 0 : i32
        %get3A_837 = arith.index_cast %get3A_836 : i32 to index
        %get3A_838 = arith.index_cast %add3A_809 : i32 to index
        %get3A_839 = arith.constant 32 : index
        %get3A_840 = tpu.vector_load %arg6[%get3A_837, %get3A_838, %get3A_839] {strides = array<i32>} : memref<2x128x128xf32, #tpu.memory_space<vmem>>, vector<1x1x16xf32>,
        %get3A_841 = vector.shape_cast %get3A_840 : vector<1x1x16xf32> to vector<16xf32>
        %swap3A_842 = arith.constant 0 : i32
        %swap3A_843 = arith.index_cast %swap3A_842 : i32 to index
        %swap3A_844 = arith.index_cast %add3A_809 : i32 to index
        %swap3A_845 = arith.constant 32 : index
        %swap3A_846 = tpu.vector_load %arg7[%swap3A_843, %swap3A_844, %swap3A_845] {strides = array<i32>} : memref<2x128x64xf32, #tpu.memory_space<vmem>>, vector<1x1x16xf32>,
        %swap3A_847 = vector.shape_cast %swap3A_846 : vector<1x1x16xf32> to vector<16xf32>
        %swap3A_848 = vector.shape_cast %get3A_841 : vector<16xf32> to vector<1x1x16xf32>
        tpu.vector_store %arg7[%swap3A_843, %swap3A_844, %swap3A_845], %swap3A_848 {strides = array<i32>} : memref<2x128x64xf32, #tpu.memory_space<vmem>>, vector<1x1x16xf32>,
        %get3A_849 = arith.constant 0 : i32
        %get3A_850 = arith.index_cast %get3A_849 : i32 to index
        %get3A_851 = arith.index_cast %add3A_809 : i32 to index
        %get3A_852 = arith.constant 48 : index
        %get3A_853 = tpu.vector_load %arg6[%get3A_850, %get3A_851, %get3A_852] {strides = array<i32>} : memref<2x128x128xf32, #tpu.memory_space<vmem>>, vector<1x1x16xf32>,
        %get3A_854 = vector.shape_cast %get3A_853 : vector<1x1x16xf32> to vector<16xf32>
        %swap3A_855 = arith.constant 0 : i32
        %swap3A_856 = arith.index_cast %swap3A_855 : i32 to index
        %swap3A_857 = arith.index_cast %add3A_809 : i32 to index
        %swap3A_858 = arith.constant 48 : index
        %swap3A_859 = tpu.vector_load %arg7[%swap3A_856, %swap3A_857, %swap3A_858] {strides = array<i32>} : memref<2x128x64xf32, #tpu.memory_space<vmem>>, vector<1x1x16xf32>,
        %swap3A_860 = vector.shape_cast %swap3A_859 : vector<1x1x16xf32> to vector<16xf32>
        %swap3A_861 = vector.shape_cast %get3A_854 : vector<16xf32> to vector<1x1x16xf32>
        tpu.vector_store %arg7[%swap3A_856, %swap3A_857, %swap3A_858], %swap3A_861 {strides = array<i32>} : memref<2x128x64xf32, #tpu.memory_space<vmem>>, vector<1x1x16xf32>,
        %mul3A_862 = arith.constant 16 : i32
        %mul3A_863 = arith.muli %scan3A_135, %mul3A_862 : i32
        %add3A_864 = arith.constant 13 : i32
        %add3A_865 = arith.addi %mul3A_863, %add3A_864 : i32
        %get3A_866 = arith.constant 0 : i32
        %get3A_867 = arith.index_cast %get3A_866 : i32 to index
        %get3A_868 = arith.index_cast %add3A_865 : i32 to index
        %get3A_869 = arith.constant 0 : index
        %get3A_870 = tpu.vector_load %arg6[%get3A_867, %get3A_868, %get3A_869] {strides = array<i32>} : memref<2x128x128xf32, #tpu.memory_space<vmem>>, vector<1x1x16xf32>,
        %get3A_871 = vector.shape_cast %get3A_870 : vector<1x1x16xf32> to vector<16xf32>
        %swap3A_872 = arith.constant 0 : i32
        %swap3A_873 = arith.index_cast %swap3A_872 : i32 to index
        %swap3A_874 = arith.index_cast %add3A_865 : i32 to index
        %swap3A_875 = arith.constant 0 : index
        %swap3A_876 = tpu.vector_load %arg7[%swap3A_873, %swap3A_874, %swap3A_875] {strides = array<i32>} : memref<2x128x64xf32, #tpu.memory_space<vmem>>, vector<1x1x16xf32>,
        %swap3A_877 = vector.shape_cast %swap3A_876 : vector<1x1x16xf32> to vector<16xf32>
        %swap3A_878 = vector.shape_cast %get3A_871 : vector<16xf32> to vector<1x1x16xf32>
        tpu.vector_store %arg7[%swap3A_873, %swap3A_874, %swap3A_875], %swap3A_878 {strides = array<i32>} : memref<2x128x64xf32, #tpu.memory_space<vmem>>, vector<1x1x16xf32>,
        %get3A_879 = arith.constant 0 : i32
        %get3A_880 = arith.index_cast %get3A_879 : i32 to index
        %get3A_881 = arith.index_cast %add3A_865 : i32 to index
        %get3A_882 = arith.constant 16 : index
        %get3A_883 = tpu.vector_load %arg6[%get3A_880, %get3A_881, %get3A_882] {strides = array<i32>} : memref<2x128x128xf32, #tpu.memory_space<vmem>>, vector<1x1x16xf32>,
        %get3A_884 = vector.shape_cast %get3A_883 : vector<1x1x16xf32> to vector<16xf32>
        %swap3A_885 = arith.constant 0 : i32
        %swap3A_886 = arith.index_cast %swap3A_885 : i32 to index
        %swap3A_887 = arith.index_cast %add3A_865 : i32 to index
        %swap3A_888 = arith.constant 16 : index
        %swap3A_889 = tpu.vector_load %arg7[%swap3A_886, %swap3A_887, %swap3A_888] {strides = array<i32>} : memref<2x128x64xf32, #tpu.memory_space<vmem>>, vector<1x1x16xf32>,
        %swap3A_890 = vector.shape_cast %swap3A_889 : vector<1x1x16xf32> to vector<16xf32>
        %swap3A_891 = vector.shape_cast %get3A_884 : vector<16xf32> to vector<1x1x16xf32>
        tpu.vector_store %arg7[%swap3A_886, %swap3A_887, %swap3A_888], %swap3A_891 {strides = array<i32>} : memref<2x128x64xf32, #tpu.memory_space<vmem>>, vector<1x1x16xf32>,
        %get3A_892 = arith.constant 0 : i32
        %get3A_893 = arith.index_cast %get3A_892 : i32 to index
        %get3A_894 = arith.index_cast %add3A_865 : i32 to index
        %get3A_895 = arith.constant 32 : index
        %get3A_896 = tpu.vector_load %arg6[%get3A_893, %get3A_894, %get3A_895] {strides = array<i32>} : memref<2x128x128xf32, #tpu.memory_space<vmem>>, vector<1x1x16xf32>,
        %get3A_897 = vector.shape_cast %get3A_896 : vector<1x1x16xf32> to vector<16xf32>
        %swap3A_898 = arith.constant 0 : i32
        %swap3A_899 = arith.index_cast %swap3A_898 : i32 to index
        %swap3A_900 = arith.index_cast %add3A_865 : i32 to index
        %swap3A_901 = arith.constant 32 : index
        %swap3A_902 = tpu.vector_load %arg7[%swap3A_899, %swap3A_900, %swap3A_901] {strides = array<i32>} : memref<2x128x64xf32, #tpu.memory_space<vmem>>, vector<1x1x16xf32>,
        %swap3A_903 = vector.shape_cast %swap3A_902 : vector<1x1x16xf32> to vector<16xf32>
        %swap3A_904 = vector.shape_cast %get3A_897 : vector<16xf32> to vector<1x1x16xf32>
        tpu.vector_store %arg7[%swap3A_899, %swap3A_900, %swap3A_901], %swap3A_904 {strides = array<i32>} : memref<2x128x64xf32, #tpu.memory_space<vmem>>, vector<1x1x16xf32>,
        %get3A_905 = arith.constant 0 : i32
        %get3A_906 = arith.index_cast %get3A_905 : i32 to index
        %get3A_907 = arith.index_cast %add3A_865 : i32 to index
        %get3A_908 = arith.constant 48 : index
        %get3A_909 = tpu.vector_load %arg6[%get3A_906, %get3A_907, %get3A_908] {strides = array<i32>} : memref<2x128x128xf32, #tpu.memory_space<vmem>>, vector<1x1x16xf32>,
        %get3A_910 = vector.shape_cast %get3A_909 : vector<1x1x16xf32> to vector<16xf32>
        %swap3A_911 = arith.constant 0 : i32
        %swap3A_912 = arith.index_cast %swap3A_911 : i32 to index
        %swap3A_913 = arith.index_cast %add3A_865 : i32 to index
        %swap3A_914 = arith.constant 48 : index
        %swap3A_915 = tpu.vector_load %arg7[%swap3A_912, %swap3A_913, %swap3A_914] {strides = array<i32>} : memref<2x128x64xf32, #tpu.memory_space<vmem>>, vector<1x1x16xf32>,
        %swap3A_916 = vector.shape_cast %swap3A_915 : vector<1x1x16xf32> to vector<16xf32>
        %swap3A_917 = vector.shape_cast %get3A_910 : vector<16xf32> to vector<1x1x16xf32>
        tpu.vector_store %arg7[%swap3A_912, %swap3A_913, %swap3A_914], %swap3A_917 {strides = array<i32>} : memref<2x128x64xf32, #tpu.memory_space<vmem>>, vector<1x1x16xf32>,
        %mul3A_918 = arith.constant 16 : i32
        %mul3A_919 = arith.muli %scan3A_135, %mul3A_918 : i32
        %add3A_920 = arith.constant 14 : i32
        %add3A_921 = arith.addi %mul3A_919, %add3A_920 : i32
        %get3A_922 = arith.constant 0 : i32
        %get3A_923 = arith.index_cast %get3A_922 : i32 to index
        %get3A_924 = arith.index_cast %add3A_921 : i32 to index
        %get3A_925 = arith.constant 0 : index
        %get3A_926 = tpu.vector_load %arg6[%get3A_923, %get3A_924, %get3A_925] {strides = array<i32>} : memref<2x128x128xf32, #tpu.memory_space<vmem>>, vector<1x1x16xf32>,
        %get3A_927 = vector.shape_cast %get3A_926 : vector<1x1x16xf32> to vector<16xf32>
        %swap3A_928 = arith.constant 0 : i32
        %swap3A_929 = arith.index_cast %swap3A_928 : i32 to index
        %swap3A_930 = arith.index_cast %add3A_921 : i32 to index
        %swap3A_931 = arith.constant 0 : index
        %swap3A_932 = tpu.vector_load %arg7[%swap3A_929, %swap3A_930, %swap3A_931] {strides = array<i32>} : memref<2x128x64xf32, #tpu.memory_space<vmem>>, vector<1x1x16xf32>,
        %swap3A_933 = vector.shape_cast %swap3A_932 : vector<1x1x16xf32> to vector<16xf32>
        %swap3A_934 = vector.shape_cast %get3A_927 : vector<16xf32> to vector<1x1x16xf32>
        tpu.vector_store %arg7[%swap3A_929, %swap3A_930, %swap3A_931], %swap3A_934 {strides = array<i32>} : memref<2x128x64xf32, #tpu.memory_space<vmem>>, vector<1x1x16xf32>,
        %get3A_935 = arith.constant 0 : i32
        %get3A_936 = arith.index_cast %get3A_935 : i32 to index
        %get3A_937 = arith.index_cast %add3A_921 : i32 to index
        %get3A_938 = arith.constant 16 : index
        %get3A_939 = tpu.vector_load %arg6[%get3A_936, %get3A_937, %get3A_938] {strides = array<i32>} : memref<2x128x128xf32, #tpu.memory_space<vmem>>, vector<1x1x16xf32>,
        %get3A_940 = vector.shape_cast %get3A_939 : vector<1x1x16xf32> to vector<16xf32>
        %swap3A_941 = arith.constant 0 : i32
        %swap3A_942 = arith.index_cast %swap3A_941 : i32 to index
        %swap3A_943 = arith.index_cast %add3A_921 : i32 to index
        %swap3A_944 = arith.constant 16 : index
        %swap3A_945 = tpu.vector_load %arg7[%swap3A_942, %swap3A_943, %swap3A_944] {strides = array<i32>} : memref<2x128x64xf32, #tpu.memory_space<vmem>>, vector<1x1x16xf32>,
        %swap3A_946 = vector.shape_cast %swap3A_945 : vector<1x1x16xf32> to vector<16xf32>
        %swap3A_947 = vector.shape_cast %get3A_940 : vector<16xf32> to vector<1x1x16xf32>
        tpu.vector_store %arg7[%swap3A_942, %swap3A_943, %swap3A_944], %swap3A_947 {strides = array<i32>} : memref<2x128x64xf32, #tpu.memory_space<vmem>>, vector<1x1x16xf32>,
        %get3A_948 = arith.constant 0 : i32
        %get3A_949 = arith.index_cast %get3A_948 : i32 to index
        %get3A_950 = arith.index_cast %add3A_921 : i32 to index
        %get3A_951 = arith.constant 32 : index
        %get3A_952 = tpu.vector_load %arg6[%get3A_949, %get3A_950, %get3A_951] {strides = array<i32>} : memref<2x128x128xf32, #tpu.memory_space<vmem>>, vector<1x1x16xf32>,
        %get3A_953 = vector.shape_cast %get3A_952 : vector<1x1x16xf32> to vector<16xf32>
        %swap3A_954 = arith.constant 0 : i32
        %swap3A_955 = arith.index_cast %swap3A_954 : i32 to index
        %swap3A_956 = arith.index_cast %add3A_921 : i32 to index
        %swap3A_957 = arith.constant 32 : index
        %swap3A_958 = tpu.vector_load %arg7[%swap3A_955, %swap3A_956, %swap3A_957] {strides = array<i32>} : memref<2x128x64xf32, #tpu.memory_space<vmem>>, vector<1x1x16xf32>,
        %swap3A_959 = vector.shape_cast %swap3A_958 : vector<1x1x16xf32> to vector<16xf32>
        %swap3A_960 = vector.shape_cast %get3A_953 : vector<16xf32> to vector<1x1x16xf32>
        tpu.vector_store %arg7[%swap3A_955, %swap3A_956, %swap3A_957], %swap3A_960 {strides = array<i32>} : memref<2x128x64xf32, #tpu.memory_space<vmem>>, vector<1x1x16xf32>,
        %get3A_961 = arith.constant 0 : i32
        %get3A_962 = arith.index_cast %get3A_961 : i32 to index
        %get3A_963 = arith.index_cast %add3A_921 : i32 to index
        %get3A_964 = arith.constant 48 : index
        %get3A_965 = tpu.vector_load %arg6[%get3A_962, %get3A_963, %get3A_964] {strides = array<i32>} : memref<2x128x128xf32, #tpu.memory_space<vmem>>, vector<1x1x16xf32>,
        %get3A_966 = vector.shape_cast %get3A_965 : vector<1x1x16xf32> to vector<16xf32>
        %swap3A_967 = arith.constant 0 : i32
        %swap3A_968 = arith.index_cast %swap3A_967 : i32 to index
        %swap3A_969 = arith.index_cast %add3A_921 : i32 to index
        %swap3A_970 = arith.constant 48 : index
        %swap3A_971 = tpu.vector_load %arg7[%swap3A_968, %swap3A_969, %swap3A_970] {strides = array<i32>} : memref<2x128x64xf32, #tpu.memory_space<vmem>>, vector<1x1x16xf32>,
        %swap3A_972 = vector.shape_cast %swap3A_971 : vector<1x1x16xf32> to vector<16xf32>
        %swap3A_973 = vector.shape_cast %get3A_966 : vector<16xf32> to vector<1x1x16xf32>
        tpu.vector_store %arg7[%swap3A_968, %swap3A_969, %swap3A_970], %swap3A_973 {strides = array<i32>} : memref<2x128x64xf32, #tpu.memory_space<vmem>>, vector<1x1x16xf32>,
        %mul3A_974 = arith.constant 16 : i32
        %mul3A_975 = arith.muli %scan3A_135, %mul3A_974 : i32
        %add3A_976 = arith.constant 15 : i32
        %add3A_977 = arith.addi %mul3A_975, %add3A_976 : i32
        %get3A_978 = arith.constant 0 : i32
        %get3A_979 = arith.index_cast %get3A_978 : i32 to index
        %get3A_980 = arith.index_cast %add3A_977 : i32 to index
        %get3A_981 = arith.constant 0 : index
        %get3A_982 = tpu.vector_load %arg6[%get3A_979, %get3A_980, %get3A_981] {strides = array<i32>} : memref<2x128x128xf32, #tpu.memory_space<vmem>>, vector<1x1x16xf32>,
        %get3A_983 = vector.shape_cast %get3A_982 : vector<1x1x16xf32> to vector<16xf32>
        %swap3A_984 = arith.constant 0 : i32
        %swap3A_985 = arith.index_cast %swap3A_984 : i32 to index
        %swap3A_986 = arith.index_cast %add3A_977 : i32 to index
        %swap3A_987 = arith.constant 0 : index
        %swap3A_988 = tpu.vector_load %arg7[%swap3A_985, %swap3A_986, %swap3A_987] {strides = array<i32>} : memref<2x128x64xf32, #tpu.memory_space<vmem>>, vector<1x1x16xf32>,
        %swap3A_989 = vector.shape_cast %swap3A_988 : vector<1x1x16xf32> to vector<16xf32>
        %swap3A_990 = vector.shape_cast %get3A_983 : vector<16xf32> to vector<1x1x16xf32>
        tpu.vector_store %arg7[%swap3A_985, %swap3A_986, %swap3A_987], %swap3A_990 {strides = array<i32>} : memref<2x128x64xf32, #tpu.memory_space<vmem>>, vector<1x1x16xf32>,
        %get3A_991 = arith.constant 0 : i32
        %get3A_992 = arith.index_cast %get3A_991 : i32 to index
        %get3A_993 = arith.index_cast %add3A_977 : i32 to index
        %get3A_994 = arith.constant 16 : index
        %get3A_995 = tpu.vector_load %arg6[%get3A_992, %get3A_993, %get3A_994] {strides = array<i32>} : memref<2x128x128xf32, #tpu.memory_space<vmem>>, vector<1x1x16xf32>,
        %get3A_996 = vector.shape_cast %get3A_995 : vector<1x1x16xf32> to vector<16xf32>
        %swap3A_997 = arith.constant 0 : i32
        %swap3A_998 = arith.index_cast %swap3A_997 : i32 to index
        %swap3A_999 = arith.index_cast %add3A_977 : i32 to index
        %swap3A_1000 = arith.constant 16 : index
        %swap3A_1001 = tpu.vector_load %arg7[%swap3A_998, %swap3A_999, %swap3A_1000] {strides = array<i32>} : memref<2x128x64xf32, #tpu.memory_space<vmem>>, vector<1x1x16xf32>,
        %swap3A_1002 = vector.shape_cast %swap3A_1001 : vector<1x1x16xf32> to vector<16xf32>
        %swap3A_1003 = vector.shape_cast %get3A_996 : vector<16xf32> to vector<1x1x16xf32>
        tpu.vector_store %arg7[%swap3A_998, %swap3A_999, %swap3A_1000], %swap3A_1003 {strides = array<i32>} : memref<2x128x64xf32, #tpu.memory_space<vmem>>, vector<1x1x16xf32>,
        %get3A_1004 = arith.constant 0 : i32
        %get3A_1005 = arith.index_cast %get3A_1004 : i32 to index
        %get3A_1006 = arith.index_cast %add3A_977 : i32 to index
        %get3A_1007 = arith.constant 32 : index
        %get3A_1008 = tpu.vector_load %arg6[%get3A_1005, %get3A_1006, %get3A_1007] {strides = array<i32>} : memref<2x128x128xf32, #tpu.memory_space<vmem>>, vector<1x1x16xf32>,
        %get3A_1009 = vector.shape_cast %get3A_1008 : vector<1x1x16xf32> to vector<16xf32>
        %swap3A_1010 = arith.constant 0 : i32
        %swap3A_1011 = arith.index_cast %swap3A_1010 : i32 to index
        %swap3A_1012 = arith.index_cast %add3A_977 : i32 to index
        %swap3A_1013 = arith.constant 32 : index
        %swap3A_1014 = tpu.vector_load %arg7[%swap3A_1011, %swap3A_1012, %swap3A_1013] {strides = array<i32>} : memref<2x128x64xf32, #tpu.memory_space<vmem>>, vector<1x1x16xf32>,
        %swap3A_1015 = vector.shape_cast %swap3A_1014 : vector<1x1x16xf32> to vector<16xf32>
        %swap3A_1016 = vector.shape_cast %get3A_1009 : vector<16xf32> to vector<1x1x16xf32>
        tpu.vector_store %arg7[%swap3A_1011, %swap3A_1012, %swap3A_1013], %swap3A_1016 {strides = array<i32>} : memref<2x128x64xf32, #tpu.memory_space<vmem>>, vector<1x1x16xf32>,
        %get3A_1017 = arith.constant 0 : i32
        %get3A_1018 = arith.index_cast %get3A_1017 : i32 to index
        %get3A_1019 = arith.index_cast %add3A_977 : i32 to index
        %get3A_1020 = arith.constant 48 : index
        %get3A_1021 = tpu.vector_load %arg6[%get3A_1018, %get3A_1019, %get3A_1020] {strides = array<i32>} : memref<2x128x128xf32, #tpu.memory_space<vmem>>, vector<1x1x16xf32>,
        %get3A_1022 = vector.shape_cast %get3A_1021 : vector<1x1x16xf32> to vector<16xf32>
        %swap3A_1023 = arith.constant 0 : i32
        %swap3A_1024 = arith.index_cast %swap3A_1023 : i32 to index
        %swap3A_1025 = arith.index_cast %add3A_977 : i32 to index
        %swap3A_1026 = arith.constant 48 : index
        %swap3A_1027 = tpu.vector_load %arg7[%swap3A_1024, %swap3A_1025, %swap3A_1026] {strides = array<i32>} : memref<2x128x64xf32, #tpu.memory_space<vmem>>, vector<1x1x16xf32>,
        %swap3A_1028 = vector.shape_cast %swap3A_1027 : vector<1x1x16xf32> to vector<16xf32>
        %swap3A_1029 = vector.shape_cast %get3A_1022 : vector<16xf32> to vector<1x1x16xf32>
        tpu.vector_store %arg7[%swap3A_1024, %swap3A_1025, %swap3A_1026], %swap3A_1029 {strides = array<i32>} : memref<2x128x64xf32, #tpu.memory_space<vmem>>, vector<1x1x16xf32>,
      }
      %scan3A_70 = arith.constant 8 : i32
      %mul3A_71 = arith.constant 128 : i32
      %mul3A_72 = arith.muli %add3A_46, %mul3A_71 : i32
      %add3A_73 = arith.addi %mul3A_2, %mul3A_72 : i32
      %dma_start3A_74 = arith.constant 0 : i32
      %dma_start3A_75 = arith.constant 0 : i32
      %dma_start3A_76 = arith.constant 0 : i32
      %dma_start3A_77 = tpu.memref_slice %arg7[%dma_start3A_74, %dma_start3A_75, %dma_start3A_76] : memref<2x128x64xf32, #tpu.memory_space<vmem>> -> memref<1x128x64xf32, #tpu.memory_space<vmem>>
      %dma_start3A_78 = tpu.memref_squeeze %dma_start3A_77 : memref<1x128x64xf32, #tpu.memory_space<vmem>> -> memref<128x64xf32, #tpu.memory_space<vmem>>
      %dma_start3A_79 = arith.constant 0 : i32
      %dma_start3A_80 = tpu.memref_slice %arg4[%add3A_73, %dma_start3A_79] : memref<819200x64xf32, #tpu.memory_space<hbm>> -> memref<128x64xf32, #tpu.memory_space<hbm>>
      %dma_start3A_81 = arith.constant 0 : i32
      %dma_start3A_82 = tpu.memref_slice %arg4[%add3A_73, %dma_start3A_81] : memref<819200x64xf32, #tpu.memory_space<hbm>> -> memref<128x64xf32, #tpu.memory_space<hbm>>
      %dma_start3A_83 = arith.constant 0 : i32
      %dma_start3A_84 = arith.constant 0 : i32
      %dma_start3A_85 = tpu.memref_slice %arg7[%dma_start3A_74, %dma_start3A_83, %dma_start3A_84] : memref<2x128x64xf32, #tpu.memory_space<vmem>> -> memref<1x128x64xf32, #tpu.memory_space<vmem>>
      %dma_start3A_86 = tpu.memref_squeeze %dma_start3A_85 : memref<1x128x64xf32, #tpu.memory_space<vmem>> -> memref<128x64xf32, #tpu.memory_space<vmem>>
      tpu.enqueue_dma source(%dma_start3A_86 : memref<128x64xf32, #tpu.memory_space<vmem>>) target(%dma_start3A_82 : memref<128x64xf32, #tpu.memory_space<hbm>>) target_semaphore(%arg10 : memref<!tpu.dma_semaphore, #tpu.memory_space<semaphore_mem>>)
      %mul3A_87 = arith.constant 2 : i32
      %mul3A_88 = arith.muli %mul3A_87, %scan3A_42 : i32
      %add3A_89 = arith.constant 1 : i32
      %add3A_90 = arith.addi %mul3A_88, %add3A_89 : i32
      %add3A_91 = arith.constant 1 : i32
      %add3A_92 = arith.addi %add3A_90, %add3A_91 : i32
      %lt3A_93 = arith.constant 200 : i32
      %lt3A_94 = arith.cmpi slt, %add3A_92, %lt3A_93 : i32
      %convert_element_type3A_95 = arith.extui %lt3A_94 : i1 to i32
      %cond3A_96 = arith.constant 0 : i32
      %cond3A_97 = arith.cmpi ne, %convert_element_type3A_95, %cond3A_96 : i32
      scf.if %cond3A_97 {
        %add3A_135 = arith.constant 1 : i32
        %add3A_136 = arith.addi %add3A_90, %add3A_135 : i32
        %mul3A_137 = arith.constant 128 : i32
        %mul3A_138 = arith.muli %add3A_136, %mul3A_137 : i32
        %dma_start3A_139 = arith.constant 0 : i32
        %dma_start3A_140 = arith.constant 0 : i32
        %dma_start3A_141 = arith.constant 0 : i32
        %dma_start3A_142 = tpu.memref_slice %arg6[%dma_start3A_139, %dma_start3A_140, %dma_start3A_141] : memref<2x128x128xf32, #tpu.memory_space<vmem>> -> memref<1x128x128xf32, #tpu.memory_space<vmem>>
        %dma_start3A_143 = tpu.memref_squeeze %dma_start3A_142 : memref<1x128x128xf32, #tpu.memory_space<vmem>> -> memref<128x128xf32, #tpu.memory_space<vmem>>
        %dma_start3A_144 = tpu.memref_slice %arg5[%mul3A_138] : memref<25600xi32, #tpu.memory_space<vmem>> -> memref<128xi32, #tpu.memory_space<vmem>>
        %dma_start3A_145 = arith.constant 0 : i32
        %dma_start3A_146 = arith.constant 0 : i32
        %dma_start3A_147 = tpu.memref_slice %arg3[%dma_start3A_145, %dma_start3A_146] : memref<1000000x128xf32, #tpu.memory_space<hbm>> -> memref<1000000x128xf32, #tpu.memory_space<hbm>>
        tpu.enqueue_indirect_dma source(%dma_start3A_147 : memref<1000000x128xf32, #tpu.memory_space<hbm>>) target(%dma_start3A_143 : memref<128x128xf32, #tpu.memory_space<vmem>>) offsets(%dma_start3A_144 : memref<128xi32, #tpu.memory_space<vmem>>) semaphore(%arg8 : memref<!tpu.dma_semaphore, #tpu.memory_space<semaphore_mem>>)
      } else {
      }
      %dma_wait3A_98 = arith.constant 1 : i32
      %dma_wait3A_99 = arith.constant 0 : i32
      %dma_wait3A_100 = arith.constant 0 : i32
      %dma_wait3A_101 = tpu.memref_slice %arg6[%dma_wait3A_98, %dma_wait3A_99, %dma_wait3A_100] : memref<2x128x128xf32, #tpu.memory_space<vmem>> -> memref<1x128x128xf32, #tpu.memory_space<vmem>>
      %dma_wait3A_102 = tpu.memref_squeeze %dma_wait3A_101 : memref<1x128x128xf32, #tpu.memory_space<vmem>> -> memref<128x128xf32, #tpu.memory_space<vmem>>
      %dma_wait3A_103 = arith.constant 0 : i32
      %dma_wait3A_104 = tpu.memref_slice %arg5[%dma_wait3A_103] : memref<25600xi32, #tpu.memory_space<vmem>> -> memref<128xi32, #tpu.memory_space<vmem>>
      %dma_wait3A_105 = arith.constant 0 : i32
      %dma_wait3A_106 = arith.constant 0 : i32
      %dma_wait3A_107 = tpu.memref_slice %arg3[%dma_wait3A_105, %dma_wait3A_106] : memref<1000000x128xf32, #tpu.memory_space<hbm>> -> memref<1000000x128xf32, #tpu.memory_space<hbm>>
      tpu.wait_indirect_dma semaphore(%arg9 : memref<!tpu.dma_semaphore, #tpu.memory_space<semaphore_mem>>) src(%dma_wait3A_107 : memref<1000000x128xf32, #tpu.memory_space<hbm>>) dst(%dma_wait3A_102 : memref<128x128xf32, #tpu.memory_space<vmem>>)
      %ge3A_108 = arith.constant 2 : i32
      %ge3A_109 = arith.cmpi sge, %add3A_90, %ge3A_108 : i32
      %convert_element_type3A_110 = arith.extui %ge3A_109 : i1 to i32
      %cond3A_111 = arith.constant 0 : i32
      %cond3A_112 = arith.cmpi ne, %convert_element_type3A_110, %cond3A_111 : i32
      scf.if %cond3A_112 {
        %dma_wait3A_135 = arith.constant 1 : i32
        %dma_wait3A_136 = arith.constant 0 : i32
        %dma_wait3A_137 = arith.constant 0 : i32
        %dma_wait3A_138 = tpu.memref_slice %arg7[%dma_wait3A_135, %dma_wait3A_136, %dma_wait3A_137] : memref<2x128x64xf32, #tpu.memory_space<vmem>> -> memref<1x128x64xf32, #tpu.memory_space<vmem>>
        %dma_wait3A_139 = tpu.memref_squeeze %dma_wait3A_138 : memref<1x128x64xf32, #tpu.memory_space<vmem>> -> memref<128x64xf32, #tpu.memory_space<vmem>>
        %dma_wait3A_140 = arith.constant 0 : i32
        %dma_wait3A_141 = tpu.memref_slice %arg4[%mul3A_2, %dma_wait3A_140] : memref<819200x64xf32, #tpu.memory_space<hbm>> -> memref<128x64xf32, #tpu.memory_space<hbm>>
        %dma_wait3A_142 = arith.constant 0 : i32
        %dma_wait3A_143 = tpu.memref_slice %arg4[%mul3A_2, %dma_wait3A_142] : memref<819200x64xf32, #tpu.memory_space<hbm>> -> memref<128x64xf32, #tpu.memory_space<hbm>>
        %dma_wait3A_144 = arith.constant 0 : i32
        %dma_wait3A_145 = arith.constant 0 : i32
        %dma_wait3A_146 = tpu.memref_slice %arg7[%dma_wait3A_135, %dma_wait3A_144, %dma_wait3A_145] : memref<2x128x64xf32, #tpu.memory_space<vmem>> -> memref<1x128x64xf32, #tpu.memory_space<vmem>>
        %dma_wait3A_147 = tpu.memref_squeeze %dma_wait3A_146 : memref<1x128x64xf32, #tpu.memory_space<vmem>> -> memref<128x64xf32, #tpu.memory_space<vmem>>
        tpu.wait_dma2 semaphore(%arg11 : memref<!tpu.dma_semaphore, #tpu.memory_space<semaphore_mem>>) src(%dma_wait3A_147 : memref<128x64xf32, #tpu.memory_space<vmem>>) dst(%dma_wait3A_143 : memref<128x64xf32, #tpu.memory_space<hbm>>)
      } else {
      }
      %scan3A_113 = arith.constant 0 : i32
      %scan3A_114 = arith.constant 0 : i32
      %scan3A_115 = arith.constant 8 : i32
      %scan3A_116 = arith.addi %scan3A_114, %scan3A_115 : i32
      %scan3A_117 = arith.constant 1 : i32
      scf.for %scan3A_135 = %scan3A_114 to %scan3A_116 step %scan3A_117  : i32 {
        %mul3A_136 = arith.constant 16 : i32
        %mul3A_137 = arith.muli %scan3A_135, %mul3A_136 : i32
        %add3A_138 = arith.constant 0 : i32
        %add3A_139 = arith.addi %mul3A_137, %add3A_138 : i32
        %get3A = arith.constant 1 : i32
        %get3A_140 = arith.index_cast %get3A : i32 to index
        %get3A_141 = arith.index_cast %add3A_139 : i32 to index
        %get3A_142 = arith.constant 0 : index
        %get3A_143 = tpu.vector_load %arg6[%get3A_140, %get3A_141, %get3A_142] {strides = array<i32>} : memref<2x128x128xf32, #tpu.memory_space<vmem>>, vector<1x1x16xf32>,
        %get3A_144 = vector.shape_cast %get3A_143 : vector<1x1x16xf32> to vector<16xf32>
        %swap3A = arith.constant 1 : i32
        %swap3A_145 = arith.index_cast %swap3A : i32 to index
        %swap3A_146 = arith.index_cast %add3A_139 : i32 to index
        %swap3A_147 = arith.constant 0 : index
        %swap3A_148 = tpu.vector_load %arg7[%swap3A_145, %swap3A_146, %swap3A_147] {strides = array<i32>} : memref<2x128x64xf32, #tpu.memory_space<vmem>>, vector<1x1x16xf32>,
        %swap3A_149 = vector.shape_cast %swap3A_148 : vector<1x1x16xf32> to vector<16xf32>
        %swap3A_150 = vector.shape_cast %get3A_144 : vector<16xf32> to vector<1x1x16xf32>
        tpu.vector_store %arg7[%swap3A_145, %swap3A_146, %swap3A_147], %swap3A_150 {strides = array<i32>} : memref<2x128x64xf32, #tpu.memory_space<vmem>>, vector<1x1x16xf32>,
        %get3A_151 = arith.constant 1 : i32
        %get3A_152 = arith.index_cast %get3A_151 : i32 to index
        %get3A_153 = arith.index_cast %add3A_139 : i32 to index
        %get3A_154 = arith.constant 16 : index
        %get3A_155 = tpu.vector_load %arg6[%get3A_152, %get3A_153, %get3A_154] {strides = array<i32>} : memref<2x128x128xf32, #tpu.memory_space<vmem>>, vector<1x1x16xf32>,
        %get3A_156 = vector.shape_cast %get3A_155 : vector<1x1x16xf32> to vector<16xf32>
        %swap3A_157 = arith.constant 1 : i32
        %swap3A_158 = arith.index_cast %swap3A_157 : i32 to index
        %swap3A_159 = arith.index_cast %add3A_139 : i32 to index
        %swap3A_160 = arith.constant 16 : index
        %swap3A_161 = tpu.vector_load %arg7[%swap3A_158, %swap3A_159, %swap3A_160] {strides = array<i32>} : memref<2x128x64xf32, #tpu.memory_space<vmem>>, vector<1x1x16xf32>,
        %swap3A_162 = vector.shape_cast %swap3A_161 : vector<1x1x16xf32> to vector<16xf32>
        %swap3A_163 = vector.shape_cast %get3A_156 : vector<16xf32> to vector<1x1x16xf32>
        tpu.vector_store %arg7[%swap3A_158, %swap3A_159, %swap3A_160], %swap3A_163 {strides = array<i32>} : memref<2x128x64xf32, #tpu.memory_space<vmem>>, vector<1x1x16xf32>,
        %get3A_164 = arith.constant 1 : i32
        %get3A_165 = arith.index_cast %get3A_164 : i32 to index
        %get3A_166 = arith.index_cast %add3A_139 : i32 to index
        %get3A_167 = arith.constant 32 : index
        %get3A_168 = tpu.vector_load %arg6[%get3A_165, %get3A_166, %get3A_167] {strides = array<i32>} : memref<2x128x128xf32, #tpu.memory_space<vmem>>, vector<1x1x16xf32>,
        %get3A_169 = vector.shape_cast %get3A_168 : vector<1x1x16xf32> to vector<16xf32>
        %swap3A_170 = arith.constant 1 : i32
        %swap3A_171 = arith.index_cast %swap3A_170 : i32 to index
        %swap3A_172 = arith.index_cast %add3A_139 : i32 to index
        %swap3A_173 = arith.constant 32 : index
        %swap3A_174 = tpu.vector_load %arg7[%swap3A_171, %swap3A_172, %swap3A_173] {strides = array<i32>} : memref<2x128x64xf32, #tpu.memory_space<vmem>>, vector<1x1x16xf32>,
        %swap3A_175 = vector.shape_cast %swap3A_174 : vector<1x1x16xf32> to vector<16xf32>
        %swap3A_176 = vector.shape_cast %get3A_169 : vector<16xf32> to vector<1x1x16xf32>
        tpu.vector_store %arg7[%swap3A_171, %swap3A_172, %swap3A_173], %swap3A_176 {strides = array<i32>} : memref<2x128x64xf32, #tpu.memory_space<vmem>>, vector<1x1x16xf32>,
        %get3A_177 = arith.constant 1 : i32
        %get3A_178 = arith.index_cast %get3A_177 : i32 to index
        %get3A_179 = arith.index_cast %add3A_139 : i32 to index
        %get3A_180 = arith.constant 48 : index
        %get3A_181 = tpu.vector_load %arg6[%get3A_178, %get3A_179, %get3A_180] {strides = array<i32>} : memref<2x128x128xf32, #tpu.memory_space<vmem>>, vector<1x1x16xf32>,
        %get3A_182 = vector.shape_cast %get3A_181 : vector<1x1x16xf32> to vector<16xf32>
        %swap3A_183 = arith.constant 1 : i32
        %swap3A_184 = arith.index_cast %swap3A_183 : i32 to index
        %swap3A_185 = arith.index_cast %add3A_139 : i32 to index
        %swap3A_186 = arith.constant 48 : index
        %swap3A_187 = tpu.vector_load %arg7[%swap3A_184, %swap3A_185, %swap3A_186] {strides = array<i32>} : memref<2x128x64xf32, #tpu.memory_space<vmem>>, vector<1x1x16xf32>,
        %swap3A_188 = vector.shape_cast %swap3A_187 : vector<1x1x16xf32> to vector<16xf32>
        %swap3A_189 = vector.shape_cast %get3A_182 : vector<16xf32> to vector<1x1x16xf32>
        tpu.vector_store %arg7[%swap3A_184, %swap3A_185, %swap3A_186], %swap3A_189 {strides = array<i32>} : memref<2x128x64xf32, #tpu.memory_space<vmem>>, vector<1x1x16xf32>,
        %mul3A_190 = arith.constant 16 : i32
        %mul3A_191 = arith.muli %scan3A_135, %mul3A_190 : i32
        %add3A_192 = arith.constant 1 : i32
        %add3A_193 = arith.addi %mul3A_191, %add3A_192 : i32
        %get3A_194 = arith.constant 1 : i32
        %get3A_195 = arith.index_cast %get3A_194 : i32 to index
        %get3A_196 = arith.index_cast %add3A_193 : i32 to index
        %get3A_197 = arith.constant 0 : index
        %get3A_198 = tpu.vector_load %arg6[%get3A_195, %get3A_196, %get3A_197] {strides = array<i32>} : memref<2x128x128xf32, #tpu.memory_space<vmem>>, vector<1x1x16xf32>,
        %get3A_199 = vector.shape_cast %get3A_198 : vector<1x1x16xf32> to vector<16xf32>
        %swap3A_200 = arith.constant 1 : i32
        %swap3A_201 = arith.index_cast %swap3A_200 : i32 to index
        %swap3A_202 = arith.index_cast %add3A_193 : i32 to index
        %swap3A_203 = arith.constant 0 : index
        %swap3A_204 = tpu.vector_load %arg7[%swap3A_201, %swap3A_202, %swap3A_203] {strides = array<i32>} : memref<2x128x64xf32, #tpu.memory_space<vmem>>, vector<1x1x16xf32>,
        %swap3A_205 = vector.shape_cast %swap3A_204 : vector<1x1x16xf32> to vector<16xf32>
        %swap3A_206 = vector.shape_cast %get3A_199 : vector<16xf32> to vector<1x1x16xf32>
        tpu.vector_store %arg7[%swap3A_201, %swap3A_202, %swap3A_203], %swap3A_206 {strides = array<i32>} : memref<2x128x64xf32, #tpu.memory_space<vmem>>, vector<1x1x16xf32>,
        %get3A_207 = arith.constant 1 : i32
        %get3A_208 = arith.index_cast %get3A_207 : i32 to index
        %get3A_209 = arith.index_cast %add3A_193 : i32 to index
        %get3A_210 = arith.constant 16 : index
        %get3A_211 = tpu.vector_load %arg6[%get3A_208, %get3A_209, %get3A_210] {strides = array<i32>} : memref<2x128x128xf32, #tpu.memory_space<vmem>>, vector<1x1x16xf32>,
        %get3A_212 = vector.shape_cast %get3A_211 : vector<1x1x16xf32> to vector<16xf32>
        %swap3A_213 = arith.constant 1 : i32
        %swap3A_214 = arith.index_cast %swap3A_213 : i32 to index
        %swap3A_215 = arith.index_cast %add3A_193 : i32 to index
        %swap3A_216 = arith.constant 16 : index
        %swap3A_217 = tpu.vector_load %arg7[%swap3A_214, %swap3A_215, %swap3A_216] {strides = array<i32>} : memref<2x128x64xf32, #tpu.memory_space<vmem>>, vector<1x1x16xf32>,
        %swap3A_218 = vector.shape_cast %swap3A_217 : vector<1x1x16xf32> to vector<16xf32>
        %swap3A_219 = vector.shape_cast %get3A_212 : vector<16xf32> to vector<1x1x16xf32>
        tpu.vector_store %arg7[%swap3A_214, %swap3A_215, %swap3A_216], %swap3A_219 {strides = array<i32>} : memref<2x128x64xf32, #tpu.memory_space<vmem>>, vector<1x1x16xf32>,
        %get3A_220 = arith.constant 1 : i32
        %get3A_221 = arith.index_cast %get3A_220 : i32 to index
        %get3A_222 = arith.index_cast %add3A_193 : i32 to index
        %get3A_223 = arith.constant 32 : index
        %get3A_224 = tpu.vector_load %arg6[%get3A_221, %get3A_222, %get3A_223] {strides = array<i32>} : memref<2x128x128xf32, #tpu.memory_space<vmem>>, vector<1x1x16xf32>,
        %get3A_225 = vector.shape_cast %get3A_224 : vector<1x1x16xf32> to vector<16xf32>
        %swap3A_226 = arith.constant 1 : i32
        %swap3A_227 = arith.index_cast %swap3A_226 : i32 to index
        %swap3A_228 = arith.index_cast %add3A_193 : i32 to index
        %swap3A_229 = arith.constant 32 : index
        %swap3A_230 = tpu.vector_load %arg7[%swap3A_227, %swap3A_228, %swap3A_229] {strides = array<i32>} : memref<2x128x64xf32, #tpu.memory_space<vmem>>, vector<1x1x16xf32>,
        %swap3A_231 = vector.shape_cast %swap3A_230 : vector<1x1x16xf32> to vector<16xf32>
        %swap3A_232 = vector.shape_cast %get3A_225 : vector<16xf32> to vector<1x1x16xf32>
        tpu.vector_store %arg7[%swap3A_227, %swap3A_228, %swap3A_229], %swap3A_232 {strides = array<i32>} : memref<2x128x64xf32, #tpu.memory_space<vmem>>, vector<1x1x16xf32>,
        %get3A_233 = arith.constant 1 : i32
        %get3A_234 = arith.index_cast %get3A_233 : i32 to index
        %get3A_235 = arith.index_cast %add3A_193 : i32 to index
        %get3A_236 = arith.constant 48 : index
        %get3A_237 = tpu.vector_load %arg6[%get3A_234, %get3A_235, %get3A_236] {strides = array<i32>} : memref<2x128x128xf32, #tpu.memory_space<vmem>>, vector<1x1x16xf32>,
        %get3A_238 = vector.shape_cast %get3A_237 : vector<1x1x16xf32> to vector<16xf32>
        %swap3A_239 = arith.constant 1 : i32
        %swap3A_240 = arith.index_cast %swap3A_239 : i32 to index
        %swap3A_241 = arith.index_cast %add3A_193 : i32 to index
        %swap3A_242 = arith.constant 48 : index
        %swap3A_243 = tpu.vector_load %arg7[%swap3A_240, %swap3A_241, %swap3A_242] {strides = array<i32>} : memref<2x128x64xf32, #tpu.memory_space<vmem>>, vector<1x1x16xf32>,
        %swap3A_244 = vector.shape_cast %swap3A_243 : vector<1x1x16xf32> to vector<16xf32>
        %swap3A_245 = vector.shape_cast %get3A_238 : vector<16xf32> to vector<1x1x16xf32>
        tpu.vector_store %arg7[%swap3A_240, %swap3A_241, %swap3A_242], %swap3A_245 {strides = array<i32>} : memref<2x128x64xf32, #tpu.memory_space<vmem>>, vector<1x1x16xf32>,
        %mul3A_246 = arith.constant 16 : i32
        %mul3A_247 = arith.muli %scan3A_135, %mul3A_246 : i32
        %add3A_248 = arith.constant 2 : i32
        %add3A_249 = arith.addi %mul3A_247, %add3A_248 : i32
        %get3A_250 = arith.constant 1 : i32
        %get3A_251 = arith.index_cast %get3A_250 : i32 to index
        %get3A_252 = arith.index_cast %add3A_249 : i32 to index
        %get3A_253 = arith.constant 0 : index
        %get3A_254 = tpu.vector_load %arg6[%get3A_251, %get3A_252, %get3A_253] {strides = array<i32>} : memref<2x128x128xf32, #tpu.memory_space<vmem>>, vector<1x1x16xf32>,
        %get3A_255 = vector.shape_cast %get3A_254 : vector<1x1x16xf32> to vector<16xf32>
        %swap3A_256 = arith.constant 1 : i32
        %swap3A_257 = arith.index_cast %swap3A_256 : i32 to index
        %swap3A_258 = arith.index_cast %add3A_249 : i32 to index
        %swap3A_259 = arith.constant 0 : index
        %swap3A_260 = tpu.vector_load %arg7[%swap3A_257, %swap3A_258, %swap3A_259] {strides = array<i32>} : memref<2x128x64xf32, #tpu.memory_space<vmem>>, vector<1x1x16xf32>,
        %swap3A_261 = vector.shape_cast %swap3A_260 : vector<1x1x16xf32> to vector<16xf32>
        %swap3A_262 = vector.shape_cast %get3A_255 : vector<16xf32> to vector<1x1x16xf32>
        tpu.vector_store %arg7[%swap3A_257, %swap3A_258, %swap3A_259], %swap3A_262 {strides = array<i32>} : memref<2x128x64xf32, #tpu.memory_space<vmem>>, vector<1x1x16xf32>,
        %get3A_263 = arith.constant 1 : i32
        %get3A_264 = arith.index_cast %get3A_263 : i32 to index
        %get3A_265 = arith.index_cast %add3A_249 : i32 to index
        %get3A_266 = arith.constant 16 : index
        %get3A_267 = tpu.vector_load %arg6[%get3A_264, %get3A_265, %get3A_266] {strides = array<i32>} : memref<2x128x128xf32, #tpu.memory_space<vmem>>, vector<1x1x16xf32>,
        %get3A_268 = vector.shape_cast %get3A_267 : vector<1x1x16xf32> to vector<16xf32>
        %swap3A_269 = arith.constant 1 : i32
        %swap3A_270 = arith.index_cast %swap3A_269 : i32 to index
        %swap3A_271 = arith.index_cast %add3A_249 : i32 to index
        %swap3A_272 = arith.constant 16 : index
        %swap3A_273 = tpu.vector_load %arg7[%swap3A_270, %swap3A_271, %swap3A_272] {strides = array<i32>} : memref<2x128x64xf32, #tpu.memory_space<vmem>>, vector<1x1x16xf32>,
        %swap3A_274 = vector.shape_cast %swap3A_273 : vector<1x1x16xf32> to vector<16xf32>
        %swap3A_275 = vector.shape_cast %get3A_268 : vector<16xf32> to vector<1x1x16xf32>
        tpu.vector_store %arg7[%swap3A_270, %swap3A_271, %swap3A_272], %swap3A_275 {strides = array<i32>} : memref<2x128x64xf32, #tpu.memory_space<vmem>>, vector<1x1x16xf32>,
        %get3A_276 = arith.constant 1 : i32
        %get3A_277 = arith.index_cast %get3A_276 : i32 to index
        %get3A_278 = arith.index_cast %add3A_249 : i32 to index
        %get3A_279 = arith.constant 32 : index
        %get3A_280 = tpu.vector_load %arg6[%get3A_277, %get3A_278, %get3A_279] {strides = array<i32>} : memref<2x128x128xf32, #tpu.memory_space<vmem>>, vector<1x1x16xf32>,
        %get3A_281 = vector.shape_cast %get3A_280 : vector<1x1x16xf32> to vector<16xf32>
        %swap3A_282 = arith.constant 1 : i32
        %swap3A_283 = arith.index_cast %swap3A_282 : i32 to index
        %swap3A_284 = arith.index_cast %add3A_249 : i32 to index
        %swap3A_285 = arith.constant 32 : index
        %swap3A_286 = tpu.vector_load %arg7[%swap3A_283, %swap3A_284, %swap3A_285] {strides = array<i32>} : memref<2x128x64xf32, #tpu.memory_space<vmem>>, vector<1x1x16xf32>,
        %swap3A_287 = vector.shape_cast %swap3A_286 : vector<1x1x16xf32> to vector<16xf32>
        %swap3A_288 = vector.shape_cast %get3A_281 : vector<16xf32> to vector<1x1x16xf32>
        tpu.vector_store %arg7[%swap3A_283, %swap3A_284, %swap3A_285], %swap3A_288 {strides = array<i32>} : memref<2x128x64xf32, #tpu.memory_space<vmem>>, vector<1x1x16xf32>,
        %get3A_289 = arith.constant 1 : i32
        %get3A_290 = arith.index_cast %get3A_289 : i32 to index
        %get3A_291 = arith.index_cast %add3A_249 : i32 to index
        %get3A_292 = arith.constant 48 : index
        %get3A_293 = tpu.vector_load %arg6[%get3A_290, %get3A_291, %get3A_292] {strides = array<i32>} : memref<2x128x128xf32, #tpu.memory_space<vmem>>, vector<1x1x16xf32>,
        %get3A_294 = vector.shape_cast %get3A_293 : vector<1x1x16xf32> to vector<16xf32>
        %swap3A_295 = arith.constant 1 : i32
        %swap3A_296 = arith.index_cast %swap3A_295 : i32 to index
        %swap3A_297 = arith.index_cast %add3A_249 : i32 to index
        %swap3A_298 = arith.constant 48 : index
        %swap3A_299 = tpu.vector_load %arg7[%swap3A_296, %swap3A_297, %swap3A_298] {strides = array<i32>} : memref<2x128x64xf32, #tpu.memory_space<vmem>>, vector<1x1x16xf32>,
        %swap3A_300 = vector.shape_cast %swap3A_299 : vector<1x1x16xf32> to vector<16xf32>
        %swap3A_301 = vector.shape_cast %get3A_294 : vector<16xf32> to vector<1x1x16xf32>
        tpu.vector_store %arg7[%swap3A_296, %swap3A_297, %swap3A_298], %swap3A_301 {strides = array<i32>} : memref<2x128x64xf32, #tpu.memory_space<vmem>>, vector<1x1x16xf32>,
        %mul3A_302 = arith.constant 16 : i32
        %mul3A_303 = arith.muli %scan3A_135, %mul3A_302 : i32
        %add3A_304 = arith.constant 3 : i32
        %add3A_305 = arith.addi %mul3A_303, %add3A_304 : i32
        %get3A_306 = arith.constant 1 : i32
        %get3A_307 = arith.index_cast %get3A_306 : i32 to index
        %get3A_308 = arith.index_cast %add3A_305 : i32 to index
        %get3A_309 = arith.constant 0 : index
        %get3A_310 = tpu.vector_load %arg6[%get3A_307, %get3A_308, %get3A_309] {strides = array<i32>} : memref<2x128x128xf32, #tpu.memory_space<vmem>>, vector<1x1x16xf32>,
        %get3A_311 = vector.shape_cast %get3A_310 : vector<1x1x16xf32> to vector<16xf32>
        %swap3A_312 = arith.constant 1 : i32
        %swap3A_313 = arith.index_cast %swap3A_312 : i32 to index
        %swap3A_314 = arith.index_cast %add3A_305 : i32 to index
        %swap3A_315 = arith.constant 0 : index
        %swap3A_316 = tpu.vector_load %arg7[%swap3A_313, %swap3A_314, %swap3A_315] {strides = array<i32>} : memref<2x128x64xf32, #tpu.memory_space<vmem>>, vector<1x1x16xf32>,
        %swap3A_317 = vector.shape_cast %swap3A_316 : vector<1x1x16xf32> to vector<16xf32>
        %swap3A_318 = vector.shape_cast %get3A_311 : vector<16xf32> to vector<1x1x16xf32>
        tpu.vector_store %arg7[%swap3A_313, %swap3A_314, %swap3A_315], %swap3A_318 {strides = array<i32>} : memref<2x128x64xf32, #tpu.memory_space<vmem>>, vector<1x1x16xf32>,
        %get3A_319 = arith.constant 1 : i32
        %get3A_320 = arith.index_cast %get3A_319 : i32 to index
        %get3A_321 = arith.index_cast %add3A_305 : i32 to index
        %get3A_322 = arith.constant 16 : index
        %get3A_323 = tpu.vector_load %arg6[%get3A_320, %get3A_321, %get3A_322] {strides = array<i32>} : memref<2x128x128xf32, #tpu.memory_space<vmem>>, vector<1x1x16xf32>,
        %get3A_324 = vector.shape_cast %get3A_323 : vector<1x1x16xf32> to vector<16xf32>
        %swap3A_325 = arith.constant 1 : i32
        %swap3A_326 = arith.index_cast %swap3A_325 : i32 to index
        %swap3A_327 = arith.index_cast %add3A_305 : i32 to index
        %swap3A_328 = arith.constant 16 : index
        %swap3A_329 = tpu.vector_load %arg7[%swap3A_326, %swap3A_327, %swap3A_328] {strides = array<i32>} : memref<2x128x64xf32, #tpu.memory_space<vmem>>, vector<1x1x16xf32>,
        %swap3A_330 = vector.shape_cast %swap3A_329 : vector<1x1x16xf32> to vector<16xf32>
        %swap3A_331 = vector.shape_cast %get3A_324 : vector<16xf32> to vector<1x1x16xf32>
        tpu.vector_store %arg7[%swap3A_326, %swap3A_327, %swap3A_328], %swap3A_331 {strides = array<i32>} : memref<2x128x64xf32, #tpu.memory_space<vmem>>, vector<1x1x16xf32>,
        %get3A_332 = arith.constant 1 : i32
        %get3A_333 = arith.index_cast %get3A_332 : i32 to index
        %get3A_334 = arith.index_cast %add3A_305 : i32 to index
        %get3A_335 = arith.constant 32 : index
        %get3A_336 = tpu.vector_load %arg6[%get3A_333, %get3A_334, %get3A_335] {strides = array<i32>} : memref<2x128x128xf32, #tpu.memory_space<vmem>>, vector<1x1x16xf32>,
        %get3A_337 = vector.shape_cast %get3A_336 : vector<1x1x16xf32> to vector<16xf32>
        %swap3A_338 = arith.constant 1 : i32
        %swap3A_339 = arith.index_cast %swap3A_338 : i32 to index
        %swap3A_340 = arith.index_cast %add3A_305 : i32 to index
        %swap3A_341 = arith.constant 32 : index
        %swap3A_342 = tpu.vector_load %arg7[%swap3A_339, %swap3A_340, %swap3A_341] {strides = array<i32>} : memref<2x128x64xf32, #tpu.memory_space<vmem>>, vector<1x1x16xf32>,
        %swap3A_343 = vector.shape_cast %swap3A_342 : vector<1x1x16xf32> to vector<16xf32>
        %swap3A_344 = vector.shape_cast %get3A_337 : vector<16xf32> to vector<1x1x16xf32>
        tpu.vector_store %arg7[%swap3A_339, %swap3A_340, %swap3A_341], %swap3A_344 {strides = array<i32>} : memref<2x128x64xf32, #tpu.memory_space<vmem>>, vector<1x1x16xf32>,
        %get3A_345 = arith.constant 1 : i32
        %get3A_346 = arith.index_cast %get3A_345 : i32 to index
        %get3A_347 = arith.index_cast %add3A_305 : i32 to index
        %get3A_348 = arith.constant 48 : index
        %get3A_349 = tpu.vector_load %arg6[%get3A_346, %get3A_347, %get3A_348] {strides = array<i32>} : memref<2x128x128xf32, #tpu.memory_space<vmem>>, vector<1x1x16xf32>,
        %get3A_350 = vector.shape_cast %get3A_349 : vector<1x1x16xf32> to vector<16xf32>
        %swap3A_351 = arith.constant 1 : i32
        %swap3A_352 = arith.index_cast %swap3A_351 : i32 to index
        %swap3A_353 = arith.index_cast %add3A_305 : i32 to index
        %swap3A_354 = arith.constant 48 : index
        %swap3A_355 = tpu.vector_load %arg7[%swap3A_352, %swap3A_353, %swap3A_354] {strides = array<i32>} : memref<2x128x64xf32, #tpu.memory_space<vmem>>, vector<1x1x16xf32>,
        %swap3A_356 = vector.shape_cast %swap3A_355 : vector<1x1x16xf32> to vector<16xf32>
        %swap3A_357 = vector.shape_cast %get3A_350 : vector<16xf32> to vector<1x1x16xf32>
        tpu.vector_store %arg7[%swap3A_352, %swap3A_353, %swap3A_354], %swap3A_357 {strides = array<i32>} : memref<2x128x64xf32, #tpu.memory_space<vmem>>, vector<1x1x16xf32>,
        %mul3A_358 = arith.constant 16 : i32
        %mul3A_359 = arith.muli %scan3A_135, %mul3A_358 : i32
        %add3A_360 = arith.constant 4 : i32
        %add3A_361 = arith.addi %mul3A_359, %add3A_360 : i32
        %get3A_362 = arith.constant 1 : i32
        %get3A_363 = arith.index_cast %get3A_362 : i32 to index
        %get3A_364 = arith.index_cast %add3A_361 : i32 to index
        %get3A_365 = arith.constant 0 : index
        %get3A_366 = tpu.vector_load %arg6[%get3A_363, %get3A_364, %get3A_365] {strides = array<i32>} : memref<2x128x128xf32, #tpu.memory_space<vmem>>, vector<1x1x16xf32>,
        %get3A_367 = vector.shape_cast %get3A_366 : vector<1x1x16xf32> to vector<16xf32>
        %swap3A_368 = arith.constant 1 : i32
        %swap3A_369 = arith.index_cast %swap3A_368 : i32 to index
        %swap3A_370 = arith.index_cast %add3A_361 : i32 to index
        %swap3A_371 = arith.constant 0 : index
        %swap3A_372 = tpu.vector_load %arg7[%swap3A_369, %swap3A_370, %swap3A_371] {strides = array<i32>} : memref<2x128x64xf32, #tpu.memory_space<vmem>>, vector<1x1x16xf32>,
        %swap3A_373 = vector.shape_cast %swap3A_372 : vector<1x1x16xf32> to vector<16xf32>
        %swap3A_374 = vector.shape_cast %get3A_367 : vector<16xf32> to vector<1x1x16xf32>
        tpu.vector_store %arg7[%swap3A_369, %swap3A_370, %swap3A_371], %swap3A_374 {strides = array<i32>} : memref<2x128x64xf32, #tpu.memory_space<vmem>>, vector<1x1x16xf32>,
        %get3A_375 = arith.constant 1 : i32
        %get3A_376 = arith.index_cast %get3A_375 : i32 to index
        %get3A_377 = arith.index_cast %add3A_361 : i32 to index
        %get3A_378 = arith.constant 16 : index
        %get3A_379 = tpu.vector_load %arg6[%get3A_376, %get3A_377, %get3A_378] {strides = array<i32>} : memref<2x128x128xf32, #tpu.memory_space<vmem>>, vector<1x1x16xf32>,
        %get3A_380 = vector.shape_cast %get3A_379 : vector<1x1x16xf32> to vector<16xf32>
        %swap3A_381 = arith.constant 1 : i32
        %swap3A_382 = arith.index_cast %swap3A_381 : i32 to index
        %swap3A_383 = arith.index_cast %add3A_361 : i32 to index
        %swap3A_384 = arith.constant 16 : index
        %swap3A_385 = tpu.vector_load %arg7[%swap3A_382, %swap3A_383, %swap3A_384] {strides = array<i32>} : memref<2x128x64xf32, #tpu.memory_space<vmem>>, vector<1x1x16xf32>,
        %swap3A_386 = vector.shape_cast %swap3A_385 : vector<1x1x16xf32> to vector<16xf32>
        %swap3A_387 = vector.shape_cast %get3A_380 : vector<16xf32> to vector<1x1x16xf32>
        tpu.vector_store %arg7[%swap3A_382, %swap3A_383, %swap3A_384], %swap3A_387 {strides = array<i32>} : memref<2x128x64xf32, #tpu.memory_space<vmem>>, vector<1x1x16xf32>,
        %get3A_388 = arith.constant 1 : i32
        %get3A_389 = arith.index_cast %get3A_388 : i32 to index
        %get3A_390 = arith.index_cast %add3A_361 : i32 to index
        %get3A_391 = arith.constant 32 : index
        %get3A_392 = tpu.vector_load %arg6[%get3A_389, %get3A_390, %get3A_391] {strides = array<i32>} : memref<2x128x128xf32, #tpu.memory_space<vmem>>, vector<1x1x16xf32>,
        %get3A_393 = vector.shape_cast %get3A_392 : vector<1x1x16xf32> to vector<16xf32>
        %swap3A_394 = arith.constant 1 : i32
        %swap3A_395 = arith.index_cast %swap3A_394 : i32 to index
        %swap3A_396 = arith.index_cast %add3A_361 : i32 to index
        %swap3A_397 = arith.constant 32 : index
        %swap3A_398 = tpu.vector_load %arg7[%swap3A_395, %swap3A_396, %swap3A_397] {strides = array<i32>} : memref<2x128x64xf32, #tpu.memory_space<vmem>>, vector<1x1x16xf32>,
        %swap3A_399 = vector.shape_cast %swap3A_398 : vector<1x1x16xf32> to vector<16xf32>
        %swap3A_400 = vector.shape_cast %get3A_393 : vector<16xf32> to vector<1x1x16xf32>
        tpu.vector_store %arg7[%swap3A_395, %swap3A_396, %swap3A_397], %swap3A_400 {strides = array<i32>} : memref<2x128x64xf32, #tpu.memory_space<vmem>>, vector<1x1x16xf32>,
        %get3A_401 = arith.constant 1 : i32
        %get3A_402 = arith.index_cast %get3A_401 : i32 to index
        %get3A_403 = arith.index_cast %add3A_361 : i32 to index
        %get3A_404 = arith.constant 48 : index
        %get3A_405 = tpu.vector_load %arg6[%get3A_402, %get3A_403, %get3A_404] {strides = array<i32>} : memref<2x128x128xf32, #tpu.memory_space<vmem>>, vector<1x1x16xf32>,
        %get3A_406 = vector.shape_cast %get3A_405 : vector<1x1x16xf32> to vector<16xf32>
        %swap3A_407 = arith.constant 1 : i32
        %swap3A_408 = arith.index_cast %swap3A_407 : i32 to index
        %swap3A_409 = arith.index_cast %add3A_361 : i32 to index
        %swap3A_410 = arith.constant 48 : index
        %swap3A_411 = tpu.vector_load %arg7[%swap3A_408, %swap3A_409, %swap3A_410] {strides = array<i32>} : memref<2x128x64xf32, #tpu.memory_space<vmem>>, vector<1x1x16xf32>,
        %swap3A_412 = vector.shape_cast %swap3A_411 : vector<1x1x16xf32> to vector<16xf32>
        %swap3A_413 = vector.shape_cast %get3A_406 : vector<16xf32> to vector<1x1x16xf32>
        tpu.vector_store %arg7[%swap3A_408, %swap3A_409, %swap3A_410], %swap3A_413 {strides = array<i32>} : memref<2x128x64xf32, #tpu.memory_space<vmem>>, vector<1x1x16xf32>,
        %mul3A_414 = arith.constant 16 : i32
        %mul3A_415 = arith.muli %scan3A_135, %mul3A_414 : i32
        %add3A_416 = arith.constant 5 : i32
        %add3A_417 = arith.addi %mul3A_415, %add3A_416 : i32
        %get3A_418 = arith.constant 1 : i32
        %get3A_419 = arith.index_cast %get3A_418 : i32 to index
        %get3A_420 = arith.index_cast %add3A_417 : i32 to index
        %get3A_421 = arith.constant 0 : index
        %get3A_422 = tpu.vector_load %arg6[%get3A_419, %get3A_420, %get3A_421] {strides = array<i32>} : memref<2x128x128xf32, #tpu.memory_space<vmem>>, vector<1x1x16xf32>,
        %get3A_423 = vector.shape_cast %get3A_422 : vector<1x1x16xf32> to vector<16xf32>
        %swap3A_424 = arith.constant 1 : i32
        %swap3A_425 = arith.index_cast %swap3A_424 : i32 to index
        %swap3A_426 = arith.index_cast %add3A_417 : i32 to index
        %swap3A_427 = arith.constant 0 : index
        %swap3A_428 = tpu.vector_load %arg7[%swap3A_425, %swap3A_426, %swap3A_427] {strides = array<i32>} : memref<2x128x64xf32, #tpu.memory_space<vmem>>, vector<1x1x16xf32>,
        %swap3A_429 = vector.shape_cast %swap3A_428 : vector<1x1x16xf32> to vector<16xf32>
        %swap3A_430 = vector.shape_cast %get3A_423 : vector<16xf32> to vector<1x1x16xf32>
        tpu.vector_store %arg7[%swap3A_425, %swap3A_426, %swap3A_427], %swap3A_430 {strides = array<i32>} : memref<2x128x64xf32, #tpu.memory_space<vmem>>, vector<1x1x16xf32>,
        %get3A_431 = arith.constant 1 : i32
        %get3A_432 = arith.index_cast %get3A_431 : i32 to index
        %get3A_433 = arith.index_cast %add3A_417 : i32 to index
        %get3A_434 = arith.constant 16 : index
        %get3A_435 = tpu.vector_load %arg6[%get3A_432, %get3A_433, %get3A_434] {strides = array<i32>} : memref<2x128x128xf32, #tpu.memory_space<vmem>>, vector<1x1x16xf32>,
        %get3A_436 = vector.shape_cast %get3A_435 : vector<1x1x16xf32> to vector<16xf32>
        %swap3A_437 = arith.constant 1 : i32
        %swap3A_438 = arith.index_cast %swap3A_437 : i32 to index
        %swap3A_439 = arith.index_cast %add3A_417 : i32 to index
        %swap3A_440 = arith.constant 16 : index
        %swap3A_441 = tpu.vector_load %arg7[%swap3A_438, %swap3A_439, %swap3A_440] {strides = array<i32>} : memref<2x128x64xf32, #tpu.memory_space<vmem>>, vector<1x1x16xf32>,
        %swap3A_442 = vector.shape_cast %swap3A_441 : vector<1x1x16xf32> to vector<16xf32>
        %swap3A_443 = vector.shape_cast %get3A_436 : vector<16xf32> to vector<1x1x16xf32>
        tpu.vector_store %arg7[%swap3A_438, %swap3A_439, %swap3A_440], %swap3A_443 {strides = array<i32>} : memref<2x128x64xf32, #tpu.memory_space<vmem>>, vector<1x1x16xf32>,
        %get3A_444 = arith.constant 1 : i32
        %get3A_445 = arith.index_cast %get3A_444 : i32 to index
        %get3A_446 = arith.index_cast %add3A_417 : i32 to index
        %get3A_447 = arith.constant 32 : index
        %get3A_448 = tpu.vector_load %arg6[%get3A_445, %get3A_446, %get3A_447] {strides = array<i32>} : memref<2x128x128xf32, #tpu.memory_space<vmem>>, vector<1x1x16xf32>,
        %get3A_449 = vector.shape_cast %get3A_448 : vector<1x1x16xf32> to vector<16xf32>
        %swap3A_450 = arith.constant 1 : i32
        %swap3A_451 = arith.index_cast %swap3A_450 : i32 to index
        %swap3A_452 = arith.index_cast %add3A_417 : i32 to index
        %swap3A_453 = arith.constant 32 : index
        %swap3A_454 = tpu.vector_load %arg7[%swap3A_451, %swap3A_452, %swap3A_453] {strides = array<i32>} : memref<2x128x64xf32, #tpu.memory_space<vmem>>, vector<1x1x16xf32>,
        %swap3A_455 = vector.shape_cast %swap3A_454 : vector<1x1x16xf32> to vector<16xf32>
        %swap3A_456 = vector.shape_cast %get3A_449 : vector<16xf32> to vector<1x1x16xf32>
        tpu.vector_store %arg7[%swap3A_451, %swap3A_452, %swap3A_453], %swap3A_456 {strides = array<i32>} : memref<2x128x64xf32, #tpu.memory_space<vmem>>, vector<1x1x16xf32>,
        %get3A_457 = arith.constant 1 : i32
        %get3A_458 = arith.index_cast %get3A_457 : i32 to index
        %get3A_459 = arith.index_cast %add3A_417 : i32 to index
        %get3A_460 = arith.constant 48 : index
        %get3A_461 = tpu.vector_load %arg6[%get3A_458, %get3A_459, %get3A_460] {strides = array<i32>} : memref<2x128x128xf32, #tpu.memory_space<vmem>>, vector<1x1x16xf32>,
        %get3A_462 = vector.shape_cast %get3A_461 : vector<1x1x16xf32> to vector<16xf32>
        %swap3A_463 = arith.constant 1 : i32
        %swap3A_464 = arith.index_cast %swap3A_463 : i32 to index
        %swap3A_465 = arith.index_cast %add3A_417 : i32 to index
        %swap3A_466 = arith.constant 48 : index
        %swap3A_467 = tpu.vector_load %arg7[%swap3A_464, %swap3A_465, %swap3A_466] {strides = array<i32>} : memref<2x128x64xf32, #tpu.memory_space<vmem>>, vector<1x1x16xf32>,
        %swap3A_468 = vector.shape_cast %swap3A_467 : vector<1x1x16xf32> to vector<16xf32>
        %swap3A_469 = vector.shape_cast %get3A_462 : vector<16xf32> to vector<1x1x16xf32>
        tpu.vector_store %arg7[%swap3A_464, %swap3A_465, %swap3A_466], %swap3A_469 {strides = array<i32>} : memref<2x128x64xf32, #tpu.memory_space<vmem>>, vector<1x1x16xf32>,
        %mul3A_470 = arith.constant 16 : i32
        %mul3A_471 = arith.muli %scan3A_135, %mul3A_470 : i32
        %add3A_472 = arith.constant 6 : i32
        %add3A_473 = arith.addi %mul3A_471, %add3A_472 : i32
        %get3A_474 = arith.constant 1 : i32
        %get3A_475 = arith.index_cast %get3A_474 : i32 to index
        %get3A_476 = arith.index_cast %add3A_473 : i32 to index
        %get3A_477 = arith.constant 0 : index
        %get3A_478 = tpu.vector_load %arg6[%get3A_475, %get3A_476, %get3A_477] {strides = array<i32>} : memref<2x128x128xf32, #tpu.memory_space<vmem>>, vector<1x1x16xf32>,
        %get3A_479 = vector.shape_cast %get3A_478 : vector<1x1x16xf32> to vector<16xf32>
        %swap3A_480 = arith.constant 1 : i32
        %swap3A_481 = arith.index_cast %swap3A_480 : i32 to index
        %swap3A_482 = arith.index_cast %add3A_473 : i32 to index
        %swap3A_483 = arith.constant 0 : index
        %swap3A_484 = tpu.vector_load %arg7[%swap3A_481, %swap3A_482, %swap3A_483] {strides = array<i32>} : memref<2x128x64xf32, #tpu.memory_space<vmem>>, vector<1x1x16xf32>,
        %swap3A_485 = vector.shape_cast %swap3A_484 : vector<1x1x16xf32> to vector<16xf32>
        %swap3A_486 = vector.shape_cast %get3A_479 : vector<16xf32> to vector<1x1x16xf32>
        tpu.vector_store %arg7[%swap3A_481, %swap3A_482, %swap3A_483], %swap3A_486 {strides = array<i32>} : memref<2x128x64xf32, #tpu.memory_space<vmem>>, vector<1x1x16xf32>,
        %get3A_487 = arith.constant 1 : i32
        %get3A_488 = arith.index_cast %get3A_487 : i32 to index
        %get3A_489 = arith.index_cast %add3A_473 : i32 to index
        %get3A_490 = arith.constant 16 : index
        %get3A_491 = tpu.vector_load %arg6[%get3A_488, %get3A_489, %get3A_490] {strides = array<i32>} : memref<2x128x128xf32, #tpu.memory_space<vmem>>, vector<1x1x16xf32>,
        %get3A_492 = vector.shape_cast %get3A_491 : vector<1x1x16xf32> to vector<16xf32>
        %swap3A_493 = arith.constant 1 : i32
        %swap3A_494 = arith.index_cast %swap3A_493 : i32 to index
        %swap3A_495 = arith.index_cast %add3A_473 : i32 to index
        %swap3A_496 = arith.constant 16 : index
        %swap3A_497 = tpu.vector_load %arg7[%swap3A_494, %swap3A_495, %swap3A_496] {strides = array<i32>} : memref<2x128x64xf32, #tpu.memory_space<vmem>>, vector<1x1x16xf32>,
        %swap3A_498 = vector.shape_cast %swap3A_497 : vector<1x1x16xf32> to vector<16xf32>
        %swap3A_499 = vector.shape_cast %get3A_492 : vector<16xf32> to vector<1x1x16xf32>
        tpu.vector_store %arg7[%swap3A_494, %swap3A_495, %swap3A_496], %swap3A_499 {strides = array<i32>} : memref<2x128x64xf32, #tpu.memory_space<vmem>>, vector<1x1x16xf32>,
        %get3A_500 = arith.constant 1 : i32
        %get3A_501 = arith.index_cast %get3A_500 : i32 to index
        %get3A_502 = arith.index_cast %add3A_473 : i32 to index
        %get3A_503 = arith.constant 32 : index
        %get3A_504 = tpu.vector_load %arg6[%get3A_501, %get3A_502, %get3A_503] {strides = array<i32>} : memref<2x128x128xf32, #tpu.memory_space<vmem>>, vector<1x1x16xf32>,
        %get3A_505 = vector.shape_cast %get3A_504 : vector<1x1x16xf32> to vector<16xf32>
        %swap3A_506 = arith.constant 1 : i32
        %swap3A_507 = arith.index_cast %swap3A_506 : i32 to index
        %swap3A_508 = arith.index_cast %add3A_473 : i32 to index
        %swap3A_509 = arith.constant 32 : index
        %swap3A_510 = tpu.vector_load %arg7[%swap3A_507, %swap3A_508, %swap3A_509] {strides = array<i32>} : memref<2x128x64xf32, #tpu.memory_space<vmem>>, vector<1x1x16xf32>,
        %swap3A_511 = vector.shape_cast %swap3A_510 : vector<1x1x16xf32> to vector<16xf32>
        %swap3A_512 = vector.shape_cast %get3A_505 : vector<16xf32> to vector<1x1x16xf32>
        tpu.vector_store %arg7[%swap3A_507, %swap3A_508, %swap3A_509], %swap3A_512 {strides = array<i32>} : memref<2x128x64xf32, #tpu.memory_space<vmem>>, vector<1x1x16xf32>,
        %get3A_513 = arith.constant 1 : i32
        %get3A_514 = arith.index_cast %get3A_513 : i32 to index
        %get3A_515 = arith.index_cast %add3A_473 : i32 to index
        %get3A_516 = arith.constant 48 : index
        %get3A_517 = tpu.vector_load %arg6[%get3A_514, %get3A_515, %get3A_516] {strides = array<i32>} : memref<2x128x128xf32, #tpu.memory_space<vmem>>, vector<1x1x16xf32>,
        %get3A_518 = vector.shape_cast %get3A_517 : vector<1x1x16xf32> to vector<16xf32>
        %swap3A_519 = arith.constant 1 : i32
        %swap3A_520 = arith.index_cast %swap3A_519 : i32 to index
        %swap3A_521 = arith.index_cast %add3A_473 : i32 to index
        %swap3A_522 = arith.constant 48 : index
        %swap3A_523 = tpu.vector_load %arg7[%swap3A_520, %swap3A_521, %swap3A_522] {strides = array<i32>} : memref<2x128x64xf32, #tpu.memory_space<vmem>>, vector<1x1x16xf32>,
        %swap3A_524 = vector.shape_cast %swap3A_523 : vector<1x1x16xf32> to vector<16xf32>
        %swap3A_525 = vector.shape_cast %get3A_518 : vector<16xf32> to vector<1x1x16xf32>
        tpu.vector_store %arg7[%swap3A_520, %swap3A_521, %swap3A_522], %swap3A_525 {strides = array<i32>} : memref<2x128x64xf32, #tpu.memory_space<vmem>>, vector<1x1x16xf32>,
        %mul3A_526 = arith.constant 16 : i32
        %mul3A_527 = arith.muli %scan3A_135, %mul3A_526 : i32
        %add3A_528 = arith.constant 7 : i32
        %add3A_529 = arith.addi %mul3A_527, %add3A_528 : i32
        %get3A_530 = arith.constant 1 : i32
        %get3A_531 = arith.index_cast %get3A_530 : i32 to index
        %get3A_532 = arith.index_cast %add3A_529 : i32 to index
        %get3A_533 = arith.constant 0 : index
        %get3A_534 = tpu.vector_load %arg6[%get3A_531, %get3A_532, %get3A_533] {strides = array<i32>} : memref<2x128x128xf32, #tpu.memory_space<vmem>>, vector<1x1x16xf32>,
        %get3A_535 = vector.shape_cast %get3A_534 : vector<1x1x16xf32> to vector<16xf32>
        %swap3A_536 = arith.constant 1 : i32
        %swap3A_537 = arith.index_cast %swap3A_536 : i32 to index
        %swap3A_538 = arith.index_cast %add3A_529 : i32 to index
        %swap3A_539 = arith.constant 0 : index
        %swap3A_540 = tpu.vector_load %arg7[%swap3A_537, %swap3A_538, %swap3A_539] {strides = array<i32>} : memref<2x128x64xf32, #tpu.memory_space<vmem>>, vector<1x1x16xf32>,
        %swap3A_541 = vector.shape_cast %swap3A_540 : vector<1x1x16xf32> to vector<16xf32>
        %swap3A_542 = vector.shape_cast %get3A_535 : vector<16xf32> to vector<1x1x16xf32>
        tpu.vector_store %arg7[%swap3A_537, %swap3A_538, %swap3A_539], %swap3A_542 {strides = array<i32>} : memref<2x128x64xf32, #tpu.memory_space<vmem>>, vector<1x1x16xf32>,
        %get3A_543 = arith.constant 1 : i32
        %get3A_544 = arith.index_cast %get3A_543 : i32 to index
        %get3A_545 = arith.index_cast %add3A_529 : i32 to index
        %get3A_546 = arith.constant 16 : index
        %get3A_547 = tpu.vector_load %arg6[%get3A_544, %get3A_545, %get3A_546] {strides = array<i32>} : memref<2x128x128xf32, #tpu.memory_space<vmem>>, vector<1x1x16xf32>,
        %get3A_548 = vector.shape_cast %get3A_547 : vector<1x1x16xf32> to vector<16xf32>
        %swap3A_549 = arith.constant 1 : i32
        %swap3A_550 = arith.index_cast %swap3A_549 : i32 to index
        %swap3A_551 = arith.index_cast %add3A_529 : i32 to index
        %swap3A_552 = arith.constant 16 : index
        %swap3A_553 = tpu.vector_load %arg7[%swap3A_550, %swap3A_551, %swap3A_552] {strides = array<i32>} : memref<2x128x64xf32, #tpu.memory_space<vmem>>, vector<1x1x16xf32>,
        %swap3A_554 = vector.shape_cast %swap3A_553 : vector<1x1x16xf32> to vector<16xf32>
        %swap3A_555 = vector.shape_cast %get3A_548 : vector<16xf32> to vector<1x1x16xf32>
        tpu.vector_store %arg7[%swap3A_550, %swap3A_551, %swap3A_552], %swap3A_555 {strides = array<i32>} : memref<2x128x64xf32, #tpu.memory_space<vmem>>, vector<1x1x16xf32>,
        %get3A_556 = arith.constant 1 : i32
        %get3A_557 = arith.index_cast %get3A_556 : i32 to index
        %get3A_558 = arith.index_cast %add3A_529 : i32 to index
        %get3A_559 = arith.constant 32 : index
        %get3A_560 = tpu.vector_load %arg6[%get3A_557, %get3A_558, %get3A_559] {strides = array<i32>} : memref<2x128x128xf32, #tpu.memory_space<vmem>>, vector<1x1x16xf32>,
        %get3A_561 = vector.shape_cast %get3A_560 : vector<1x1x16xf32> to vector<16xf32>
        %swap3A_562 = arith.constant 1 : i32
        %swap3A_563 = arith.index_cast %swap3A_562 : i32 to index
        %swap3A_564 = arith.index_cast %add3A_529 : i32 to index
        %swap3A_565 = arith.constant 32 : index
        %swap3A_566 = tpu.vector_load %arg7[%swap3A_563, %swap3A_564, %swap3A_565] {strides = array<i32>} : memref<2x128x64xf32, #tpu.memory_space<vmem>>, vector<1x1x16xf32>,
        %swap3A_567 = vector.shape_cast %swap3A_566 : vector<1x1x16xf32> to vector<16xf32>
        %swap3A_568 = vector.shape_cast %get3A_561 : vector<16xf32> to vector<1x1x16xf32>
        tpu.vector_store %arg7[%swap3A_563, %swap3A_564, %swap3A_565], %swap3A_568 {strides = array<i32>} : memref<2x128x64xf32, #tpu.memory_space<vmem>>, vector<1x1x16xf32>,
        %get3A_569 = arith.constant 1 : i32
        %get3A_570 = arith.index_cast %get3A_569 : i32 to index
        %get3A_571 = arith.index_cast %add3A_529 : i32 to index
        %get3A_572 = arith.constant 48 : index
        %get3A_573 = tpu.vector_load %arg6[%get3A_570, %get3A_571, %get3A_572] {strides = array<i32>} : memref<2x128x128xf32, #tpu.memory_space<vmem>>, vector<1x1x16xf32>,
        %get3A_574 = vector.shape_cast %get3A_573 : vector<1x1x16xf32> to vector<16xf32>
        %swap3A_575 = arith.constant 1 : i32
        %swap3A_576 = arith.index_cast %swap3A_575 : i32 to index
        %swap3A_577 = arith.index_cast %add3A_529 : i32 to index
        %swap3A_578 = arith.constant 48 : index
        %swap3A_579 = tpu.vector_load %arg7[%swap3A_576, %swap3A_577, %swap3A_578] {strides = array<i32>} : memref<2x128x64xf32, #tpu.memory_space<vmem>>, vector<1x1x16xf32>,
        %swap3A_580 = vector.shape_cast %swap3A_579 : vector<1x1x16xf32> to vector<16xf32>
        %swap3A_581 = vector.shape_cast %get3A_574 : vector<16xf32> to vector<1x1x16xf32>
        tpu.vector_store %arg7[%swap3A_576, %swap3A_577, %swap3A_578], %swap3A_581 {strides = array<i32>} : memref<2x128x64xf32, #tpu.memory_space<vmem>>, vector<1x1x16xf32>,
        %mul3A_582 = arith.constant 16 : i32
        %mul3A_583 = arith.muli %scan3A_135, %mul3A_582 : i32
        %add3A_584 = arith.constant 8 : i32
        %add3A_585 = arith.addi %mul3A_583, %add3A_584 : i32
        %get3A_586 = arith.constant 1 : i32
        %get3A_587 = arith.index_cast %get3A_586 : i32 to index
        %get3A_588 = arith.index_cast %add3A_585 : i32 to index
        %get3A_589 = arith.constant 0 : index
        %get3A_590 = tpu.vector_load %arg6[%get3A_587, %get3A_588, %get3A_589] {strides = array<i32>} : memref<2x128x128xf32, #tpu.memory_space<vmem>>, vector<1x1x16xf32>,
        %get3A_591 = vector.shape_cast %get3A_590 : vector<1x1x16xf32> to vector<16xf32>
        %swap3A_592 = arith.constant 1 : i32
        %swap3A_593 = arith.index_cast %swap3A_592 : i32 to index
        %swap3A_594 = arith.index_cast %add3A_585 : i32 to index
        %swap3A_595 = arith.constant 0 : index
        %swap3A_596 = tpu.vector_load %arg7[%swap3A_593, %swap3A_594, %swap3A_595] {strides = array<i32>} : memref<2x128x64xf32, #tpu.memory_space<vmem>>, vector<1x1x16xf32>,
        %swap3A_597 = vector.shape_cast %swap3A_596 : vector<1x1x16xf32> to vector<16xf32>
        %swap3A_598 = vector.shape_cast %get3A_591 : vector<16xf32> to vector<1x1x16xf32>
        tpu.vector_store %arg7[%swap3A_593, %swap3A_594, %swap3A_595], %swap3A_598 {strides = array<i32>} : memref<2x128x64xf32, #tpu.memory_space<vmem>>, vector<1x1x16xf32>,
        %get3A_599 = arith.constant 1 : i32
        %get3A_600 = arith.index_cast %get3A_599 : i32 to index
        %get3A_601 = arith.index_cast %add3A_585 : i32 to index
        %get3A_602 = arith.constant 16 : index
        %get3A_603 = tpu.vector_load %arg6[%get3A_600, %get3A_601, %get3A_602] {strides = array<i32>} : memref<2x128x128xf32, #tpu.memory_space<vmem>>, vector<1x1x16xf32>,
        %get3A_604 = vector.shape_cast %get3A_603 : vector<1x1x16xf32> to vector<16xf32>
        %swap3A_605 = arith.constant 1 : i32
        %swap3A_606 = arith.index_cast %swap3A_605 : i32 to index
        %swap3A_607 = arith.index_cast %add3A_585 : i32 to index
        %swap3A_608 = arith.constant 16 : index
        %swap3A_609 = tpu.vector_load %arg7[%swap3A_606, %swap3A_607, %swap3A_608] {strides = array<i32>} : memref<2x128x64xf32, #tpu.memory_space<vmem>>, vector<1x1x16xf32>,
        %swap3A_610 = vector.shape_cast %swap3A_609 : vector<1x1x16xf32> to vector<16xf32>
        %swap3A_611 = vector.shape_cast %get3A_604 : vector<16xf32> to vector<1x1x16xf32>
        tpu.vector_store %arg7[%swap3A_606, %swap3A_607, %swap3A_608], %swap3A_611 {strides = array<i32>} : memref<2x128x64xf32, #tpu.memory_space<vmem>>, vector<1x1x16xf32>,
        %get3A_612 = arith.constant 1 : i32
        %get3A_613 = arith.index_cast %get3A_612 : i32 to index
        %get3A_614 = arith.index_cast %add3A_585 : i32 to index
        %get3A_615 = arith.constant 32 : index
        %get3A_616 = tpu.vector_load %arg6[%get3A_613, %get3A_614, %get3A_615] {strides = array<i32>} : memref<2x128x128xf32, #tpu.memory_space<vmem>>, vector<1x1x16xf32>,
        %get3A_617 = vector.shape_cast %get3A_616 : vector<1x1x16xf32> to vector<16xf32>
        %swap3A_618 = arith.constant 1 : i32
        %swap3A_619 = arith.index_cast %swap3A_618 : i32 to index
        %swap3A_620 = arith.index_cast %add3A_585 : i32 to index
        %swap3A_621 = arith.constant 32 : index
        %swap3A_622 = tpu.vector_load %arg7[%swap3A_619, %swap3A_620, %swap3A_621] {strides = array<i32>} : memref<2x128x64xf32, #tpu.memory_space<vmem>>, vector<1x1x16xf32>,
        %swap3A_623 = vector.shape_cast %swap3A_622 : vector<1x1x16xf32> to vector<16xf32>
        %swap3A_624 = vector.shape_cast %get3A_617 : vector<16xf32> to vector<1x1x16xf32>
        tpu.vector_store %arg7[%swap3A_619, %swap3A_620, %swap3A_621], %swap3A_624 {strides = array<i32>} : memref<2x128x64xf32, #tpu.memory_space<vmem>>, vector<1x1x16xf32>,
        %get3A_625 = arith.constant 1 : i32
        %get3A_626 = arith.index_cast %get3A_625 : i32 to index
        %get3A_627 = arith.index_cast %add3A_585 : i32 to index
        %get3A_628 = arith.constant 48 : index
        %get3A_629 = tpu.vector_load %arg6[%get3A_626, %get3A_627, %get3A_628] {strides = array<i32>} : memref<2x128x128xf32, #tpu.memory_space<vmem>>, vector<1x1x16xf32>,
        %get3A_630 = vector.shape_cast %get3A_629 : vector<1x1x16xf32> to vector<16xf32>
        %swap3A_631 = arith.constant 1 : i32
        %swap3A_632 = arith.index_cast %swap3A_631 : i32 to index
        %swap3A_633 = arith.index_cast %add3A_585 : i32 to index
        %swap3A_634 = arith.constant 48 : index
        %swap3A_635 = tpu.vector_load %arg7[%swap3A_632, %swap3A_633, %swap3A_634] {strides = array<i32>} : memref<2x128x64xf32, #tpu.memory_space<vmem>>, vector<1x1x16xf32>,
        %swap3A_636 = vector.shape_cast %swap3A_635 : vector<1x1x16xf32> to vector<16xf32>
        %swap3A_637 = vector.shape_cast %get3A_630 : vector<16xf32> to vector<1x1x16xf32>
        tpu.vector_store %arg7[%swap3A_632, %swap3A_633, %swap3A_634], %swap3A_637 {strides = array<i32>} : memref<2x128x64xf32, #tpu.memory_space<vmem>>, vector<1x1x16xf32>,
        %mul3A_638 = arith.constant 16 : i32
        %mul3A_639 = arith.muli %scan3A_135, %mul3A_638 : i32
        %add3A_640 = arith.constant 9 : i32
        %add3A_641 = arith.addi %mul3A_639, %add3A_640 : i32
        %get3A_642 = arith.constant 1 : i32
        %get3A_643 = arith.index_cast %get3A_642 : i32 to index
        %get3A_644 = arith.index_cast %add3A_641 : i32 to index
        %get3A_645 = arith.constant 0 : index
        %get3A_646 = tpu.vector_load %arg6[%get3A_643, %get3A_644, %get3A_645] {strides = array<i32>} : memref<2x128x128xf32, #tpu.memory_space<vmem>>, vector<1x1x16xf32>,
        %get3A_647 = vector.shape_cast %get3A_646 : vector<1x1x16xf32> to vector<16xf32>
        %swap3A_648 = arith.constant 1 : i32
        %swap3A_649 = arith.index_cast %swap3A_648 : i32 to index
        %swap3A_650 = arith.index_cast %add3A_641 : i32 to index
        %swap3A_651 = arith.constant 0 : index
        %swap3A_652 = tpu.vector_load %arg7[%swap3A_649, %swap3A_650, %swap3A_651] {strides = array<i32>} : memref<2x128x64xf32, #tpu.memory_space<vmem>>, vector<1x1x16xf32>,
        %swap3A_653 = vector.shape_cast %swap3A_652 : vector<1x1x16xf32> to vector<16xf32>
        %swap3A_654 = vector.shape_cast %get3A_647 : vector<16xf32> to vector<1x1x16xf32>
        tpu.vector_store %arg7[%swap3A_649, %swap3A_650, %swap3A_651], %swap3A_654 {strides = array<i32>} : memref<2x128x64xf32, #tpu.memory_space<vmem>>, vector<1x1x16xf32>,
        %get3A_655 = arith.constant 1 : i32
        %get3A_656 = arith.index_cast %get3A_655 : i32 to index
        %get3A_657 = arith.index_cast %add3A_641 : i32 to index
        %get3A_658 = arith.constant 16 : index
        %get3A_659 = tpu.vector_load %arg6[%get3A_656, %get3A_657, %get3A_658] {strides = array<i32>} : memref<2x128x128xf32, #tpu.memory_space<vmem>>, vector<1x1x16xf32>,
        %get3A_660 = vector.shape_cast %get3A_659 : vector<1x1x16xf32> to vector<16xf32>
        %swap3A_661 = arith.constant 1 : i32
        %swap3A_662 = arith.index_cast %swap3A_661 : i32 to index
        %swap3A_663 = arith.index_cast %add3A_641 : i32 to index
        %swap3A_664 = arith.constant 16 : index
        %swap3A_665 = tpu.vector_load %arg7[%swap3A_662, %swap3A_663, %swap3A_664] {strides = array<i32>} : memref<2x128x64xf32, #tpu.memory_space<vmem>>, vector<1x1x16xf32>,
        %swap3A_666 = vector.shape_cast %swap3A_665 : vector<1x1x16xf32> to vector<16xf32>
        %swap3A_667 = vector.shape_cast %get3A_660 : vector<16xf32> to vector<1x1x16xf32>
        tpu.vector_store %arg7[%swap3A_662, %swap3A_663, %swap3A_664], %swap3A_667 {strides = array<i32>} : memref<2x128x64xf32, #tpu.memory_space<vmem>>, vector<1x1x16xf32>,
        %get3A_668 = arith.constant 1 : i32
        %get3A_669 = arith.index_cast %get3A_668 : i32 to index
        %get3A_670 = arith.index_cast %add3A_641 : i32 to index
        %get3A_671 = arith.constant 32 : index
        %get3A_672 = tpu.vector_load %arg6[%get3A_669, %get3A_670, %get3A_671] {strides = array<i32>} : memref<2x128x128xf32, #tpu.memory_space<vmem>>, vector<1x1x16xf32>,
        %get3A_673 = vector.shape_cast %get3A_672 : vector<1x1x16xf32> to vector<16xf32>
        %swap3A_674 = arith.constant 1 : i32
        %swap3A_675 = arith.index_cast %swap3A_674 : i32 to index
        %swap3A_676 = arith.index_cast %add3A_641 : i32 to index
        %swap3A_677 = arith.constant 32 : index
        %swap3A_678 = tpu.vector_load %arg7[%swap3A_675, %swap3A_676, %swap3A_677] {strides = array<i32>} : memref<2x128x64xf32, #tpu.memory_space<vmem>>, vector<1x1x16xf32>,
        %swap3A_679 = vector.shape_cast %swap3A_678 : vector<1x1x16xf32> to vector<16xf32>
        %swap3A_680 = vector.shape_cast %get3A_673 : vector<16xf32> to vector<1x1x16xf32>
        tpu.vector_store %arg7[%swap3A_675, %swap3A_676, %swap3A_677], %swap3A_680 {strides = array<i32>} : memref<2x128x64xf32, #tpu.memory_space<vmem>>, vector<1x1x16xf32>,
        %get3A_681 = arith.constant 1 : i32
        %get3A_682 = arith.index_cast %get3A_681 : i32 to index
        %get3A_683 = arith.index_cast %add3A_641 : i32 to index
        %get3A_684 = arith.constant 48 : index
        %get3A_685 = tpu.vector_load %arg6[%get3A_682, %get3A_683, %get3A_684] {strides = array<i32>} : memref<2x128x128xf32, #tpu.memory_space<vmem>>, vector<1x1x16xf32>,
        %get3A_686 = vector.shape_cast %get3A_685 : vector<1x1x16xf32> to vector<16xf32>
        %swap3A_687 = arith.constant 1 : i32
        %swap3A_688 = arith.index_cast %swap3A_687 : i32 to index
        %swap3A_689 = arith.index_cast %add3A_641 : i32 to index
        %swap3A_690 = arith.constant 48 : index
        %swap3A_691 = tpu.vector_load %arg7[%swap3A_688, %swap3A_689, %swap3A_690] {strides = array<i32>} : memref<2x128x64xf32, #tpu.memory_space<vmem>>, vector<1x1x16xf32>,
        %swap3A_692 = vector.shape_cast %swap3A_691 : vector<1x1x16xf32> to vector<16xf32>
        %swap3A_693 = vector.shape_cast %get3A_686 : vector<16xf32> to vector<1x1x16xf32>
        tpu.vector_store %arg7[%swap3A_688, %swap3A_689, %swap3A_690], %swap3A_693 {strides = array<i32>} : memref<2x128x64xf32, #tpu.memory_space<vmem>>, vector<1x1x16xf32>,
        %mul3A_694 = arith.constant 16 : i32
        %mul3A_695 = arith.muli %scan3A_135, %mul3A_694 : i32
        %add3A_696 = arith.constant 10 : i32
        %add3A_697 = arith.addi %mul3A_695, %add3A_696 : i32
        %get3A_698 = arith.constant 1 : i32
        %get3A_699 = arith.index_cast %get3A_698 : i32 to index
        %get3A_700 = arith.index_cast %add3A_697 : i32 to index
        %get3A_701 = arith.constant 0 : index
        %get3A_702 = tpu.vector_load %arg6[%get3A_699, %get3A_700, %get3A_701] {strides = array<i32>} : memref<2x128x128xf32, #tpu.memory_space<vmem>>, vector<1x1x16xf32>,
        %get3A_703 = vector.shape_cast %get3A_702 : vector<1x1x16xf32> to vector<16xf32>
        %swap3A_704 = arith.constant 1 : i32
        %swap3A_705 = arith.index_cast %swap3A_704 : i32 to index
        %swap3A_706 = arith.index_cast %add3A_697 : i32 to index
        %swap3A_707 = arith.constant 0 : index
        %swap3A_708 = tpu.vector_load %arg7[%swap3A_705, %swap3A_706, %swap3A_707] {strides = array<i32>} : memref<2x128x64xf32, #tpu.memory_space<vmem>>, vector<1x1x16xf32>,
        %swap3A_709 = vector.shape_cast %swap3A_708 : vector<1x1x16xf32> to vector<16xf32>
        %swap3A_710 = vector.shape_cast %get3A_703 : vector<16xf32> to vector<1x1x16xf32>
        tpu.vector_store %arg7[%swap3A_705, %swap3A_706, %swap3A_707], %swap3A_710 {strides = array<i32>} : memref<2x128x64xf32, #tpu.memory_space<vmem>>, vector<1x1x16xf32>,
        %get3A_711 = arith.constant 1 : i32
        %get3A_712 = arith.index_cast %get3A_711 : i32 to index
        %get3A_713 = arith.index_cast %add3A_697 : i32 to index
        %get3A_714 = arith.constant 16 : index
        %get3A_715 = tpu.vector_load %arg6[%get3A_712, %get3A_713, %get3A_714] {strides = array<i32>} : memref<2x128x128xf32, #tpu.memory_space<vmem>>, vector<1x1x16xf32>,
        %get3A_716 = vector.shape_cast %get3A_715 : vector<1x1x16xf32> to vector<16xf32>
        %swap3A_717 = arith.constant 1 : i32
        %swap3A_718 = arith.index_cast %swap3A_717 : i32 to index
        %swap3A_719 = arith.index_cast %add3A_697 : i32 to index
        %swap3A_720 = arith.constant 16 : index
        %swap3A_721 = tpu.vector_load %arg7[%swap3A_718, %swap3A_719, %swap3A_720] {strides = array<i32>} : memref<2x128x64xf32, #tpu.memory_space<vmem>>, vector<1x1x16xf32>,
        %swap3A_722 = vector.shape_cast %swap3A_721 : vector<1x1x16xf32> to vector<16xf32>
        %swap3A_723 = vector.shape_cast %get3A_716 : vector<16xf32> to vector<1x1x16xf32>
        tpu.vector_store %arg7[%swap3A_718, %swap3A_719, %swap3A_720], %swap3A_723 {strides = array<i32>} : memref<2x128x64xf32, #tpu.memory_space<vmem>>, vector<1x1x16xf32>,
        %get3A_724 = arith.constant 1 : i32
        %get3A_725 = arith.index_cast %get3A_724 : i32 to index
        %get3A_726 = arith.index_cast %add3A_697 : i32 to index
        %get3A_727 = arith.constant 32 : index
        %get3A_728 = tpu.vector_load %arg6[%get3A_725, %get3A_726, %get3A_727] {strides = array<i32>} : memref<2x128x128xf32, #tpu.memory_space<vmem>>, vector<1x1x16xf32>,
        %get3A_729 = vector.shape_cast %get3A_728 : vector<1x1x16xf32> to vector<16xf32>
        %swap3A_730 = arith.constant 1 : i32
        %swap3A_731 = arith.index_cast %swap3A_730 : i32 to index
        %swap3A_732 = arith.index_cast %add3A_697 : i32 to index
        %swap3A_733 = arith.constant 32 : index
        %swap3A_734 = tpu.vector_load %arg7[%swap3A_731, %swap3A_732, %swap3A_733] {strides = array<i32>} : memref<2x128x64xf32, #tpu.memory_space<vmem>>, vector<1x1x16xf32>,
        %swap3A_735 = vector.shape_cast %swap3A_734 : vector<1x1x16xf32> to vector<16xf32>
        %swap3A_736 = vector.shape_cast %get3A_729 : vector<16xf32> to vector<1x1x16xf32>
        tpu.vector_store %arg7[%swap3A_731, %swap3A_732, %swap3A_733], %swap3A_736 {strides = array<i32>} : memref<2x128x64xf32, #tpu.memory_space<vmem>>, vector<1x1x16xf32>,
        %get3A_737 = arith.constant 1 : i32
        %get3A_738 = arith.index_cast %get3A_737 : i32 to index
        %get3A_739 = arith.index_cast %add3A_697 : i32 to index
        %get3A_740 = arith.constant 48 : index
        %get3A_741 = tpu.vector_load %arg6[%get3A_738, %get3A_739, %get3A_740] {strides = array<i32>} : memref<2x128x128xf32, #tpu.memory_space<vmem>>, vector<1x1x16xf32>,
        %get3A_742 = vector.shape_cast %get3A_741 : vector<1x1x16xf32> to vector<16xf32>
        %swap3A_743 = arith.constant 1 : i32
        %swap3A_744 = arith.index_cast %swap3A_743 : i32 to index
        %swap3A_745 = arith.index_cast %add3A_697 : i32 to index
        %swap3A_746 = arith.constant 48 : index
        %swap3A_747 = tpu.vector_load %arg7[%swap3A_744, %swap3A_745, %swap3A_746] {strides = array<i32>} : memref<2x128x64xf32, #tpu.memory_space<vmem>>, vector<1x1x16xf32>,
        %swap3A_748 = vector.shape_cast %swap3A_747 : vector<1x1x16xf32> to vector<16xf32>
        %swap3A_749 = vector.shape_cast %get3A_742 : vector<16xf32> to vector<1x1x16xf32>
        tpu.vector_store %arg7[%swap3A_744, %swap3A_745, %swap3A_746], %swap3A_749 {strides = array<i32>} : memref<2x128x64xf32, #tpu.memory_space<vmem>>, vector<1x1x16xf32>,
        %mul3A_750 = arith.constant 16 : i32
        %mul3A_751 = arith.muli %scan3A_135, %mul3A_750 : i32
        %add3A_752 = arith.constant 11 : i32
        %add3A_753 = arith.addi %mul3A_751, %add3A_752 : i32
        %get3A_754 = arith.constant 1 : i32
        %get3A_755 = arith.index_cast %get3A_754 : i32 to index
        %get3A_756 = arith.index_cast %add3A_753 : i32 to index
        %get3A_757 = arith.constant 0 : index
        %get3A_758 = tpu.vector_load %arg6[%get3A_755, %get3A_756, %get3A_757] {strides = array<i32>} : memref<2x128x128xf32, #tpu.memory_space<vmem>>, vector<1x1x16xf32>,
        %get3A_759 = vector.shape_cast %get3A_758 : vector<1x1x16xf32> to vector<16xf32>
        %swap3A_760 = arith.constant 1 : i32
        %swap3A_761 = arith.index_cast %swap3A_760 : i32 to index
        %swap3A_762 = arith.index_cast %add3A_753 : i32 to index
        %swap3A_763 = arith.constant 0 : index
        %swap3A_764 = tpu.vector_load %arg7[%swap3A_761, %swap3A_762, %swap3A_763] {strides = array<i32>} : memref<2x128x64xf32, #tpu.memory_space<vmem>>, vector<1x1x16xf32>,
        %swap3A_765 = vector.shape_cast %swap3A_764 : vector<1x1x16xf32> to vector<16xf32>
        %swap3A_766 = vector.shape_cast %get3A_759 : vector<16xf32> to vector<1x1x16xf32>
        tpu.vector_store %arg7[%swap3A_761, %swap3A_762, %swap3A_763], %swap3A_766 {strides = array<i32>} : memref<2x128x64xf32, #tpu.memory_space<vmem>>, vector<1x1x16xf32>,
        %get3A_767 = arith.constant 1 : i32
        %get3A_768 = arith.index_cast %get3A_767 : i32 to index
        %get3A_769 = arith.index_cast %add3A_753 : i32 to index
        %get3A_770 = arith.constant 16 : index
        %get3A_771 = tpu.vector_load %arg6[%get3A_768, %get3A_769, %get3A_770] {strides = array<i32>} : memref<2x128x128xf32, #tpu.memory_space<vmem>>, vector<1x1x16xf32>,
        %get3A_772 = vector.shape_cast %get3A_771 : vector<1x1x16xf32> to vector<16xf32>
        %swap3A_773 = arith.constant 1 : i32
        %swap3A_774 = arith.index_cast %swap3A_773 : i32 to index
        %swap3A_775 = arith.index_cast %add3A_753 : i32 to index
        %swap3A_776 = arith.constant 16 : index
        %swap3A_777 = tpu.vector_load %arg7[%swap3A_774, %swap3A_775, %swap3A_776] {strides = array<i32>} : memref<2x128x64xf32, #tpu.memory_space<vmem>>, vector<1x1x16xf32>,
        %swap3A_778 = vector.shape_cast %swap3A_777 : vector<1x1x16xf32> to vector<16xf32>
        %swap3A_779 = vector.shape_cast %get3A_772 : vector<16xf32> to vector<1x1x16xf32>
        tpu.vector_store %arg7[%swap3A_774, %swap3A_775, %swap3A_776], %swap3A_779 {strides = array<i32>} : memref<2x128x64xf32, #tpu.memory_space<vmem>>, vector<1x1x16xf32>,
        %get3A_780 = arith.constant 1 : i32
        %get3A_781 = arith.index_cast %get3A_780 : i32 to index
        %get3A_782 = arith.index_cast %add3A_753 : i32 to index
        %get3A_783 = arith.constant 32 : index
        %get3A_784 = tpu.vector_load %arg6[%get3A_781, %get3A_782, %get3A_783] {strides = array<i32>} : memref<2x128x128xf32, #tpu.memory_space<vmem>>, vector<1x1x16xf32>,
        %get3A_785 = vector.shape_cast %get3A_784 : vector<1x1x16xf32> to vector<16xf32>
        %swap3A_786 = arith.constant 1 : i32
        %swap3A_787 = arith.index_cast %swap3A_786 : i32 to index
        %swap3A_788 = arith.index_cast %add3A_753 : i32 to index
        %swap3A_789 = arith.constant 32 : index
        %swap3A_790 = tpu.vector_load %arg7[%swap3A_787, %swap3A_788, %swap3A_789] {strides = array<i32>} : memref<2x128x64xf32, #tpu.memory_space<vmem>>, vector<1x1x16xf32>,
        %swap3A_791 = vector.shape_cast %swap3A_790 : vector<1x1x16xf32> to vector<16xf32>
        %swap3A_792 = vector.shape_cast %get3A_785 : vector<16xf32> to vector<1x1x16xf32>
        tpu.vector_store %arg7[%swap3A_787, %swap3A_788, %swap3A_789], %swap3A_792 {strides = array<i32>} : memref<2x128x64xf32, #tpu.memory_space<vmem>>, vector<1x1x16xf32>,
        %get3A_793 = arith.constant 1 : i32
        %get3A_794 = arith.index_cast %get3A_793 : i32 to index
        %get3A_795 = arith.index_cast %add3A_753 : i32 to index
        %get3A_796 = arith.constant 48 : index
        %get3A_797 = tpu.vector_load %arg6[%get3A_794, %get3A_795, %get3A_796] {strides = array<i32>} : memref<2x128x128xf32, #tpu.memory_space<vmem>>, vector<1x1x16xf32>,
        %get3A_798 = vector.shape_cast %get3A_797 : vector<1x1x16xf32> to vector<16xf32>
        %swap3A_799 = arith.constant 1 : i32
        %swap3A_800 = arith.index_cast %swap3A_799 : i32 to index
        %swap3A_801 = arith.index_cast %add3A_753 : i32 to index
        %swap3A_802 = arith.constant 48 : index
        %swap3A_803 = tpu.vector_load %arg7[%swap3A_800, %swap3A_801, %swap3A_802] {strides = array<i32>} : memref<2x128x64xf32, #tpu.memory_space<vmem>>, vector<1x1x16xf32>,
        %swap3A_804 = vector.shape_cast %swap3A_803 : vector<1x1x16xf32> to vector<16xf32>
        %swap3A_805 = vector.shape_cast %get3A_798 : vector<16xf32> to vector<1x1x16xf32>
        tpu.vector_store %arg7[%swap3A_800, %swap3A_801, %swap3A_802], %swap3A_805 {strides = array<i32>} : memref<2x128x64xf32, #tpu.memory_space<vmem>>, vector<1x1x16xf32>,
        %mul3A_806 = arith.constant 16 : i32
        %mul3A_807 = arith.muli %scan3A_135, %mul3A_806 : i32
        %add3A_808 = arith.constant 12 : i32
        %add3A_809 = arith.addi %mul3A_807, %add3A_808 : i32
        %get3A_810 = arith.constant 1 : i32
        %get3A_811 = arith.index_cast %get3A_810 : i32 to index
        %get3A_812 = arith.index_cast %add3A_809 : i32 to index
        %get3A_813 = arith.constant 0 : index
        %get3A_814 = tpu.vector_load %arg6[%get3A_811, %get3A_812, %get3A_813] {strides = array<i32>} : memref<2x128x128xf32, #tpu.memory_space<vmem>>, vector<1x1x16xf32>,
        %get3A_815 = vector.shape_cast %get3A_814 : vector<1x1x16xf32> to vector<16xf32>
        %swap3A_816 = arith.constant 1 : i32
        %swap3A_817 = arith.index_cast %swap3A_816 : i32 to index
        %swap3A_818 = arith.index_cast %add3A_809 : i32 to index
        %swap3A_819 = arith.constant 0 : index
        %swap3A_820 = tpu.vector_load %arg7[%swap3A_817, %swap3A_818, %swap3A_819] {strides = array<i32>} : memref<2x128x64xf32, #tpu.memory_space<vmem>>, vector<1x1x16xf32>,
        %swap3A_821 = vector.shape_cast %swap3A_820 : vector<1x1x16xf32> to vector<16xf32>
        %swap3A_822 = vector.shape_cast %get3A_815 : vector<16xf32> to vector<1x1x16xf32>
        tpu.vector_store %arg7[%swap3A_817, %swap3A_818, %swap3A_819], %swap3A_822 {strides = array<i32>} : memref<2x128x64xf32, #tpu.memory_space<vmem>>, vector<1x1x16xf32>,
        %get3A_823 = arith.constant 1 : i32
        %get3A_824 = arith.index_cast %get3A_823 : i32 to index
        %get3A_825 = arith.index_cast %add3A_809 : i32 to index
        %get3A_826 = arith.constant 16 : index
        %get3A_827 = tpu.vector_load %arg6[%get3A_824, %get3A_825, %get3A_826] {strides = array<i32>} : memref<2x128x128xf32, #tpu.memory_space<vmem>>, vector<1x1x16xf32>,
        %get3A_828 = vector.shape_cast %get3A_827 : vector<1x1x16xf32> to vector<16xf32>
        %swap3A_829 = arith.constant 1 : i32
        %swap3A_830 = arith.index_cast %swap3A_829 : i32 to index
        %swap3A_831 = arith.index_cast %add3A_809 : i32 to index
        %swap3A_832 = arith.constant 16 : index
        %swap3A_833 = tpu.vector_load %arg7[%swap3A_830, %swap3A_831, %swap3A_832] {strides = array<i32>} : memref<2x128x64xf32, #tpu.memory_space<vmem>>, vector<1x1x16xf32>,
        %swap3A_834 = vector.shape_cast %swap3A_833 : vector<1x1x16xf32> to vector<16xf32>
        %swap3A_835 = vector.shape_cast %get3A_828 : vector<16xf32> to vector<1x1x16xf32>
        tpu.vector_store %arg7[%swap3A_830, %swap3A_831, %swap3A_832], %swap3A_835 {strides = array<i32>} : memref<2x128x64xf32, #tpu.memory_space<vmem>>, vector<1x1x16xf32>,
        %get3A_836 = arith.constant 1 : i32
        %get3A_837 = arith.index_cast %get3A_836 : i32 to index
        %get3A_838 = arith.index_cast %add3A_809 : i32 to index
        %get3A_839 = arith.constant 32 : index
        %get3A_840 = tpu.vector_load %arg6[%get3A_837, %get3A_838, %get3A_839] {strides = array<i32>} : memref<2x128x128xf32, #tpu.memory_space<vmem>>, vector<1x1x16xf32>,
        %get3A_841 = vector.shape_cast %get3A_840 : vector<1x1x16xf32> to vector<16xf32>
        %swap3A_842 = arith.constant 1 : i32
        %swap3A_843 = arith.index_cast %swap3A_842 : i32 to index
        %swap3A_844 = arith.index_cast %add3A_809 : i32 to index
        %swap3A_845 = arith.constant 32 : index
        %swap3A_846 = tpu.vector_load %arg7[%swap3A_843, %swap3A_844, %swap3A_845] {strides = array<i32>} : memref<2x128x64xf32, #tpu.memory_space<vmem>>, vector<1x1x16xf32>,
        %swap3A_847 = vector.shape_cast %swap3A_846 : vector<1x1x16xf32> to vector<16xf32>
        %swap3A_848 = vector.shape_cast %get3A_841 : vector<16xf32> to vector<1x1x16xf32>
        tpu.vector_store %arg7[%swap3A_843, %swap3A_844, %swap3A_845], %swap3A_848 {strides = array<i32>} : memref<2x128x64xf32, #tpu.memory_space<vmem>>, vector<1x1x16xf32>,
        %get3A_849 = arith.constant 1 : i32
        %get3A_850 = arith.index_cast %get3A_849 : i32 to index
        %get3A_851 = arith.index_cast %add3A_809 : i32 to index
        %get3A_852 = arith.constant 48 : index
        %get3A_853 = tpu.vector_load %arg6[%get3A_850, %get3A_851, %get3A_852] {strides = array<i32>} : memref<2x128x128xf32, #tpu.memory_space<vmem>>, vector<1x1x16xf32>,
        %get3A_854 = vector.shape_cast %get3A_853 : vector<1x1x16xf32> to vector<16xf32>
        %swap3A_855 = arith.constant 1 : i32
        %swap3A_856 = arith.index_cast %swap3A_855 : i32 to index
        %swap3A_857 = arith.index_cast %add3A_809 : i32 to index
        %swap3A_858 = arith.constant 48 : index
        %swap3A_859 = tpu.vector_load %arg7[%swap3A_856, %swap3A_857, %swap3A_858] {strides = array<i32>} : memref<2x128x64xf32, #tpu.memory_space<vmem>>, vector<1x1x16xf32>,
        %swap3A_860 = vector.shape_cast %swap3A_859 : vector<1x1x16xf32> to vector<16xf32>
        %swap3A_861 = vector.shape_cast %get3A_854 : vector<16xf32> to vector<1x1x16xf32>
        tpu.vector_store %arg7[%swap3A_856, %swap3A_857, %swap3A_858], %swap3A_861 {strides = array<i32>} : memref<2x128x64xf32, #tpu.memory_space<vmem>>, vector<1x1x16xf32>,
        %mul3A_862 = arith.constant 16 : i32
        %mul3A_863 = arith.muli %scan3A_135, %mul3A_862 : i32
        %add3A_864 = arith.constant 13 : i32
        %add3A_865 = arith.addi %mul3A_863, %add3A_864 : i32
        %get3A_866 = arith.constant 1 : i32
        %get3A_867 = arith.index_cast %get3A_866 : i32 to index
        %get3A_868 = arith.index_cast %add3A_865 : i32 to index
        %get3A_869 = arith.constant 0 : index
        %get3A_870 = tpu.vector_load %arg6[%get3A_867, %get3A_868, %get3A_869] {strides = array<i32>} : memref<2x128x128xf32, #tpu.memory_space<vmem>>, vector<1x1x16xf32>,
        %get3A_871 = vector.shape_cast %get3A_870 : vector<1x1x16xf32> to vector<16xf32>
        %swap3A_872 = arith.constant 1 : i32
        %swap3A_873 = arith.index_cast %swap3A_872 : i32 to index
        %swap3A_874 = arith.index_cast %add3A_865 : i32 to index
        %swap3A_875 = arith.constant 0 : index
        %swap3A_876 = tpu.vector_load %arg7[%swap3A_873, %swap3A_874, %swap3A_875] {strides = array<i32>} : memref<2x128x64xf32, #tpu.memory_space<vmem>>, vector<1x1x16xf32>,
        %swap3A_877 = vector.shape_cast %swap3A_876 : vector<1x1x16xf32> to vector<16xf32>
        %swap3A_878 = vector.shape_cast %get3A_871 : vector<16xf32> to vector<1x1x16xf32>
        tpu.vector_store %arg7[%swap3A_873, %swap3A_874, %swap3A_875], %swap3A_878 {strides = array<i32>} : memref<2x128x64xf32, #tpu.memory_space<vmem>>, vector<1x1x16xf32>,
        %get3A_879 = arith.constant 1 : i32
        %get3A_880 = arith.index_cast %get3A_879 : i32 to index
        %get3A_881 = arith.index_cast %add3A_865 : i32 to index
        %get3A_882 = arith.constant 16 : index
        %get3A_883 = tpu.vector_load %arg6[%get3A_880, %get3A_881, %get3A_882] {strides = array<i32>} : memref<2x128x128xf32, #tpu.memory_space<vmem>>, vector<1x1x16xf32>,
        %get3A_884 = vector.shape_cast %get3A_883 : vector<1x1x16xf32> to vector<16xf32>
        %swap3A_885 = arith.constant 1 : i32
        %swap3A_886 = arith.index_cast %swap3A_885 : i32 to index
        %swap3A_887 = arith.index_cast %add3A_865 : i32 to index
        %swap3A_888 = arith.constant 16 : index
        %swap3A_889 = tpu.vector_load %arg7[%swap3A_886, %swap3A_887, %swap3A_888] {strides = array<i32>} : memref<2x128x64xf32, #tpu.memory_space<vmem>>, vector<1x1x16xf32>,
        %swap3A_890 = vector.shape_cast %swap3A_889 : vector<1x1x16xf32> to vector<16xf32>
        %swap3A_891 = vector.shape_cast %get3A_884 : vector<16xf32> to vector<1x1x16xf32>
        tpu.vector_store %arg7[%swap3A_886, %swap3A_887, %swap3A_888], %swap3A_891 {strides = array<i32>} : memref<2x128x64xf32, #tpu.memory_space<vmem>>, vector<1x1x16xf32>,
        %get3A_892 = arith.constant 1 : i32
        %get3A_893 = arith.index_cast %get3A_892 : i32 to index
        %get3A_894 = arith.index_cast %add3A_865 : i32 to index
        %get3A_895 = arith.constant 32 : index
        %get3A_896 = tpu.vector_load %arg6[%get3A_893, %get3A_894, %get3A_895] {strides = array<i32>} : memref<2x128x128xf32, #tpu.memory_space<vmem>>, vector<1x1x16xf32>,
        %get3A_897 = vector.shape_cast %get3A_896 : vector<1x1x16xf32> to vector<16xf32>
        %swap3A_898 = arith.constant 1 : i32
        %swap3A_899 = arith.index_cast %swap3A_898 : i32 to index
        %swap3A_900 = arith.index_cast %add3A_865 : i32 to index
        %swap3A_901 = arith.constant 32 : index
        %swap3A_902 = tpu.vector_load %arg7[%swap3A_899, %swap3A_900, %swap3A_901] {strides = array<i32>} : memref<2x128x64xf32, #tpu.memory_space<vmem>>, vector<1x1x16xf32>,
        %swap3A_903 = vector.shape_cast %swap3A_902 : vector<1x1x16xf32> to vector<16xf32>
        %swap3A_904 = vector.shape_cast %get3A_897 : vector<16xf32> to vector<1x1x16xf32>
        tpu.vector_store %arg7[%swap3A_899, %swap3A_900, %swap3A_901], %swap3A_904 {strides = array<i32>} : memref<2x128x64xf32, #tpu.memory_space<vmem>>, vector<1x1x16xf32>,
        %get3A_905 = arith.constant 1 : i32
        %get3A_906 = arith.index_cast %get3A_905 : i32 to index
        %get3A_907 = arith.index_cast %add3A_865 : i32 to index
        %get3A_908 = arith.constant 48 : index
        %get3A_909 = tpu.vector_load %arg6[%get3A_906, %get3A_907, %get3A_908] {strides = array<i32>} : memref<2x128x128xf32, #tpu.memory_space<vmem>>, vector<1x1x16xf32>,
        %get3A_910 = vector.shape_cast %get3A_909 : vector<1x1x16xf32> to vector<16xf32>
        %swap3A_911 = arith.constant 1 : i32
        %swap3A_912 = arith.index_cast %swap3A_911 : i32 to index
        %swap3A_913 = arith.index_cast %add3A_865 : i32 to index
        %swap3A_914 = arith.constant 48 : index
        %swap3A_915 = tpu.vector_load %arg7[%swap3A_912, %swap3A_913, %swap3A_914] {strides = array<i32>} : memref<2x128x64xf32, #tpu.memory_space<vmem>>, vector<1x1x16xf32>,
        %swap3A_916 = vector.shape_cast %swap3A_915 : vector<1x1x16xf32> to vector<16xf32>
        %swap3A_917 = vector.shape_cast %get3A_910 : vector<16xf32> to vector<1x1x16xf32>
        tpu.vector_store %arg7[%swap3A_912, %swap3A_913, %swap3A_914], %swap3A_917 {strides = array<i32>} : memref<2x128x64xf32, #tpu.memory_space<vmem>>, vector<1x1x16xf32>,
        %mul3A_918 = arith.constant 16 : i32
        %mul3A_919 = arith.muli %scan3A_135, %mul3A_918 : i32
        %add3A_920 = arith.constant 14 : i32
        %add3A_921 = arith.addi %mul3A_919, %add3A_920 : i32
        %get3A_922 = arith.constant 1 : i32
        %get3A_923 = arith.index_cast %get3A_922 : i32 to index
        %get3A_924 = arith.index_cast %add3A_921 : i32 to index
        %get3A_925 = arith.constant 0 : index
        %get3A_926 = tpu.vector_load %arg6[%get3A_923, %get3A_924, %get3A_925] {strides = array<i32>} : memref<2x128x128xf32, #tpu.memory_space<vmem>>, vector<1x1x16xf32>,
        %get3A_927 = vector.shape_cast %get3A_926 : vector<1x1x16xf32> to vector<16xf32>
        %swap3A_928 = arith.constant 1 : i32
        %swap3A_929 = arith.index_cast %swap3A_928 : i32 to index
        %swap3A_930 = arith.index_cast %add3A_921 : i32 to index
        %swap3A_931 = arith.constant 0 : index
        %swap3A_932 = tpu.vector_load %arg7[%swap3A_929, %swap3A_930, %swap3A_931] {strides = array<i32>} : memref<2x128x64xf32, #tpu.memory_space<vmem>>, vector<1x1x16xf32>,
        %swap3A_933 = vector.shape_cast %swap3A_932 : vector<1x1x16xf32> to vector<16xf32>
        %swap3A_934 = vector.shape_cast %get3A_927 : vector<16xf32> to vector<1x1x16xf32>
        tpu.vector_store %arg7[%swap3A_929, %swap3A_930, %swap3A_931], %swap3A_934 {strides = array<i32>} : memref<2x128x64xf32, #tpu.memory_space<vmem>>, vector<1x1x16xf32>,
        %get3A_935 = arith.constant 1 : i32
        %get3A_936 = arith.index_cast %get3A_935 : i32 to index
        %get3A_937 = arith.index_cast %add3A_921 : i32 to index
        %get3A_938 = arith.constant 16 : index
        %get3A_939 = tpu.vector_load %arg6[%get3A_936, %get3A_937, %get3A_938] {strides = array<i32>} : memref<2x128x128xf32, #tpu.memory_space<vmem>>, vector<1x1x16xf32>,
        %get3A_940 = vector.shape_cast %get3A_939 : vector<1x1x16xf32> to vector<16xf32>
        %swap3A_941 = arith.constant 1 : i32
        %swap3A_942 = arith.index_cast %swap3A_941 : i32 to index
        %swap3A_943 = arith.index_cast %add3A_921 : i32 to index
        %swap3A_944 = arith.constant 16 : index
        %swap3A_945 = tpu.vector_load %arg7[%swap3A_942, %swap3A_943, %swap3A_944] {strides = array<i32>} : memref<2x128x64xf32, #tpu.memory_space<vmem>>, vector<1x1x16xf32>,
        %swap3A_946 = vector.shape_cast %swap3A_945 : vector<1x1x16xf32> to vector<16xf32>
        %swap3A_947 = vector.shape_cast %get3A_940 : vector<16xf32> to vector<1x1x16xf32>
        tpu.vector_store %arg7[%swap3A_942, %swap3A_943, %swap3A_944], %swap3A_947 {strides = array<i32>} : memref<2x128x64xf32, #tpu.memory_space<vmem>>, vector<1x1x16xf32>,
        %get3A_948 = arith.constant 1 : i32
        %get3A_949 = arith.index_cast %get3A_948 : i32 to index
        %get3A_950 = arith.index_cast %add3A_921 : i32 to index
        %get3A_951 = arith.constant 32 : index
        %get3A_952 = tpu.vector_load %arg6[%get3A_949, %get3A_950, %get3A_951] {strides = array<i32>} : memref<2x128x128xf32, #tpu.memory_space<vmem>>, vector<1x1x16xf32>,
        %get3A_953 = vector.shape_cast %get3A_952 : vector<1x1x16xf32> to vector<16xf32>
        %swap3A_954 = arith.constant 1 : i32
        %swap3A_955 = arith.index_cast %swap3A_954 : i32 to index
        %swap3A_956 = arith.index_cast %add3A_921 : i32 to index
        %swap3A_957 = arith.constant 32 : index
        %swap3A_958 = tpu.vector_load %arg7[%swap3A_955, %swap3A_956, %swap3A_957] {strides = array<i32>} : memref<2x128x64xf32, #tpu.memory_space<vmem>>, vector<1x1x16xf32>,
        %swap3A_959 = vector.shape_cast %swap3A_958 : vector<1x1x16xf32> to vector<16xf32>
        %swap3A_960 = vector.shape_cast %get3A_953 : vector<16xf32> to vector<1x1x16xf32>
        tpu.vector_store %arg7[%swap3A_955, %swap3A_956, %swap3A_957], %swap3A_960 {strides = array<i32>} : memref<2x128x64xf32, #tpu.memory_space<vmem>>, vector<1x1x16xf32>,
        %get3A_961 = arith.constant 1 : i32
        %get3A_962 = arith.index_cast %get3A_961 : i32 to index
        %get3A_963 = arith.index_cast %add3A_921 : i32 to index
        %get3A_964 = arith.constant 48 : index
        %get3A_965 = tpu.vector_load %arg6[%get3A_962, %get3A_963, %get3A_964] {strides = array<i32>} : memref<2x128x128xf32, #tpu.memory_space<vmem>>, vector<1x1x16xf32>,
        %get3A_966 = vector.shape_cast %get3A_965 : vector<1x1x16xf32> to vector<16xf32>
        %swap3A_967 = arith.constant 1 : i32
        %swap3A_968 = arith.index_cast %swap3A_967 : i32 to index
        %swap3A_969 = arith.index_cast %add3A_921 : i32 to index
        %swap3A_970 = arith.constant 48 : index
        %swap3A_971 = tpu.vector_load %arg7[%swap3A_968, %swap3A_969, %swap3A_970] {strides = array<i32>} : memref<2x128x64xf32, #tpu.memory_space<vmem>>, vector<1x1x16xf32>,
        %swap3A_972 = vector.shape_cast %swap3A_971 : vector<1x1x16xf32> to vector<16xf32>
        %swap3A_973 = vector.shape_cast %get3A_966 : vector<16xf32> to vector<1x1x16xf32>
        tpu.vector_store %arg7[%swap3A_968, %swap3A_969, %swap3A_970], %swap3A_973 {strides = array<i32>} : memref<2x128x64xf32, #tpu.memory_space<vmem>>, vector<1x1x16xf32>,
        %mul3A_974 = arith.constant 16 : i32
        %mul3A_975 = arith.muli %scan3A_135, %mul3A_974 : i32
        %add3A_976 = arith.constant 15 : i32
        %add3A_977 = arith.addi %mul3A_975, %add3A_976 : i32
        %get3A_978 = arith.constant 1 : i32
        %get3A_979 = arith.index_cast %get3A_978 : i32 to index
        %get3A_980 = arith.index_cast %add3A_977 : i32 to index
        %get3A_981 = arith.constant 0 : index
        %get3A_982 = tpu.vector_load %arg6[%get3A_979, %get3A_980, %get3A_981] {strides = array<i32>} : memref<2x128x128xf32, #tpu.memory_space<vmem>>, vector<1x1x16xf32>,
        %get3A_983 = vector.shape_cast %get3A_982 : vector<1x1x16xf32> to vector<16xf32>
        %swap3A_984 = arith.constant 1 : i32
        %swap3A_985 = arith.index_cast %swap3A_984 : i32 to index
        %swap3A_986 = arith.index_cast %add3A_977 : i32 to index
        %swap3A_987 = arith.constant 0 : index
        %swap3A_988 = tpu.vector_load %arg7[%swap3A_985, %swap3A_986, %swap3A_987] {strides = array<i32>} : memref<2x128x64xf32, #tpu.memory_space<vmem>>, vector<1x1x16xf32>,
        %swap3A_989 = vector.shape_cast %swap3A_988 : vector<1x1x16xf32> to vector<16xf32>
        %swap3A_990 = vector.shape_cast %get3A_983 : vector<16xf32> to vector<1x1x16xf32>
        tpu.vector_store %arg7[%swap3A_985, %swap3A_986, %swap3A_987], %swap3A_990 {strides = array<i32>} : memref<2x128x64xf32, #tpu.memory_space<vmem>>, vector<1x1x16xf32>,
        %get3A_991 = arith.constant 1 : i32
        %get3A_992 = arith.index_cast %get3A_991 : i32 to index
        %get3A_993 = arith.index_cast %add3A_977 : i32 to index
        %get3A_994 = arith.constant 16 : index
        %get3A_995 = tpu.vector_load %arg6[%get3A_992, %get3A_993, %get3A_994] {strides = array<i32>} : memref<2x128x128xf32, #tpu.memory_space<vmem>>, vector<1x1x16xf32>,
        %get3A_996 = vector.shape_cast %get3A_995 : vector<1x1x16xf32> to vector<16xf32>
        %swap3A_997 = arith.constant 1 : i32
        %swap3A_998 = arith.index_cast %swap3A_997 : i32 to index
        %swap3A_999 = arith.index_cast %add3A_977 : i32 to index
        %swap3A_1000 = arith.constant 16 : index
        %swap3A_1001 = tpu.vector_load %arg7[%swap3A_998, %swap3A_999, %swap3A_1000] {strides = array<i32>} : memref<2x128x64xf32, #tpu.memory_space<vmem>>, vector<1x1x16xf32>,
        %swap3A_1002 = vector.shape_cast %swap3A_1001 : vector<1x1x16xf32> to vector<16xf32>
        %swap3A_1003 = vector.shape_cast %get3A_996 : vector<16xf32> to vector<1x1x16xf32>
        tpu.vector_store %arg7[%swap3A_998, %swap3A_999, %swap3A_1000], %swap3A_1003 {strides = array<i32>} : memref<2x128x64xf32, #tpu.memory_space<vmem>>, vector<1x1x16xf32>,
        %get3A_1004 = arith.constant 1 : i32
        %get3A_1005 = arith.index_cast %get3A_1004 : i32 to index
        %get3A_1006 = arith.index_cast %add3A_977 : i32 to index
        %get3A_1007 = arith.constant 32 : index
        %get3A_1008 = tpu.vector_load %arg6[%get3A_1005, %get3A_1006, %get3A_1007] {strides = array<i32>} : memref<2x128x128xf32, #tpu.memory_space<vmem>>, vector<1x1x16xf32>,
        %get3A_1009 = vector.shape_cast %get3A_1008 : vector<1x1x16xf32> to vector<16xf32>
        %swap3A_1010 = arith.constant 1 : i32
        %swap3A_1011 = arith.index_cast %swap3A_1010 : i32 to index
        %swap3A_1012 = arith.index_cast %add3A_977 : i32 to index
        %swap3A_1013 = arith.constant 32 : index
        %swap3A_1014 = tpu.vector_load %arg7[%swap3A_1011, %swap3A_1012, %swap3A_1013] {strides = array<i32>} : memref<2x128x64xf32, #tpu.memory_space<vmem>>, vector<1x1x16xf32>,
        %swap3A_1015 = vector.shape_cast %swap3A_1014 : vector<1x1x16xf32> to vector<16xf32>
        %swap3A_1016 = vector.shape_cast %get3A_1009 : vector<16xf32> to vector<1x1x16xf32>
        tpu.vector_store %arg7[%swap3A_1011, %swap3A_1012, %swap3A_1013], %swap3A_1016 {strides = array<i32>} : memref<2x128x64xf32, #tpu.memory_space<vmem>>, vector<1x1x16xf32>,
        %get3A_1017 = arith.constant 1 : i32
        %get3A_1018 = arith.index_cast %get3A_1017 : i32 to index
        %get3A_1019 = arith.index_cast %add3A_977 : i32 to index
        %get3A_1020 = arith.constant 48 : index
        %get3A_1021 = tpu.vector_load %arg6[%get3A_1018, %get3A_1019, %get3A_1020] {strides = array<i32>} : memref<2x128x128xf32, #tpu.memory_space<vmem>>, vector<1x1x16xf32>,
        %get3A_1022 = vector.shape_cast %get3A_1021 : vector<1x1x16xf32> to vector<16xf32>
        %swap3A_1023 = arith.constant 1 : i32
        %swap3A_1024 = arith.index_cast %swap3A_1023 : i32 to index
        %swap3A_1025 = arith.index_cast %add3A_977 : i32 to index
        %swap3A_1026 = arith.constant 48 : index
        %swap3A_1027 = tpu.vector_load %arg7[%swap3A_1024, %swap3A_1025, %swap3A_1026] {strides = array<i32>} : memref<2x128x64xf32, #tpu.memory_space<vmem>>, vector<1x1x16xf32>,
        %swap3A_1028 = vector.shape_cast %swap3A_1027 : vector<1x1x16xf32> to vector<16xf32>
        %swap3A_1029 = vector.shape_cast %get3A_1022 : vector<16xf32> to vector<1x1x16xf32>
        tpu.vector_store %arg7[%swap3A_1024, %swap3A_1025, %swap3A_1026], %swap3A_1029 {strides = array<i32>} : memref<2x128x64xf32, #tpu.memory_space<vmem>>, vector<1x1x16xf32>,
      }
      %scan3A_118 = arith.constant 8 : i32
      %mul3A_119 = arith.constant 128 : i32
      %mul3A_120 = arith.muli %add3A_90, %mul3A_119 : i32
      %add3A_121 = arith.addi %mul3A_2, %mul3A_120 : i32
      %dma_start3A_122 = arith.constant 1 : i32
      %dma_start3A_123 = arith.constant 0 : i32
      %dma_start3A_124 = arith.constant 0 : i32
      %dma_start3A_125 = tpu.memref_slice %arg7[%dma_start3A_122, %dma_start3A_123, %dma_start3A_124] : memref<2x128x64xf32, #tpu.memory_space<vmem>> -> memref<1x128x64xf32, #tpu.memory_space<vmem>>
      %dma_start3A_126 = tpu.memref_squeeze %dma_start3A_125 : memref<1x128x64xf32, #tpu.memory_space<vmem>> -> memref<128x64xf32, #tpu.memory_space<vmem>>
      %dma_start3A_127 = arith.constant 0 : i32
      %dma_start3A_128 = tpu.memref_slice %arg4[%add3A_121, %dma_start3A_127] : memref<819200x64xf32, #tpu.memory_space<hbm>> -> memref<128x64xf32, #tpu.memory_space<hbm>>
      %dma_start3A_129 = arith.constant 0 : i32
      %dma_start3A_130 = tpu.memref_slice %arg4[%add3A_121, %dma_start3A_129] : memref<819200x64xf32, #tpu.memory_space<hbm>> -> memref<128x64xf32, #tpu.memory_space<hbm>>
      %dma_start3A_131 = arith.constant 0 : i32
      %dma_start3A_132 = arith.constant 0 : i32
      %dma_start3A_133 = tpu.memref_slice %arg7[%dma_start3A_122, %dma_start3A_131, %dma_start3A_132] : memref<2x128x64xf32, #tpu.memory_space<vmem>> -> memref<1x128x64xf32, #tpu.memory_space<vmem>>
      %dma_start3A_134 = tpu.memref_squeeze %dma_start3A_133 : memref<1x128x64xf32, #tpu.memory_space<vmem>> -> memref<128x64xf32, #tpu.memory_space<vmem>>
      tpu.enqueue_dma source(%dma_start3A_134 : memref<128x64xf32, #tpu.memory_space<vmem>>) target(%dma_start3A_130 : memref<128x64xf32, #tpu.memory_space<hbm>>) target_semaphore(%arg11 : memref<!tpu.dma_semaphore, #tpu.memory_space<semaphore_mem>>)
    }
    %scan3A_16 = arith.constant 100 : i32
    %dma_wait3A = arith.constant 0 : i32
    %dma_wait3A_17 = arith.constant 0 : i32
    %dma_wait3A_18 = arith.constant 0 : i32
    %dma_wait3A_19 = tpu.memref_slice %arg7[%dma_wait3A, %dma_wait3A_17, %dma_wait3A_18] : memref<2x128x64xf32, #tpu.memory_space<vmem>> -> memref<1x128x64xf32, #tpu.memory_space<vmem>>
    %dma_wait3A_20 = tpu.memref_squeeze %dma_wait3A_19 : memref<1x128x64xf32, #tpu.memory_space<vmem>> -> memref<128x64xf32, #tpu.memory_space<vmem>>
    %dma_wait3A_21 = arith.constant 0 : i32
    %dma_wait3A_22 = tpu.memref_slice %arg4[%mul3A_2, %dma_wait3A_21] : memref<819200x64xf32, #tpu.memory_space<hbm>> -> memref<128x64xf32, #tpu.memory_space<hbm>>
    %dma_wait3A_23 = arith.constant 0 : i32
    %dma_wait3A_24 = tpu.memref_slice %arg4[%mul3A_2, %dma_wait3A_23] : memref<819200x64xf32, #tpu.memory_space<hbm>> -> memref<128x64xf32, #tpu.memory_space<hbm>>
    %dma_wait3A_25 = arith.constant 0 : i32
    %dma_wait3A_26 = arith.constant 0 : i32
    %dma_wait3A_27 = tpu.memref_slice %arg7[%dma_wait3A, %dma_wait3A_25, %dma_wait3A_26] : memref<2x128x64xf32, #tpu.memory_space<vmem>> -> memref<1x128x64xf32, #tpu.memory_space<vmem>>
    %dma_wait3A_28 = tpu.memref_squeeze %dma_wait3A_27 : memref<1x128x64xf32, #tpu.memory_space<vmem>> -> memref<128x64xf32, #tpu.memory_space<vmem>>
    tpu.wait_dma2 semaphore(%arg10 : memref<!tpu.dma_semaphore, #tpu.memory_space<semaphore_mem>>) src(%dma_wait3A_28 : memref<128x64xf32, #tpu.memory_space<vmem>>) dst(%dma_wait3A_24 : memref<128x64xf32, #tpu.memory_space<hbm>>)
    %dma_wait3A_29 = arith.constant 1 : i32
    %dma_wait3A_30 = arith.constant 0 : i32
    %dma_wait3A_31 = arith.constant 0 : i32
    %dma_wait3A_32 = tpu.memref_slice %arg7[%dma_wait3A_29, %dma_wait3A_30, %dma_wait3A_31] : memref<2x128x64xf32, #tpu.memory_space<vmem>> -> memref<1x128x64xf32, #tpu.memory_space<vmem>>
    %dma_wait3A_33 = tpu.memref_squeeze %dma_wait3A_32 : memref<1x128x64xf32, #tpu.memory_space<vmem>> -> memref<128x64xf32, #tpu.memory_space<vmem>>
    %dma_wait3A_34 = arith.constant 0 : i32
    %dma_wait3A_35 = tpu.memref_slice %arg4[%mul3A_2, %dma_wait3A_34] : memref<819200x64xf32, #tpu.memory_space<hbm>> -> memref<128x64xf32, #tpu.memory_space<hbm>>
    %dma_wait3A_36 = arith.constant 0 : i32
    %dma_wait3A_37 = tpu.memref_slice %arg4[%mul3A_2, %dma_wait3A_36] : memref<819200x64xf32, #tpu.memory_space<hbm>> -> memref<128x64xf32, #tpu.memory_space<hbm>>
    %dma_wait3A_38 = arith.constant 0 : i32
    %dma_wait3A_39 = arith.constant 0 : i32
    %dma_wait3A_40 = tpu.memref_slice %arg7[%dma_wait3A_29, %dma_wait3A_38, %dma_wait3A_39] : memref<2x128x64xf32, #tpu.memory_space<vmem>> -> memref<1x128x64xf32, #tpu.memory_space<vmem>>
    %dma_wait3A_41 = tpu.memref_squeeze %dma_wait3A_40 : memref<1x128x64xf32, #tpu.memory_space<vmem>> -> memref<128x64xf32, #tpu.memory_space<vmem>>
    tpu.wait_dma2 semaphore(%arg11 : memref<!tpu.dma_semaphore, #tpu.memory_space<semaphore_mem>>) src(%dma_wait3A_41 : memref<128x64xf32, #tpu.memory_space<vmem>>) dst(%dma_wait3A_37 : memref<128x64xf32, #tpu.memory_space<hbm>>)
    return
  }
}

</mosaic_0001>

<sc_bundles>
// kernel: kernel.3.cloned.1.call-start
scs
__scs_entry_jumppad:
0x0: {  	(pc) =	sbr.rel $0x88, $3  }
0x1: {  	(tag) =	ssettag $0x0;
	lr =	simm.s32 $0x1  }
0x2: {  	[smem:$0x3F9F] =	sst lr;
	_ =	strace $0xD0000000  }
0x3: {  	_ = 	snop  }
0x4: {  	_ = 	snop  }
0x5: {  	_ = 	snop  }
0x6: {  	_ = 	snop  }
0x7: {  	_ = 	snop  }
__scs_overlays_trampoline_lowered:
0x8: {  	[smem:$0x3FAE] =	sst s0  }
0x9: {  	[smem:$0x3FAF] =	sst s1  }
0xa: {  	[smem:$0x3FB0] =	sst s2  }
0xb: {  	[smem:$0x3FB1] =	sst s3  }
0xc: {  	[smem:$0x3FB2] =	sst s4  }
0xd: {  	[smem:$0x3FB3] =	sst s5  }
0xe: {  	[smem:$0x3FB4] =	sst s6  }
0xf: {  	[smem:$0x3FB5] =	sst s7  }
0x10: {  	[smem:$0x3FB6] =	sst s8  }
0x11: {  	[smem:$0x3FB7] =	sst s9;
	s0 =	simm.s32 @!p0 $0x0  }
0x12: {  	s1 =	sld [smem:$0x3F9D];
	s0 =	simm.s32 @p0 $0x1  }
0x13: {  	[smem:$0x3FB8] =	sst s0;
	s0 =	simm.s32 @!p1 $0x0  }
0x14: {  	s2 =	sld [smem:$0x3F9C];
	s0 =	simm.s32 @p1 $0x1  }
0x15: {  	[smem:$0x3FB9] =	sst s0;
	s0 =	simm.s32 @!p2 $0x0  }
0x16: {  	s3 =	sld [smem:$0x3FDB];
	s0 =	simm.s32 @p2 $0x1  }
0x17: {  	s4 =	simm.s32 $0x1BF5;
	[smem:$0x3FBB] =	sst s0  }
0x18: {  	s0 =	sld [smem:$0x3F9E];
	_ =	swait.ge [sflag:s4], $0x0  }
0x19: {  	s7 =	sld [smem:$0x3F9F]  }
0x1a: {  	s8 =	sadd.s32 $0xFFFFE003, lr  }
0x1b: {  	s9 =	sadd.s32 $0xFFFFFEF7, lr;
	s5 =	simm.s32 $0xFFFFFFFF;
	p2 =	slt.u32 s8, $0xFFFFF086  }
0x1c: {  	p1 =	slt.u32 s9, $0xF7A;
	s5 =	simm.s32 @!p2 $0x0  }
0x1d: {  	s5 =	simm.s32 @p1 $0x1;
	p0 =	seq.s32 s7, s2  }
0x1e: {  	s7 =	smul.u32 @!p0 $0xF7A, s2;
	p2 =	seq.s32 @!p0 s5, $0x0  }
0x1f: {  	s9 =	smul.u32 $0xF7A, s1;
	s8 =	simm.s32 @!p0 $0x1BF5;
	p2 =	por !p2, p0  }
0x20: {  	[sflag:s8] =	ssyncset.s32 @!p0 $0xFFFFF086;
	s6 =	sadd.s32 @!p0 s3, s7;
	s7 =	simm.s32 @!p0 $0x108  }
0x21: {  	s3 =	sadd.s32 s3, s9;
	s6 =	sadd.s32 @!p0 $0x88, s6;
	s7 =	simm.s32 @p2 $0x1082  }
0x22: {  	[simem:s7], [sflag:s8] =	dma.local @!p0 [hbm:s6], $0xF7A  }
0x23: {  	s9 =	sor.u32 $0xD0000000, s2;
	s6 =	simm.s32 $0x108;
	_ =	swait.ge @!p0 [sflag:s8], $0x0  }
0x24: {  	s3 =	sadd.s32 $0x88, s3;
	s6 =	simm.s32 @!p1 $0x1082;
	[sflag:s4] =	ssyncset.s32 $0xFFFFF086  }
0x25: {  	[simem:s6], [sflag:s4] =	dma.local [hbm:s3], $0xF7A  }
0x26: {  	[smem:$0x3F9F] =	sst s1;
	(tag) =	ssettag s2;
	_ =	strace s9  }
0x27: {  	s1 =	sld [smem:$0x3FAF]  }
0x28: {  	s2 =	sld [smem:$0x3FB0]  }
0x29: {  	s4 =	sld [smem:$0x3FB2]  }
0x2a: {  	p0 =	seq.s32 s5, $0x0;
	s5 =	sld [smem:$0x3FB3]  }
0x2b: {  	s6 =	sld [smem:$0x3FB4]  }
0x2c: {  	s7 =	sld [smem:$0x3FB5]  }
0x2d: {  	s3 =	simm.s32 $0x108;
	s8 =	sld [smem:$0x3FB6]  }
0x2e: {  	s3 =	simm.s32 @!p0 $0x1082;
	s9 =	sld [smem:$0x3FB7]  }
0x2f: {  	lr =	sadd.s32 s0, s3;
	s0 =	sld [smem:$0x3FAE]  }
0x30: {  	s3 =	sld [smem:$0x3FB1]  }
0x31: {  	[smem:$0x3FBA] =	sst s10  }
0x32: {  	s10 =	sld [smem:$0x3FB8];
	_ =	sdelay $0x3  }
0x33: {  	p0 =	seq.s32 s10, $0x1;
	s10 =	sld [smem:$0x3FBA];
	_ =	sdelay $0x3  }
0x34: {  	[smem:$0x3FBA] =	sst s10  }
0x35: {  	s10 =	sld [smem:$0x3FB9];
	_ =	sdelay $0x3  }
0x36: {  	p1 =	seq.s32 s10, $0x1;
	s10 =	sld [smem:$0x3FBA];
	_ =	sdelay $0x3  }
0x37: {  	[smem:$0x3FBA] =	sst s10  }
0x38: {  	s10 =	sld [smem:$0x3FBB]  }
0x39: {  	_ = 	snop;
	(pc) =	sbr.ind lr, $3  }
0x3a: {  	_ = 	snop  }
0x3b: {  	_ = 	snop  }
0x3c: {  	p2 =	seq.s32 s10, $0x1;
	s10 =	sld [smem:$0x3FBA]  }
0x3d: {  	_ =	shalt  }
0x3e: {  	_ =	shalt  }
0x3f: {  	_ =	shalt  }
0x40: {  	_ =	shalt  }
0x41: {  	_ =	shalt  }
0x42: {  	_ =	shalt  }
0x43: {  	_ =	shalt  }
0x44: {  	_ =	shalt  }
0x45: {  	_ =	shalt  }
0x46: {  	_ =	shalt  }
0x47: {  	_ =	shalt  }
0x48: {  	_ =	shalt  }
0x49: {  	_ =	shalt  }
0x4a: {  	_ =	shalt  }
0x4b: {  	_ =	shalt  }
0x4c: {  	_ =	shalt  }
0x4d: {  	_ =	shalt  }
0x4e: {  	_ =	shalt  }
0x4f: {  	_ =	shalt  }
0x50: {  	_ =	shalt  }
0x51: {  	_ =	shalt  }
0x52: {  	_ =	shalt  }
0x53: {  	_ =	shalt  }
0x54: {  	_ =	shalt  }
0x55: {  	_ =	shalt  }
0x56: {  	_ =	shalt  }
0x57: {  	_ =	shalt  }
0x58: {  	_ =	shalt  }
0x59: {  	_ =	shalt  }
0x5a: {  	_ =	shalt  }
0x5b: {  	_ =	shalt  }
0x5c: {  	_ =	shalt  }
0x5d: {  	_ =	shalt  }
0x5e: {  	_ =	shalt  }
0x5f: {  	_ =	shalt  }
0x60: {  	_ =	shalt  }
0x61: {  	_ =	shalt  }
0x62: {  	_ =	shalt  }
0x63: {  	_ =	shalt  }
0x64: {  	_ =	shalt  }
0x65: {  	_ =	shalt  }
0x66: {  	_ =	shalt  }
0x67: {  	_ =	shalt  }
0x68: {  	_ =	shalt  }
0x69: {  	_ =	shalt  }
0x6a: {  	_ =	shalt  }
0x6b: {  	_ =	shalt  }
0x6c: {  	_ =	shalt  }
0x6d: {  	_ =	shalt  }
0x6e: {  	_ =	shalt  }
0x6f: {  	_ =	shalt  }
0x70: {  	_ =	shalt  }
0x71: {  	_ =	shalt  }
0x72: {  	_ =	shalt  }
0x73: {  	_ =	shalt  }
0x74: {  	_ =	shalt  }
0x75: {  	_ =	shalt  }
0x76: {  	_ =	shalt  }
0x77: {  	_ =	shalt  }
0x78: {  	_ =	shalt  }
0x79: {  	_ =	shalt  }
0x7a: {  	_ =	shalt  }
0x7b: {  	_ =	shalt  }
0x7c: {  	_ =	shalt  }
0x7d: {  	_ =	shalt  }
0x7e: {  	_ =	shalt  }
0x7f: {  	_ =	shalt  }
0x80: {  	_ =	shalt  }
0x81: {  	_ =	shalt  }
0x82: {  	_ =	shalt  }
0x83: {  	_ =	shalt  }
0x84: {  	_ =	shalt  }
0x85: {  	_ =	shalt  }
0x86: {  	_ =	shalt  }
0x87: {  	_ =	shalt  }
.Lfunc_end0:
.L_simem_size_0:
called_computation.1_lowered:
.L_overlay_start_0:
0x88: {  	s2 =	sld [smem:$0x3FD9]  }
0x89: {  	s3 =	sld [smem:$0x3FFE];
	_ =	sdelay $0x1  }
0x8a: {  	s1 =	srdreg.scid  }
0x8b: {  	s0 =	sand.u32 $0x1, s1  }
0x8c: {  	s17 =	sshll.u32 s0, $0xA;
	s2 =	sadd.s32 s3, s2  }
0x8d: {  	s2 =	sadd.s32 s2, s17  }
0x8e: {  	[smem:$0x3FC6] =	sst s2  }
0x8f: {  	_ = 	snop  }
0x90: {  	s2 =	sld [smem:$0x3FD0];
	(tm) =	ssettm $0x1  }
0x91: {  	s18 =	sld [smem:$0x3FFB];
	_ =	sdelay $0x3  }
0x92: {  	_ =	strace s18  }
0x93: {  	s3 =	sld [smem:$0x3FFC];
	_ =	sdelay $0x3  }
0x94: {  	_ =	strace s3  }
0x95: {  	s3 =	sld [smem:$0x3FFD];
	_ =	sdelay $0x3  }
0x96: {  	_ =	strace s3  }
0x97: {  	_ =	strace $0x8FFFFFFF  }
0x98: {  	s19 =	sld [smem:$0x3FDB];
	_ =	sdelay $0x1  }
0x99: {  	s4 =	simm.s32 $_scs_section_size  }
0x9a: {  	s5 =	simm.s32 $_size__tile_overlayer_lowered;
	s6 =	simm.s32 $_tile_overlayer_lowered  }
0x9b: {  	s22 =	simm.s32 $0x1BFF;
	s21 =	sshll.u32 s6, $0x1;
	s3 =	sadd.s32 s4, s19  }
0x9c: {  	s7 =	simm.s32 $0x0;
	s20 =	sshll.u32 s5, $0x1;
	s5 =	sadd.s32 s21, s3  }
0x9d: {  	[timem:s7], [sflag:s22] =	dma.local [hbm:s5], s20  }
0x9e: {  	_ =	swait.ge [sflag:s22], s20  }
0x9f: {  	s4 =	ssub.s32 $0x0, s20;
	[sflag:s22] =	ssyncset.done $0x0  }
0xa0: {  	[sflag:s22] =	ssyncadd.s32 s4;
	_ =	sdelay $0x1  }
0xa1: {  	s23 =	simm.s32 $0x1B8B  }
0xa2: {  	_ =	swait.ge [sflag:s23], $0x1  }
0xa3: {  	[sflag:s23] =	ssyncset.done $0x0  }
0xa4: {  	s25 =	simm.s32 $0x1B8E;
	s24 =	sld [smem:$0x3FFE];
	[sflag:s23] =	ssyncadd.s32 $0xFFFFFFFF  }
0xa5: {  	s26 =	simm.s32 $execute0_lowered;
	[smem:$0x3FD2] =	sst s25  }
0xa6: {  	s5 =	sshll.u32 s26, $0x1;
	_ =	strace $0x80000046;
	[dreg:$0x1] =	wrdreg $0xFFFFFFFF  }
0xa7: {  	s28 =	simm.s32 $_size_execute0_lowered;
	s3 =	sadd.s32 s3, s5;
	[dreg:$0x0] =	wrdreg $0x0  }
0xa8: {  	s5 =	sshll.u32 s28, $0x1;
	[dreg:$0x2] =	wrdreg s3  }
0xa9: {  	[dreg:$0x3] =	wrdreg s5  }
0xaa: {  	[dreg:$0x4] =	wrdreg $0xC0  }
0xab: {  	_ =	task [dreg:s7], $0x5FFFF  }
0xac: {  	[dreg:$0x1] =	wrdreg $0xFFFFFFFF  }
0xad: {  	[dreg:$0x0] =	wrdreg $0x60  }
0xae: {  	[dreg:$0x2] =	wrdreg s2  }
0xaf: {  	[dreg:$0x3] =	wrdreg s24  }
0xb0: {  	[dreg:$0x4] =	wrdreg $0x9  }
0xb1: {  	_ =	task.clear_ibuf [dreg:s7], $0x5FFFF;
	_ =	strace $0x90000046  }
0xb2: {  	s29 =	simm.s32 $0x9;
	_ =	strace $0x80000048  }
0xb3: {  	_ =	swait.ge [sflag:s29], $0x1  }
0xb4: {  	[sflag:s29] =	ssyncadd.s32 $0xFFFFFFFF  }
0xb5: {  	_ =	strace $0x90000048  }
0xb6: {  	_ =	sfence  }
0xb7: {  	s30 =	sld [smem:$0x0];
	_ =	sdelay $0x2  }
0xb8: {  	s31 =	sshll.u32 s1, $0xD;
	s1 =	sshrl.u32 s1, $0x2  }
0xb9: {  	s3 =	sand.u32 $0x4000, s31;
	s1 =	sadd.s32 s1, s30  }
0xba: {  	s0 =	sor.u32 s3, s0;
	s1 =	sshll.u32 s1, $0x11  }
0xbb: {  	s0 =	sor.u32 s1, s0  }
0xbc: {  	s0 =	sadd.s32 $0x8F2B, s0  }
0xbd: {  	[sflag:s0] =	ssyncadd.remote.s32 $0x1  }
0xbe: {  	_ =	sfence.sel $0xFFFF  }
0xbf: {  	[dreg:$0x0] =	wrdreg $0xFFFFFFFF;
	(pc) =	sbr.abs _section_cstart, $3  }
0xc0: {  	[dreg:$0x1] =	wrdreg $0xFFFFFFFF  }
0xc1: {  	_ =	task.clear_ibuf [dreg:s7], $0x2FFFF;
	_ =	strace $0x9FFFFFFF  }
0xc2: {  	(tm) =	ssettm $0x7FFFFFFF  }
0xc3: {  	_ =	shalt  }
tec
execute0_lowered:
.L_overlay_start_1:
0x0: {  	(tag) =	ssettag $0x1  }
0x1: {  	s5 =	rddreg [dreg:$0x0]  }
0x2: {  	s4 =	rddreg [dreg:$0x1]  }
0x3: {  	s0 =	rddreg [dreg:$0x2];
	s3 =	srdreg.scid  }
0x4: {  	s1 =	stileid.u32;
	s2 =	simm.s32 $0x0;
	s10 =	simm.s32 $0x6400  }
0x5: {  	s11 =	simm.s32 $0xA400;
	s12 =	simm.s32 $0x1;
	s13 =	simm.s32 $0xE400  }
0x6: {  	s14 =	simm.s32 $0x2;
	s15 =	simm.s32 $0x4;
	s16 =	simm.s32 $0x12400  }
0x7: {  	s17 =	simm.s32 $0x3;
	s3 =	sand.u32 $0x1, s3;
	s6 =	sshll.u32 s1, $0x1  }
0x8: {  	s18 =	simm.s32 $0x0;
	[smem:$0x7FF] =	sst s2;
	s6 =	sor.u32 s3, s6  }
0x9: {  	_ =	strace $0x80000047;
	s7 =	ssub.s32 $0x2, s3;
	s3 =	sadd.s32 $0xF42E00, s4  }
0xa: {  	s4 =	sadd.s32 $0xA00, s4;
	s8 =	smul.u32 $0xC80, s6;
	s9 =	sshrl.u32 s7, $0x1  }
0xb: {  	s6 =	smul.u32 $0x320000, s6;
	s7 =	ssub.s32 s7, s9;
	s9 =	simm.s32 $0x80  }
0xc: {  	s5 =	sadd.s32 s5, s8;
	s7 =	smax.u32 s7, $0x1;
	s8 =	simm.s32 $0x5  }
.LBB2_1:
0xd: {  	[tilespmem:s2], [sflag:$0x5] =	stream.linear.gather [hbm4b:s5+s2], $0x6400, $0x38;
	[tilespmem:$0x16400] =	vst v63  }
0xe: {  	_ =	swait.ge [sflag:s8], $0x6400  }
0xf: {  	[sflag:s8] =	ssyncset.done $0x0  }
0x10: {  	s19 =	simm.s32 $0x0;
	[sflag:s8] =	ssyncadd.s32 $0xFFFF9C00  }
0x11: {  	[tilespmem:s10], [sflag:$0x1] =	stream.indirect.gather [hbm4b:s3+s9], $0x80, s2, s9, $0xb8;
	[tilespmem:$0x16400] =	vst v63  }
.LBB2_2:
0x12: {  	s20 =	sshllo.u32 s19, $0x1  }
0x13: {  	s21 =	sshll.u32 s20, $0x7  }
0x14: {  	s21 =	sand.u32 $0x3FFFFF80, s21  }
0x15: {  	[tilespmem:s11], [sflag:$0x2] =	stream.indirect.gather [hbm4b:s3+s9], $0x80, s21, s9, $0xb8;
	[tilespmem:$0x16400] =	vst v63  }
0x16: {  	_ =	swait.ge [sflag:s12], $0x4000  }
0x17: {  	p0 =	seq.s32 s19, $0x0;
	[sflag:s12] =	ssyncset.done $0x0  }
0x18: {  	s21 =	simm.s32 @!p0 $0x3;
	[sflag:s12] =	ssyncadd.s32 $0xFFFFC000  }
0x19: {  	_ =	swait.ge @!p0 [sflag:s21], $0x4000  }
0x1a: {  	[sflag:s21] =	ssyncset.done @!p0 $0x0  }
0x1b: {  	[sflag:s21] =	ssyncadd.s32 @!p0 $0xFFFFC000;
	s21 =	simm.s32 $0x0  }
0x1c: {  	v0 =	vld [tilespmem:s21+$0x6BB0]  }
0x1d: {  	v1 =	vld [tilespmem:s21+$0x6400]  }
0x1e: {  	v2 =	vld [tilespmem:s21+$0x6410]  }
0x1f: {  	v3 =	vld [tilespmem:s21+$0x6420]  }
0x20: {  	v4 =	vld [tilespmem:s21+$0x6430]  }
0x21: {  	v5 =	vld [tilespmem:s21+$0x6480];
	[tilespmem:s21+$0xEBB0] =	vst v0  }
0x22: {  	v6 =	vld [tilespmem:s21+$0x6B00];
	[tilespmem:s21+$0xE400] =	vst v1  }
0x23: {  	v7 =	vld [tilespmem:s21+$0x6B10];
	[tilespmem:s21+$0xE410] =	vst v2  }
0x24: {  	v0 =	vld [tilespmem:s21+$0x6490];
	[tilespmem:s21+$0xE420] =	vst v3  }
0x25: {  	v1 =	vld [tilespmem:s21+$0x64A0];
	[tilespmem:s21+$0xE430] =	vst v4  }
0x26: {  	v2 =	vld [tilespmem:s21+$0x64B0];
	[tilespmem:s21+$0xE480] =	vst v5  }
0x27: {  	v3 =	vld [tilespmem:s21+$0x6500];
	[tilespmem:s21+$0xEB00] =	vst v6  }
0x28: {  	v4 =	vld [tilespmem:s21+$0x6510];
	[tilespmem:s21+$0xEB10] =	vst v7  }
0x29: {  	v5 =	vld [tilespmem:s21+$0x6AB0];
	[tilespmem:s21+$0xE490] =	vst v0  }
0x2a: {  	v0 =	vld [tilespmem:s21+$0x6520];
	[tilespmem:s21+$0xE4A0] =	vst v1  }
0x2b: {  	v1 =	vld [tilespmem:s21+$0x6530];
	[tilespmem:s21+$0xE4B0] =	vst v2  }
0x2c: {  	v2 =	vld [tilespmem:s21+$0x6580];
	[tilespmem:s21+$0xE500] =	vst v3  }
0x2d: {  	v3 =	vld [tilespmem:s21+$0x6590];
	[tilespmem:s21+$0xE510] =	vst v4  }
0x2e: {  	v4 =	vld [tilespmem:s21+$0x65A0];
	[tilespmem:s21+$0xEAB0] =	vst v5  }
0x2f: {  	[tilespmem:s21+$0xE520] =	vst v0;
	v0 =	vld [tilespmem:s21+$0x65B0]  }
0x30: {  	[tilespmem:s21+$0xE530] =	vst v1;
	v1 =	vld [tilespmem:s21+$0x6600]  }
0x31: {  	[tilespmem:s21+$0xE580] =	vst v2;
	v2 =	vld [tilespmem:s21+$0x6610]  }
0x32: {  	[tilespmem:s21+$0xE590] =	vst v3;
	v3 =	vld [tilespmem:s21+$0x6620]  }
0x33: {  	[tilespmem:s21+$0xE5A0] =	vst v4;
	v4 =	vld [tilespmem:s21+$0x6630]  }
0x34: {  	[tilespmem:s21+$0xE5B0] =	vst v0;
	v0 =	vld [tilespmem:s21+$0x6680]  }
0x35: {  	[tilespmem:s21+$0xE600] =	vst v1;
	v1 =	vld [tilespmem:s21+$0x6690]  }
0x36: {  	[tilespmem:s21+$0xE610] =	vst v2;
	v2 =	vld [tilespmem:s21+$0x66A0]  }
0x37: {  	[tilespmem:s21+$0xE620] =	vst v3;
	v3 =	vld [tilespmem:s21+$0x66B0]  }
0x38: {  	[tilespmem:s21+$0xE630] =	vst v4;
	v4 =	vld [tilespmem:s21+$0x6700]  }
0x39: {  	[tilespmem:s21+$0xE680] =	vst v0;
	v0 =	vld [tilespmem:s21+$0x6710]  }
0x3a: {  	[tilespmem:s21+$0xE690] =	vst v1;
	v1 =	vld [tilespmem:s21+$0x6720]  }
0x3b: {  	[tilespmem:s21+$0xE6A0] =	vst v2;
	v2 =	vld [tilespmem:s21+$0x6730]  }
0x3c: {  	[tilespmem:s21+$0xE6B0] =	vst v3;
	v3 =	vld [tilespmem:s21+$0x6780]  }
0x3d: {  	[tilespmem:s21+$0xE700] =	vst v4;
	v4 =	vld [tilespmem:s21+$0x6790]  }
0x3e: {  	[tilespmem:s21+$0xE710] =	vst v0;
	v0 =	vld [tilespmem:s21+$0x67A0]  }
0x3f: {  	[tilespmem:s21+$0xE720] =	vst v1;
	v1 =	vld [tilespmem:s21+$0x67B0]  }
0x40: {  	[tilespmem:s21+$0xE730] =	vst v2;
	v2 =	vld [tilespmem:s21+$0x6800]  }
0x41: {  	[tilespmem:s21+$0xE780] =	vst v3;
	v3 =	vld [tilespmem:s21+$0x6810]  }
0x42: {  	[tilespmem:s21+$0xE790] =	vst v4;
	v4 =	vld [tilespmem:s21+$0x6820]  }
0x43: {  	[tilespmem:s21+$0xE7A0] =	vst v0;
	v0 =	vld [tilespmem:s21+$0x6830]  }
0x44: {  	[tilespmem:s21+$0xE7B0] =	vst v1;
	v1 =	vld [tilespmem:s21+$0x6880]  }
0x45: {  	[tilespmem:s21+$0xE800] =	vst v2;
	v2 =	vld [tilespmem:s21+$0x6890]  }
0x46: {  	[tilespmem:s21+$0xE810] =	vst v3;
	v3 =	vld [tilespmem:s21+$0x68A0]  }
0x47: {  	[tilespmem:s21+$0xE820] =	vst v4;
	v4 =	vld [tilespmem:s21+$0x68B0]  }
0x48: {  	[tilespmem:s21+$0xE830] =	vst v0;
	v0 =	vld [tilespmem:s21+$0x6900]  }
0x49: {  	[tilespmem:s21+$0xE880] =	vst v1;
	v1 =	vld [tilespmem:s21+$0x6910]  }
0x4a: {  	[tilespmem:s21+$0xE890] =	vst v2;
	v2 =	vld [tilespmem:s21+$0x6920]  }
0x4b: {  	[tilespmem:s21+$0xE8A0] =	vst v3;
	v3 =	vld [tilespmem:s21+$0x6930]  }
0x4c: {  	[tilespmem:s21+$0xE8B0] =	vst v4;
	v4 =	vld [tilespmem:s21+$0x6980]  }
0x4d: {  	[tilespmem:s21+$0xE900] =	vst v0;
	v0 =	vld [tilespmem:s21+$0x6990]  }
0x4e: {  	[tilespmem:s21+$0xE910] =	vst v1;
	v1 =	vld [tilespmem:s21+$0x69A0]  }
0x4f: {  	[tilespmem:s21+$0xE920] =	vst v2;
	v2 =	vld [tilespmem:s21+$0x69B0]  }
0x50: {  	[tilespmem:s21+$0xE930] =	vst v3;
	v3 =	vld [tilespmem:s21+$0x6A00]  }
0x51: {  	[tilespmem:s21+$0xE980] =	vst v4;
	v4 =	vld [tilespmem:s21+$0x6A10]  }
0x52: {  	[tilespmem:s21+$0xE990] =	vst v0;
	v0 =	vld [tilespmem:s21+$0x6A20]  }
0x53: {  	[tilespmem:s21+$0xE9A0] =	vst v1;
	v1 =	vld [tilespmem:s21+$0x6A30]  }
0x54: {  	[tilespmem:s21+$0xE9B0] =	vst v2;
	v2 =	vld [tilespmem:s21+$0x6A80]  }
0x55: {  	[tilespmem:s21+$0xEA00] =	vst v3;
	v3 =	vld [tilespmem:s21+$0x6A90]  }
0x56: {  	[tilespmem:s21+$0xEA10] =	vst v4;
	v4 =	vld [tilespmem:s21+$0x6AA0]  }
0x57: {  	[tilespmem:s21+$0xEA20] =	vst v0;
	v0 =	vld [tilespmem:s21+$0x6B20]  }
0x58: {  	[tilespmem:s21+$0xEA30] =	vst v1;
	v1 =	vld [tilespmem:s21+$0x6B30]  }
0x59: {  	[tilespmem:s21+$0xEA80] =	vst v2;
	v2 =	vld [tilespmem:s21+$0x6B80]  }
0x5a: {  	[tilespmem:s21+$0xEA90] =	vst v3;
	v3 =	vld [tilespmem:s21+$0x6B90]  }
0x5b: {  	s23 =	simm.s32 $0x800;
	s22 =	simm.s32 $0x4000;
	[tilespmem:s21+$0xEAA0] =	vst v4;
	v4 =	vld [tilespmem:s21+$0x6BA0]  }
.LBB2_3:
0x5c: {  	p1 =	sne.s32 s22, $0xE000;
	v5 =	vld [tilespmem:s23+$0x6BB0];
	[tilespmem:s21+$0xEB20] =	vst v0  }
0x5d: {  	v0 =	vld [tilespmem:s23+$0x6400];
	[tilespmem:s21+$0xEB30] =	vst v1  }
0x5e: {  	v1 =	vld [tilespmem:s23+$0x6410];
	[tilespmem:s21+$0xEB80] =	vst v2  }
0x5f: {  	v2 =	vld [tilespmem:s23+$0x6420];
	[tilespmem:s21+$0xEB90] =	vst v3  }
0x60: {  	v3 =	vld [tilespmem:s23+$0x6430];
	[tilespmem:s21+$0xEBA0] =	vst v4;
	s21 =	smov.u32 s23  }
0x61: {  	v4 =	vld [tilespmem:s21+$0x6480];
	[tilespmem:s21+$0xEBB0] =	vst v5  }
0x62: {  	[tilespmem:s21+$0xE400] =	vst v0;
	v0 =	vld [tilespmem:s21+$0x6490]  }
0x63: {  	[tilespmem:s21+$0xE410] =	vst v1;
	v1 =	vld [tilespmem:s21+$0x64A0]  }
0x64: {  	[tilespmem:s21+$0xE420] =	vst v2;
	v2 =	vld [tilespmem:s21+$0x64B0]  }
0x65: {  	[tilespmem:s21+$0xE430] =	vst v3;
	v3 =	vld [tilespmem:s21+$0x6500]  }
0x66: {  	[tilespmem:s21+$0xE480] =	vst v4;
	v4 =	vld [tilespmem:s21+$0x6510]  }
0x67: {  	[tilespmem:s21+$0xE490] =	vst v0;
	v0 =	vld [tilespmem:s21+$0x6520]  }
0x68: {  	[tilespmem:s21+$0xE4A0] =	vst v1;
	v1 =	vld [tilespmem:s21+$0x6530]  }
0x69: {  	[tilespmem:s21+$0xE4B0] =	vst v2;
	v2 =	vld [tilespmem:s21+$0x6580]  }
0x6a: {  	[tilespmem:s21+$0xE500] =	vst v3;
	v3 =	vld [tilespmem:s21+$0x6590]  }
0x6b: {  	[tilespmem:s21+$0xE510] =	vst v4;
	v4 =	vld [tilespmem:s21+$0x65A0]  }
0x6c: {  	[tilespmem:s21+$0xE520] =	vst v0;
	v0 =	vld [tilespmem:s21+$0x65B0]  }
0x6d: {  	[tilespmem:s21+$0xE530] =	vst v1;
	v1 =	vld [tilespmem:s21+$0x6600]  }
0x6e: {  	[tilespmem:s21+$0xE580] =	vst v2;
	v2 =	vld [tilespmem:s21+$0x6610]  }
0x6f: {  	[tilespmem:s21+$0xE590] =	vst v3;
	v3 =	vld [tilespmem:s21+$0x6620]  }
0x70: {  	[tilespmem:s21+$0xE5A0] =	vst v4;
	v4 =	vld [tilespmem:s21+$0x6630]  }
0x71: {  	[tilespmem:s21+$0xE5B0] =	vst v0;
	v0 =	vld [tilespmem:s21+$0x6680]  }
0x72: {  	[tilespmem:s21+$0xE600] =	vst v1;
	v1 =	vld [tilespmem:s21+$0x6690]  }
0x73: {  	[tilespmem:s21+$0xE610] =	vst v2;
	v2 =	vld [tilespmem:s21+$0x66A0]  }
0x74: {  	[tilespmem:s21+$0xE620] =	vst v3;
	v3 =	vld [tilespmem:s21+$0x66B0]  }
0x75: {  	[tilespmem:s21+$0xE630] =	vst v4;
	v4 =	vld [tilespmem:s21+$0x6700]  }
0x76: {  	[tilespmem:s21+$0xE680] =	vst v0;
	v0 =	vld [tilespmem:s21+$0x6710]  }
0x77: {  	[tilespmem:s21+$0xE690] =	vst v1;
	v1 =	vld [tilespmem:s21+$0x6720]  }
0x78: {  	[tilespmem:s21+$0xE6A0] =	vst v2;
	v2 =	vld [tilespmem:s21+$0x6730]  }
0x79: {  	[tilespmem:s21+$0xE6B0] =	vst v3;
	v3 =	vld [tilespmem:s21+$0x6780]  }
0x7a: {  	[tilespmem:s21+$0xE700] =	vst v4;
	v4 =	vld [tilespmem:s21+$0x6790]  }
0x7b: {  	[tilespmem:s21+$0xE710] =	vst v0;
	v0 =	vld [tilespmem:s21+$0x67A0]  }
0x7c: {  	[tilespmem:s21+$0xE720] =	vst v1;
	v1 =	vld [tilespmem:s21+$0x67B0]  }
0x7d: {  	[tilespmem:s21+$0xE730] =	vst v2;
	v2 =	vld [tilespmem:s21+$0x6800]  }
0x7e: {  	[tilespmem:s21+$0xE780] =	vst v3;
	v3 =	vld [tilespmem:s21+$0x6810]  }
0x7f: {  	[tilespmem:s21+$0xE790] =	vst v4;
	v4 =	vld [tilespmem:s21+$0x6820]  }
0x80: {  	[tilespmem:s21+$0xE7A0] =	vst v0;
	v0 =	vld [tilespmem:s21+$0x6830]  }
0x81: {  	[tilespmem:s21+$0xE7B0] =	vst v1;
	v1 =	vld [tilespmem:s21+$0x6880]  }
0x82: {  	[tilespmem:s21+$0xE800] =	vst v2;
	v2 =	vld [tilespmem:s21+$0x6890]  }
0x83: {  	[tilespmem:s21+$0xE810] =	vst v3;
	v3 =	vld [tilespmem:s21+$0x68A0]  }
0x84: {  	[tilespmem:s21+$0xE820] =	vst v4;
	v4 =	vld [tilespmem:s21+$0x68B0]  }
0x85: {  	[tilespmem:s21+$0xE830] =	vst v0;
	v0 =	vld [tilespmem:s21+$0x6900]  }
0x86: {  	[tilespmem:s21+$0xE880] =	vst v1;
	v1 =	vld [tilespmem:s21+$0x6910]  }
0x87: {  	[tilespmem:s21+$0xE890] =	vst v2;
	v2 =	vld [tilespmem:s21+$0x6920]  }
0x88: {  	[tilespmem:s21+$0xE8A0] =	vst v3;
	v3 =	vld [tilespmem:s21+$0x6930]  }
0x89: {  	[tilespmem:s21+$0xE8B0] =	vst v4;
	v4 =	vld [tilespmem:s21+$0x6980]  }
0x8a: {  	[tilespmem:s21+$0xE900] =	vst v0;
	v0 =	vld [tilespmem:s21+$0x6990]  }
0x8b: {  	[tilespmem:s21+$0xE910] =	vst v1;
	v1 =	vld [tilespmem:s21+$0x69A0]  }
0x8c: {  	[tilespmem:s21+$0xE920] =	vst v2;
	v2 =	vld [tilespmem:s21+$0x69B0]  }
0x8d: {  	[tilespmem:s21+$0xE930] =	vst v3;
	v3 =	vld [tilespmem:s21+$0x6A00]  }
0x8e: {  	[tilespmem:s21+$0xE980] =	vst v4;
	v4 =	vld [tilespmem:s21+$0x6A10]  }
0x8f: {  	[tilespmem:s21+$0xE990] =	vst v0;
	v0 =	vld [tilespmem:s21+$0x6A20]  }
0x90: {  	[tilespmem:s21+$0xE9A0] =	vst v1;
	v1 =	vld [tilespmem:s21+$0x6A30]  }
0x91: {  	[tilespmem:s21+$0xE9B0] =	vst v2;
	v2 =	vld [tilespmem:s21+$0x6A80]  }
0x92: {  	[tilespmem:s21+$0xEA00] =	vst v3;
	v3 =	vld [tilespmem:s21+$0x6A90]  }
0x93: {  	[tilespmem:s21+$0xEA10] =	vst v4;
	v4 =	vld [tilespmem:s21+$0x6AA0]  }
0x94: {  	[tilespmem:s21+$0xEA20] =	vst v0;
	v5 =	vld [tilespmem:s21+$0x6AB0]  }
0x95: {  	[tilespmem:s21+$0xEA30] =	vst v1;
	v6 =	vld [tilespmem:s21+$0x6B00]  }
0x96: {  	[tilespmem:s21+$0xEA80] =	vst v2;
	v7 =	vld [tilespmem:s21+$0x6B10]  }
.Ltmp0:
0x97: {  	[tilespmem:s21+$0xEA90] =	vst v3;
	v0 =	vld [tilespmem:s21+$0x6B20];
	(pc) =	sbr.rel @p1 .LBB2_3-.Ltmp0, $4  }
0x98: {  	[tilespmem:s21+$0xEAA0] =	vst v4;
	v1 =	vld [tilespmem:s21+$0x6B30]  }
0x99: {  	[tilespmem:s21+$0xEAB0] =	vst v5;
	v2 =	vld [tilespmem:s21+$0x6B80]  }
0x9a: {  	[tilespmem:s21+$0xEB00] =	vst v6;
	v3 =	vld [tilespmem:s21+$0x6B90]  }
0x9b: {  	s23 =	sshra.s32 s22, $0x2;
	s22 =	sadd.s32 $0x2000, s22;
	[tilespmem:s21+$0xEB10] =	vst v7;
	v4 =	vld [tilespmem:s21+$0x6BA0]  }
0x9c: {  	v5 =	vld [tilespmem:s23+$0x6BB0];
	[tilespmem:s21+$0xEB20] =	vst v0  }
0x9d: {  	v0 =	vld [tilespmem:s23+$0x6400];
	[tilespmem:s21+$0xEB30] =	vst v1  }
0x9e: {  	v1 =	vld [tilespmem:s23+$0x6410];
	[tilespmem:s21+$0xEB80] =	vst v2  }
0x9f: {  	v2 =	vld [tilespmem:s23+$0x6420];
	[tilespmem:s21+$0xEB90] =	vst v3  }
0xa0: {  	v3 =	vld [tilespmem:s23+$0x6430];
	[tilespmem:s21+$0xEBA0] =	vst v4  }
0xa1: {  	v4 =	vld [tilespmem:s23+$0x6480];
	[tilespmem:s23+$0xEBB0] =	vst v5  }
0xa2: {  	v62 =	vld [tilespmem:s23+$0x6490];
	[tilespmem:s23+$0xE400] =	vst v0  }
0xa3: {  	v63 =	vld [tilespmem:s23+$0x64A0];
	[tilespmem:s23+$0xE410] =	vst v1  }
0xa4: {  	v8 =	vld [tilespmem:s23+$0x64B0];
	[tilespmem:s23+$0xE420] =	vst v2  }
0xa5: {  	v9 =	vld [tilespmem:s23+$0x6500];
	[tilespmem:s23+$0xE430] =	vst v3  }
0xa6: {  	v10 =	vld [tilespmem:s23+$0x6510];
	[tilespmem:s23+$0xE480] =	vst v4  }
0xa7: {  	v11 =	vld [tilespmem:s23+$0x6520];
	[tilespmem:s23+$0xE490] =	vst v62  }
0xa8: {  	v12 =	vld [tilespmem:s23+$0x6530];
	[tilespmem:s23+$0xE4A0] =	vst v63  }
0xa9: {  	v13 =	vld [tilespmem:s23+$0x6580];
	[tilespmem:s23+$0xE4B0] =	vst v8  }
0xaa: {  	v14 =	vld [tilespmem:s23+$0x6590];
	[tilespmem:s23+$0xE500] =	vst v9  }
0xab: {  	v15 =	vld [tilespmem:s23+$0x65A0];
	[tilespmem:s23+$0xE510] =	vst v10  }
0xac: {  	v16 =	vld [tilespmem:s23+$0x65B0];
	[tilespmem:s23+$0xE520] =	vst v11  }
0xad: {  	v17 =	vld [tilespmem:s23+$0x6600];
	[tilespmem:s23+$0xE530] =	vst v12  }
0xae: {  	v18 =	vld [tilespmem:s23+$0x6610];
	[tilespmem:s23+$0xE580] =	vst v13  }
0xaf: {  	v19 =	vld [tilespmem:s23+$0x6620];
	[tilespmem:s23+$0xE590] =	vst v14  }
0xb0: {  	v20 =	vld [tilespmem:s23+$0x6630];
	[tilespmem:s23+$0xE5A0] =	vst v15  }
0xb1: {  	v21 =	vld [tilespmem:s23+$0x6680];
	[tilespmem:s23+$0xE5B0] =	vst v16  }
0xb2: {  	v22 =	vld [tilespmem:s23+$0x6690];
	[tilespmem:s23+$0xE600] =	vst v17  }
0xb3: {  	v23 =	vld [tilespmem:s23+$0x66A0];
	[tilespmem:s23+$0xE610] =	vst v18  }
0xb4: {  	v24 =	vld [tilespmem:s23+$0x66B0];
	[tilespmem:s23+$0xE620] =	vst v19  }
0xb5: {  	v25 =	vld [tilespmem:s23+$0x6700];
	[tilespmem:s23+$0xE630] =	vst v20  }
0xb6: {  	v26 =	vld [tilespmem:s23+$0x6710];
	[tilespmem:s23+$0xE680] =	vst v21  }
0xb7: {  	v27 =	vld [tilespmem:s23+$0x6720];
	[tilespmem:s23+$0xE690] =	vst v22  }
0xb8: {  	v28 =	vld [tilespmem:s23+$0x6730];
	[tilespmem:s23+$0xE6A0] =	vst v23  }
0xb9: {  	v29 =	vld [tilespmem:s23+$0x6780];
	[tilespmem:s23+$0xE6B0] =	vst v24  }
0xba: {  	v30 =	vld [tilespmem:s23+$0x6790];
	[tilespmem:s23+$0xE700] =	vst v25  }
0xbb: {  	v31 =	vld [tilespmem:s23+$0x67A0];
	[tilespmem:s23+$0xE710] =	vst v26  }
0xbc: {  	v32 =	vld [tilespmem:s23+$0x67B0];
	[tilespmem:s23+$0xE720] =	vst v27  }
0xbd: {  	v33 =	vld [tilespmem:s23+$0x6800];
	[tilespmem:s23+$0xE730] =	vst v28  }
0xbe: {  	v34 =	vld [tilespmem:s23+$0x6810];
	[tilespmem:s23+$0xE780] =	vst v29  }
0xbf: {  	v35 =	vld [tilespmem:s23+$0x6820];
	[tilespmem:s23+$0xE790] =	vst v30  }
0xc0: {  	v36 =	vld [tilespmem:s23+$0x6830];
	[tilespmem:s23+$0xE7A0] =	vst v31  }
0xc1: {  	v37 =	vld [tilespmem:s23+$0x6880];
	[tilespmem:s23+$0xE7B0] =	vst v32  }
0xc2: {  	v38 =	vld [tilespmem:s23+$0x6890];
	[tilespmem:s23+$0xE800] =	vst v33  }
0xc3: {  	v39 =	vld [tilespmem:s23+$0x68A0];
	[tilespmem:s23+$0xE810] =	vst v34  }
0xc4: {  	v40 =	vld [tilespmem:s23+$0x68B0];
	[tilespmem:s23+$0xE820] =	vst v35  }
0xc5: {  	v41 =	vld [tilespmem:s23+$0x6900];
	[tilespmem:s23+$0xE830] =	vst v36  }
0xc6: {  	v42 =	vld [tilespmem:s23+$0x6910];
	[tilespmem:s23+$0xE880] =	vst v37  }
0xc7: {  	v43 =	vld [tilespmem:s23+$0x6920];
	[tilespmem:s23+$0xE890] =	vst v38  }
0xc8: {  	v44 =	vld [tilespmem:s23+$0x6930];
	[tilespmem:s23+$0xE8A0] =	vst v39  }
0xc9: {  	v45 =	vld [tilespmem:s23+$0x6980];
	[tilespmem:s23+$0xE8B0] =	vst v40  }
0xca: {  	v46 =	vld [tilespmem:s23+$0x6990];
	[tilespmem:s23+$0xE900] =	vst v41  }
0xcb: {  	v47 =	vld [tilespmem:s23+$0x69A0];
	[tilespmem:s23+$0xE910] =	vst v42  }
0xcc: {  	v48 =	vld [tilespmem:s23+$0x69B0];
	[tilespmem:s23+$0xE920] =	vst v43  }
0xcd: {  	v49 =	vld [tilespmem:s23+$0x6A00];
	[tilespmem:s23+$0xE930] =	vst v44  }
0xce: {  	v50 =	vld [tilespmem:s23+$0x6A10];
	[tilespmem:s23+$0xE980] =	vst v45  }
0xcf: {  	v51 =	vld [tilespmem:s23+$0x6A20];
	[tilespmem:s23+$0xE990] =	vst v46  }
0xd0: {  	v52 =	vld [tilespmem:s23+$0x6A30];
	[tilespmem:s23+$0xE9A0] =	vst v47  }
0xd1: {  	v53 =	vld [tilespmem:s23+$0x6A80];
	[tilespmem:s23+$0xE9B0] =	vst v48  }
0xd2: {  	v54 =	vld [tilespmem:s23+$0x6A90];
	[tilespmem:s23+$0xEA00] =	vst v49  }
0xd3: {  	v55 =	vld [tilespmem:s23+$0x6AA0];
	[tilespmem:s23+$0xEA10] =	vst v50  }
0xd4: {  	v56 =	vld [tilespmem:s23+$0x6AB0];
	[tilespmem:s23+$0xEA20] =	vst v51  }
0xd5: {  	v57 =	vld [tilespmem:s23+$0x6B00];
	[tilespmem:s23+$0xEA30] =	vst v52  }
0xd6: {  	v58 =	vld [tilespmem:s23+$0x6B10];
	[tilespmem:s23+$0xEA80] =	vst v53  }
0xd7: {  	v59 =	vld [tilespmem:s23+$0x6B20];
	[tilespmem:s23+$0xEA90] =	vst v54  }
0xd8: {  	v60 =	vld [tilespmem:s23+$0x6B30];
	[tilespmem:s23+$0xEAA0] =	vst v55  }
0xd9: {  	v61 =	vld [tilespmem:s23+$0x6B80];
	[tilespmem:s23+$0xEAB0] =	vst v56  }
0xda: {  	[tilespmem:s23+$0xEB00] =	vst v57;
	v62 =	vld [tilespmem:s23+$0x6B90]  }
0xdb: {  	[tilespmem:s23+$0xEB10] =	vst v58;
	v63 =	vld [tilespmem:s23+$0x6BA0]  }
0xdc: {  	p1 =	sne.s32 s19, $0x63;
	[tilespmem:s23+$0xEB20] =	vst v59  }
.Ltmp1:
0xdd: {  	s31 =	sshll.u32 s19, $0xF;
	[tilespmem:s23+$0xEB30] =	vst v60;
	(pc) =	sbr.rel @p1 .LBB2_6-.Ltmp1, $4  }
0xde: {  	s21 =	sadd.s32 s6, s31;
	[tilespmem:s23+$0xEB80] =	vst v61  }
0xdf: {  	s21 =	sshrl.u32 s21, $0x3;
	[tilespmem:s23+$0xEB90] =	vst v62  }
0xe0: {  	s21 =	sadd.s32 s4, s21;
	[tilespmem:s23+$0xEBA0] =	vst v63  }
0xe1: {  	[hbm4b:s21+s2] =	stream.linear.scatter [tilespmem:s13], [sflag:$0x3], $0x4000, $0x38;
	[tilespmem:$0x16400] =	vst v63  }
.Ltmp2:
0xe2: {  	(pc) =	sbr.rel .LBB2_7-.Ltmp2, $4  }
0xe3: {  	_ = 	snop  }
0xe4: {  	_ =	swait.ge [sflag:s14], $0x4000  }
0xe5: {  	[sflag:s14] =	ssyncset.done $0x0  }
0xe6: {  	[sflag:s14] =	ssyncadd.s32 $0xFFFFC000  }
.LBB2_6:
0xe7: {  	s21 =	sshll.u32 s19, $0x8  }
0xe8: {  	s21 =	sand.u32 $0x3FFFFF00, s21  }
.Ltmp3:
0xe9: {  	s21 =	sadd.s32 $0x100, s21;
	(pc) =	sbr.rel @p0 .LBB2_8-.Ltmp3, $4  }
0xea: {  	[tilespmem:s10], [sflag:$0x1] =	stream.indirect.gather [hbm4b:s3+s9], $0x80, s21, s9, $0xb8;
	[tilespmem:$0x16400] =	vst v63  }
0xeb: {  	_ =	swait.ge [sflag:s14], $0x4000  }
0xec: {  	[sflag:s14] =	ssyncset.done $0x0  }
0xed: {  	[sflag:s14] =	ssyncadd.s32 $0xFFFFC000  }
.LBB2_7:
0xee: {  	_ =	swait.ge [sflag:s15], $0x4000  }
0xef: {  	[sflag:s15] =	ssyncset.done $0x0  }
0xf0: {  	[sflag:s15] =	ssyncadd.s32 $0xFFFFC000  }
.LBB2_8:
0xf1: {  	s21 =	simm.s32 $0x0  }
0xf2: {  	v0 =	vld [tilespmem:s21+$0xABB0]  }
0xf3: {  	v1 =	vld [tilespmem:s21+$0xA400]  }
0xf4: {  	v2 =	vld [tilespmem:s21+$0xA410]  }
0xf5: {  	v3 =	vld [tilespmem:s21+$0xA420]  }
0xf6: {  	v4 =	vld [tilespmem:s21+$0xA430]  }
0xf7: {  	v5 =	vld [tilespmem:s21+$0xA480];
	[tilespmem:s21+$0x12BB0] =	vst v0  }
0xf8: {  	v6 =	vld [tilespmem:s21+$0xAB00];
	[tilespmem:s21+$0x12400] =	vst v1  }
0xf9: {  	v7 =	vld [tilespmem:s21+$0xAB10];
	[tilespmem:s21+$0x12410] =	vst v2  }
0xfa: {  	v0 =	vld [tilespmem:s21+$0xA490];
	[tilespmem:s21+$0x12420] =	vst v3  }
0xfb: {  	v1 =	vld [tilespmem:s21+$0xA4A0];
	[tilespmem:s21+$0x12430] =	vst v4  }
0xfc: {  	v2 =	vld [tilespmem:s21+$0xA4B0];
	[tilespmem:s21+$0x12480] =	vst v5  }
0xfd: {  	v3 =	vld [tilespmem:s21+$0xA500];
	[tilespmem:s21+$0x12B00] =	vst v6  }
0xfe: {  	v4 =	vld [tilespmem:s21+$0xA510];
	[tilespmem:s21+$0x12B10] =	vst v7  }
0xff: {  	v5 =	vld [tilespmem:s21+$0xAAB0];
	[tilespmem:s21+$0x12490] =	vst v0  }
0x100: {  	v0 =	vld [tilespmem:s21+$0xA520];
	[tilespmem:s21+$0x124A0] =	vst v1  }
0x101: {  	v1 =	vld [tilespmem:s21+$0xA530];
	[tilespmem:s21+$0x124B0] =	vst v2  }
0x102: {  	v2 =	vld [tilespmem:s21+$0xA580];
	[tilespmem:s21+$0x12500] =	vst v3  }
0x103: {  	v3 =	vld [tilespmem:s21+$0xA590];
	[tilespmem:s21+$0x12510] =	vst v4  }
0x104: {  	v4 =	vld [tilespmem:s21+$0xA5A0];
	[tilespmem:s21+$0x12AB0] =	vst v5  }
0x105: {  	[tilespmem:s21+$0x12520] =	vst v0;
	v0 =	vld [tilespmem:s21+$0xA5B0]  }
0x106: {  	[tilespmem:s21+$0x12530] =	vst v1;
	v1 =	vld [tilespmem:s21+$0xA600]  }
0x107: {  	[tilespmem:s21+$0x12580] =	vst v2;
	v2 =	vld [tilespmem:s21+$0xA610]  }
0x108: {  	[tilespmem:s21+$0x12590] =	vst v3;
	v3 =	vld [tilespmem:s21+$0xA620]  }
0x109: {  	[tilespmem:s21+$0x125A0] =	vst v4;
	v4 =	vld [tilespmem:s21+$0xA630]  }
0x10a: {  	[tilespmem:s21+$0x125B0] =	vst v0;
	v0 =	vld [tilespmem:s21+$0xA680]  }
0x10b: {  	[tilespmem:s21+$0x12600] =	vst v1;
	v1 =	vld [tilespmem:s21+$0xA690]  }
0x10c: {  	[tilespmem:s21+$0x12610] =	vst v2;
	v2 =	vld [tilespmem:s21+$0xA6A0]  }
0x10d: {  	[tilespmem:s21+$0x12620] =	vst v3;
	v3 =	vld [tilespmem:s21+$0xA6B0]  }
0x10e: {  	[tilespmem:s21+$0x12630] =	vst v4;
	v4 =	vld [tilespmem:s21+$0xA700]  }
0x10f: {  	[tilespmem:s21+$0x12680] =	vst v0;
	v0 =	vld [tilespmem:s21+$0xA710]  }
0x110: {  	[tilespmem:s21+$0x12690] =	vst v1;
	v1 =	vld [tilespmem:s21+$0xA720]  }
0x111: {  	[tilespmem:s21+$0x126A0] =	vst v2;
	v2 =	vld [tilespmem:s21+$0xA730]  }
0x112: {  	[tilespmem:s21+$0x126B0] =	vst v3;
	v3 =	vld [tilespmem:s21+$0xA780]  }
0x113: {  	[tilespmem:s21+$0x12700] =	vst v4;
	v4 =	vld [tilespmem:s21+$0xA790]  }
0x114: {  	[tilespmem:s21+$0x12710] =	vst v0;
	v0 =	vld [tilespmem:s21+$0xA7A0]  }
0x115: {  	[tilespmem:s21+$0x12720] =	vst v1;
	v1 =	vld [tilespmem:s21+$0xA7B0]  }
0x116: {  	[tilespmem:s21+$0x12730] =	vst v2;
	v2 =	vld [tilespmem:s21+$0xA800]  }
0x117: {  	[tilespmem:s21+$0x12780] =	vst v3;
	v3 =	vld [tilespmem:s21+$0xA810]  }
0x118: {  	[tilespmem:s21+$0x12790] =	vst v4;
	v4 =	vld [tilespmem:s21+$0xA820]  }
0x119: {  	[tilespmem:s21+$0x127A0] =	vst v0;
	v0 =	vld [tilespmem:s21+$0xA830]  }
0x11a: {  	[tilespmem:s21+$0x127B0] =	vst v1;
	v1 =	vld [tilespmem:s21+$0xA880]  }
0x11b: {  	[tilespmem:s21+$0x12800] =	vst v2;
	v2 =	vld [tilespmem:s21+$0xA890]  }
0x11c: {  	[tilespmem:s21+$0x12810] =	vst v3;
	v3 =	vld [tilespmem:s21+$0xA8A0]  }
0x11d: {  	[tilespmem:s21+$0x12820] =	vst v4;
	v4 =	vld [tilespmem:s21+$0xA8B0]  }
0x11e: {  	[tilespmem:s21+$0x12830] =	vst v0;
	v0 =	vld [tilespmem:s21+$0xA900]  }
0x11f: {  	[tilespmem:s21+$0x12880] =	vst v1;
	v1 =	vld [tilespmem:s21+$0xA910]  }
0x120: {  	[tilespmem:s21+$0x12890] =	vst v2;
	v2 =	vld [tilespmem:s21+$0xA920]  }
0x121: {  	[tilespmem:s21+$0x128A0] =	vst v3;
	v3 =	vld [tilespmem:s21+$0xA930]  }
0x122: {  	[tilespmem:s21+$0x128B0] =	vst v4;
	v4 =	vld [tilespmem:s21+$0xA980]  }
0x123: {  	[tilespmem:s21+$0x12900] =	vst v0;
	v0 =	vld [tilespmem:s21+$0xA990]  }
0x124: {  	[tilespmem:s21+$0x12910] =	vst v1;
	v1 =	vld [tilespmem:s21+$0xA9A0]  }
0x125: {  	[tilespmem:s21+$0x12920] =	vst v2;
	v2 =	vld [tilespmem:s21+$0xA9B0]  }
0x126: {  	[tilespmem:s21+$0x12930] =	vst v3;
	v3 =	vld [tilespmem:s21+$0xAA00]  }
0x127: {  	[tilespmem:s21+$0x12980] =	vst v4;
	v4 =	vld [tilespmem:s21+$0xAA10]  }
0x128: {  	[tilespmem:s21+$0x12990] =	vst v0;
	v0 =	vld [tilespmem:s21+$0xAA20]  }
0x129: {  	[tilespmem:s21+$0x129A0] =	vst v1;
	v1 =	vld [tilespmem:s21+$0xAA30]  }
0x12a: {  	[tilespmem:s21+$0x129B0] =	vst v2;
	v2 =	vld [tilespmem:s21+$0xAA80]  }
0x12b: {  	[tilespmem:s21+$0x12A00] =	vst v3;
	v3 =	vld [tilespmem:s21+$0xAA90]  }
0x12c: {  	[tilespmem:s21+$0x12A10] =	vst v4;
	v4 =	vld [tilespmem:s21+$0xAAA0]  }
0x12d: {  	[tilespmem:s21+$0x12A20] =	vst v0;
	v0 =	vld [tilespmem:s21+$0xAB20]  }
0x12e: {  	[tilespmem:s21+$0x12A30] =	vst v1;
	v1 =	vld [tilespmem:s21+$0xAB30]  }
0x12f: {  	[tilespmem:s21+$0x12A80] =	vst v2;
	v2 =	vld [tilespmem:s21+$0xAB80]  }
0x130: {  	[tilespmem:s21+$0x12A90] =	vst v3;
	v3 =	vld [tilespmem:s21+$0xAB90]  }
0x131: {  	s23 =	simm.s32 $0x800;
	s22 =	simm.s32 $0x4000;
	[tilespmem:s21+$0x12AA0] =	vst v4;
	v4 =	vld [tilespmem:s21+$0xABA0]  }
.LBB2_9:
0x132: {  	p0 =	sne.s32 s22, $0xE000;
	v5 =	vld [tilespmem:s23+$0xABB0];
	[tilespmem:s21+$0x12B20] =	vst v0  }
0x133: {  	v0 =	vld [tilespmem:s23+$0xA400];
	[tilespmem:s21+$0x12B30] =	vst v1  }
0x134: {  	v1 =	vld [tilespmem:s23+$0xA410];
	[tilespmem:s21+$0x12B80] =	vst v2  }
0x135: {  	v2 =	vld [tilespmem:s23+$0xA420];
	[tilespmem:s21+$0x12B90] =	vst v3  }
0x136: {  	v3 =	vld [tilespmem:s23+$0xA430];
	[tilespmem:s21+$0x12BA0] =	vst v4;
	s21 =	smov.u32 s23  }
0x137: {  	v4 =	vld [tilespmem:s21+$0xA480];
	[tilespmem:s21+$0x12BB0] =	vst v5  }
0x138: {  	[tilespmem:s21+$0x12400] =	vst v0;
	v0 =	vld [tilespmem:s21+$0xA490]  }
0x139: {  	[tilespmem:s21+$0x12410] =	vst v1;
	v1 =	vld [tilespmem:s21+$0xA4A0]  }
0x13a: {  	[tilespmem:s21+$0x12420] =	vst v2;
	v2 =	vld [tilespmem:s21+$0xA4B0]  }
0x13b: {  	[tilespmem:s21+$0x12430] =	vst v3;
	v3 =	vld [tilespmem:s21+$0xA500]  }
0x13c: {  	[tilespmem:s21+$0x12480] =	vst v4;
	v4 =	vld [tilespmem:s21+$0xA510]  }
0x13d: {  	[tilespmem:s21+$0x12490] =	vst v0;
	v0 =	vld [tilespmem:s21+$0xA520]  }
0x13e: {  	[tilespmem:s21+$0x124A0] =	vst v1;
	v1 =	vld [tilespmem:s21+$0xA530]  }
0x13f: {  	[tilespmem:s21+$0x124B0] =	vst v2;
	v2 =	vld [tilespmem:s21+$0xA580]  }
0x140: {  	[tilespmem:s21+$0x12500] =	vst v3;
	v3 =	vld [tilespmem:s21+$0xA590]  }
0x141: {  	[tilespmem:s21+$0x12510] =	vst v4;
	v4 =	vld [tilespmem:s21+$0xA5A0]  }
0x142: {  	[tilespmem:s21+$0x12520] =	vst v0;
	v0 =	vld [tilespmem:s21+$0xA5B0]  }
0x143: {  	[tilespmem:s21+$0x12530] =	vst v1;
	v1 =	vld [tilespmem:s21+$0xA600]  }
0x144: {  	[tilespmem:s21+$0x12580] =	vst v2;
	v2 =	vld [tilespmem:s21+$0xA610]  }
0x145: {  	[tilespmem:s21+$0x12590] =	vst v3;
	v3 =	vld [tilespmem:s21+$0xA620]  }
0x146: {  	[tilespmem:s21+$0x125A0] =	vst v4;
	v4 =	vld [tilespmem:s21+$0xA630]  }
0x147: {  	[tilespmem:s21+$0x125B0] =	vst v0;
	v0 =	vld [tilespmem:s21+$0xA680]  }
0x148: {  	[tilespmem:s21+$0x12600] =	vst v1;
	v1 =	vld [tilespmem:s21+$0xA690]  }
0x149: {  	[tilespmem:s21+$0x12610] =	vst v2;
	v2 =	vld [tilespmem:s21+$0xA6A0]  }
0x14a: {  	[tilespmem:s21+$0x12620] =	vst v3;
	v3 =	vld [tilespmem:s21+$0xA6B0]  }
0x14b: {  	[tilespmem:s21+$0x12630] =	vst v4;
	v4 =	vld [tilespmem:s21+$0xA700]  }
0x14c: {  	[tilespmem:s21+$0x12680] =	vst v0;
	v0 =	vld [tilespmem:s21+$0xA710]  }
0x14d: {  	[tilespmem:s21+$0x12690] =	vst v1;
	v1 =	vld [tilespmem:s21+$0xA720]  }
0x14e: {  	[tilespmem:s21+$0x126A0] =	vst v2;
	v2 =	vld [tilespmem:s21+$0xA730]  }
0x14f: {  	[tilespmem:s21+$0x126B0] =	vst v3;
	v3 =	vld [tilespmem:s21+$0xA780]  }
0x150: {  	[tilespmem:s21+$0x12700] =	vst v4;
	v4 =	vld [tilespmem:s21+$0xA790]  }
0x151: {  	[tilespmem:s21+$0x12710] =	vst v0;
	v0 =	vld [tilespmem:s21+$0xA7A0]  }
0x152: {  	[tilespmem:s21+$0x12720] =	vst v1;
	v1 =	vld [tilespmem:s21+$0xA7B0]  }
0x153: {  	[tilespmem:s21+$0x12730] =	vst v2;
	v2 =	vld [tilespmem:s21+$0xA800]  }
0x154: {  	[tilespmem:s21+$0x12780] =	vst v3;
	v3 =	vld [tilespmem:s21+$0xA810]  }
0x155: {  	[tilespmem:s21+$0x12790] =	vst v4;
	v4 =	vld [tilespmem:s21+$0xA820]  }
0x156: {  	[tilespmem:s21+$0x127A0] =	vst v0;
	v0 =	vld [tilespmem:s21+$0xA830]  }
0x157: {  	[tilespmem:s21+$0x127B0] =	vst v1;
	v1 =	vld [tilespmem:s21+$0xA880]  }
0x158: {  	[tilespmem:s21+$0x12800] =	vst v2;
	v2 =	vld [tilespmem:s21+$0xA890]  }
0x159: {  	[tilespmem:s21+$0x12810] =	vst v3;
	v3 =	vld [tilespmem:s21+$0xA8A0]  }
0x15a: {  	[tilespmem:s21+$0x12820] =	vst v4;
	v4 =	vld [tilespmem:s21+$0xA8B0]  }
0x15b: {  	[tilespmem:s21+$0x12830] =	vst v0;
	v0 =	vld [tilespmem:s21+$0xA900]  }
0x15c: {  	[tilespmem:s21+$0x12880] =	vst v1;
	v1 =	vld [tilespmem:s21+$0xA910]  }
0x15d: {  	[tilespmem:s21+$0x12890] =	vst v2;
	v2 =	vld [tilespmem:s21+$0xA920]  }
0x15e: {  	[tilespmem:s21+$0x128A0] =	vst v3;
	v3 =	vld [tilespmem:s21+$0xA930]  }
0x15f: {  	[tilespmem:s21+$0x128B0] =	vst v4;
	v4 =	vld [tilespmem:s21+$0xA980]  }
0x160: {  	[tilespmem:s21+$0x12900] =	vst v0;
	v0 =	vld [tilespmem:s21+$0xA990]  }
0x161: {  	[tilespmem:s21+$0x12910] =	vst v1;
	v1 =	vld [tilespmem:s21+$0xA9A0]  }
0x162: {  	[tilespmem:s21+$0x12920] =	vst v2;
	v2 =	vld [tilespmem:s21+$0xA9B0]  }
0x163: {  	[tilespmem:s21+$0x12930] =	vst v3;
	v3 =	vld [tilespmem:s21+$0xAA00]  }
0x164: {  	[tilespmem:s21+$0x12980] =	vst v4;
	v4 =	vld [tilespmem:s21+$0xAA10]  }
0x165: {  	[tilespmem:s21+$0x12990] =	vst v0;
	v0 =	vld [tilespmem:s21+$0xAA20]  }
0x166: {  	[tilespmem:s21+$0x129A0] =	vst v1;
	v1 =	vld [tilespmem:s21+$0xAA30]  }
0x167: {  	[tilespmem:s21+$0x129B0] =	vst v2;
	v2 =	vld [tilespmem:s21+$0xAA80]  }
0x168: {  	[tilespmem:s21+$0x12A00] =	vst v3;
	v3 =	vld [tilespmem:s21+$0xAA90]  }
0x169: {  	[tilespmem:s21+$0x12A10] =	vst v4;
	v4 =	vld [tilespmem:s21+$0xAAA0]  }
0x16a: {  	[tilespmem:s21+$0x12A20] =	vst v0;
	v5 =	vld [tilespmem:s21+$0xAAB0]  }
0x16b: {  	[tilespmem:s21+$0x12A30] =	vst v1;
	v6 =	vld [tilespmem:s21+$0xAB00]  }
0x16c: {  	[tilespmem:s21+$0x12A80] =	vst v2;
	v7 =	vld [tilespmem:s21+$0xAB10]  }
.Ltmp4:
0x16d: {  	[tilespmem:s21+$0x12A90] =	vst v3;
	v0 =	vld [tilespmem:s21+$0xAB20];
	(pc) =	sbr.rel @p0 .LBB2_9-.Ltmp4, $4  }
0x16e: {  	[tilespmem:s21+$0x12AA0] =	vst v4;
	v1 =	vld [tilespmem:s21+$0xAB30]  }
0x16f: {  	[tilespmem:s21+$0x12AB0] =	vst v5;
	v2 =	vld [tilespmem:s21+$0xAB80]  }
0x170: {  	[tilespmem:s21+$0x12B00] =	vst v6;
	v3 =	vld [tilespmem:s21+$0xAB90]  }
0x171: {  	s23 =	sshra.s32 s22, $0x2;
	s22 =	sadd.s32 $0x2000, s22;
	[tilespmem:s21+$0x12B10] =	vst v7;
	v4 =	vld [tilespmem:s21+$0xABA0]  }
0x172: {  	v5 =	vld [tilespmem:s23+$0xABB0];
	[tilespmem:s21+$0x12B20] =	vst v0  }
0x173: {  	v0 =	vld [tilespmem:s23+$0xA400];
	[tilespmem:s21+$0x12B30] =	vst v1  }
0x174: {  	v1 =	vld [tilespmem:s23+$0xA410];
	[tilespmem:s21+$0x12B80] =	vst v2  }
0x175: {  	v2 =	vld [tilespmem:s23+$0xA420];
	[tilespmem:s21+$0x12B90] =	vst v3  }
0x176: {  	v3 =	vld [tilespmem:s23+$0xA430];
	[tilespmem:s21+$0x12BA0] =	vst v4  }
0x177: {  	v4 =	vld [tilespmem:s23+$0xA480];
	[tilespmem:s23+$0x12BB0] =	vst v5  }
0x178: {  	v62 =	vld [tilespmem:s23+$0xA490];
	[tilespmem:s23+$0x12400] =	vst v0  }
0x179: {  	v63 =	vld [tilespmem:s23+$0xA4A0];
	[tilespmem:s23+$0x12410] =	vst v1  }
0x17a: {  	v8 =	vld [tilespmem:s23+$0xA4B0];
	[tilespmem:s23+$0x12420] =	vst v2  }
0x17b: {  	v9 =	vld [tilespmem:s23+$0xA500];
	[tilespmem:s23+$0x12430] =	vst v3  }
0x17c: {  	v10 =	vld [tilespmem:s23+$0xA510];
	[tilespmem:s23+$0x12480] =	vst v4  }
0x17d: {  	v11 =	vld [tilespmem:s23+$0xA520];
	[tilespmem:s23+$0x12490] =	vst v62  }
0x17e: {  	v12 =	vld [tilespmem:s23+$0xA530];
	[tilespmem:s23+$0x124A0] =	vst v63  }
0x17f: {  	v13 =	vld [tilespmem:s23+$0xA580];
	[tilespmem:s23+$0x124B0] =	vst v8  }
0x180: {  	v14 =	vld [tilespmem:s23+$0xA590];
	[tilespmem:s23+$0x12500] =	vst v9  }
0x181: {  	v15 =	vld [tilespmem:s23+$0xA5A0];
	[tilespmem:s23+$0x12510] =	vst v10  }
0x182: {  	v16 =	vld [tilespmem:s23+$0xA5B0];
	[tilespmem:s23+$0x12520] =	vst v11  }
0x183: {  	v17 =	vld [tilespmem:s23+$0xA600];
	[tilespmem:s23+$0x12530] =	vst v12  }
0x184: {  	v18 =	vld [tilespmem:s23+$0xA610];
	[tilespmem:s23+$0x12580] =	vst v13  }
0x185: {  	v19 =	vld [tilespmem:s23+$0xA620];
	[tilespmem:s23+$0x12590] =	vst v14  }
0x186: {  	v20 =	vld [tilespmem:s23+$0xA630];
	[tilespmem:s23+$0x125A0] =	vst v15  }
0x187: {  	v21 =	vld [tilespmem:s23+$0xA680];
	[tilespmem:s23+$0x125B0] =	vst v16  }
0x188: {  	v22 =	vld [tilespmem:s23+$0xA690];
	[tilespmem:s23+$0x12600] =	vst v17  }
0x189: {  	v23 =	vld [tilespmem:s23+$0xA6A0];
	[tilespmem:s23+$0x12610] =	vst v18  }
0x18a: {  	v24 =	vld [tilespmem:s23+$0xA6B0];
	[tilespmem:s23+$0x12620] =	vst v19  }
0x18b: {  	v25 =	vld [tilespmem:s23+$0xA700];
	[tilespmem:s23+$0x12630] =	vst v20  }
0x18c: {  	v26 =	vld [tilespmem:s23+$0xA710];
	[tilespmem:s23+$0x12680] =	vst v21  }
0x18d: {  	v27 =	vld [tilespmem:s23+$0xA720];
	[tilespmem:s23+$0x12690] =	vst v22  }
0x18e: {  	v28 =	vld [tilespmem:s23+$0xA730];
	[tilespmem:s23+$0x126A0] =	vst v23  }
0x18f: {  	v29 =	vld [tilespmem:s23+$0xA780];
	[tilespmem:s23+$0x126B0] =	vst v24  }
0x190: {  	v30 =	vld [tilespmem:s23+$0xA790];
	[tilespmem:s23+$0x12700] =	vst v25  }
0x191: {  	v31 =	vld [tilespmem:s23+$0xA7A0];
	[tilespmem:s23+$0x12710] =	vst v26  }
0x192: {  	v32 =	vld [tilespmem:s23+$0xA7B0];
	[tilespmem:s23+$0x12720] =	vst v27  }
0x193: {  	v33 =	vld [tilespmem:s23+$0xA800];
	[tilespmem:s23+$0x12730] =	vst v28  }
0x194: {  	v34 =	vld [tilespmem:s23+$0xA810];
	[tilespmem:s23+$0x12780] =	vst v29  }
0x195: {  	v35 =	vld [tilespmem:s23+$0xA820];
	[tilespmem:s23+$0x12790] =	vst v30  }
0x196: {  	v36 =	vld [tilespmem:s23+$0xA830];
	[tilespmem:s23+$0x127A0] =	vst v31  }
0x197: {  	v37 =	vld [tilespmem:s23+$0xA880];
	[tilespmem:s23+$0x127B0] =	vst v32  }
0x198: {  	v38 =	vld [tilespmem:s23+$0xA890];
	[tilespmem:s23+$0x12800] =	vst v33  }
0x199: {  	v39 =	vld [tilespmem:s23+$0xA8A0];
	[tilespmem:s23+$0x12810] =	vst v34  }
0x19a: {  	v40 =	vld [tilespmem:s23+$0xA8B0];
	[tilespmem:s23+$0x12820] =	vst v35  }
0x19b: {  	v41 =	vld [tilespmem:s23+$0xA900];
	[tilespmem:s23+$0x12830] =	vst v36  }
0x19c: {  	v42 =	vld [tilespmem:s23+$0xA910];
	[tilespmem:s23+$0x12880] =	vst v37  }
0x19d: {  	v43 =	vld [tilespmem:s23+$0xA920];
	[tilespmem:s23+$0x12890] =	vst v38  }
0x19e: {  	v44 =	vld [tilespmem:s23+$0xA930];
	[tilespmem:s23+$0x128A0] =	vst v39  }
0x19f: {  	v45 =	vld [tilespmem:s23+$0xA980];
	[tilespmem:s23+$0x128B0] =	vst v40  }
0x1a0: {  	v46 =	vld [tilespmem:s23+$0xA990];
	[tilespmem:s23+$0x12900] =	vst v41  }
0x1a1: {  	v47 =	vld [tilespmem:s23+$0xA9A0];
	[tilespmem:s23+$0x12910] =	vst v42  }
0x1a2: {  	v48 =	vld [tilespmem:s23+$0xA9B0];
	[tilespmem:s23+$0x12920] =	vst v43  }
0x1a3: {  	v49 =	vld [tilespmem:s23+$0xAA00];
	[tilespmem:s23+$0x12930] =	vst v44  }
0x1a4: {  	v50 =	vld [tilespmem:s23+$0xAA10];
	[tilespmem:s23+$0x12980] =	vst v45  }
0x1a5: {  	v51 =	vld [tilespmem:s23+$0xAA20];
	[tilespmem:s23+$0x12990] =	vst v46  }
0x1a6: {  	v52 =	vld [tilespmem:s23+$0xAA30];
	[tilespmem:s23+$0x129A0] =	vst v47  }
0x1a7: {  	v53 =	vld [tilespmem:s23+$0xAA80];
	[tilespmem:s23+$0x129B0] =	vst v48  }
0x1a8: {  	v54 =	vld [tilespmem:s23+$0xAA90];
	[tilespmem:s23+$0x12A00] =	vst v49  }
0x1a9: {  	v55 =	vld [tilespmem:s23+$0xAAA0];
	[tilespmem:s23+$0x12A10] =	vst v50  }
0x1aa: {  	v56 =	vld [tilespmem:s23+$0xAAB0];
	[tilespmem:s23+$0x12A20] =	vst v51  }
0x1ab: {  	v57 =	vld [tilespmem:s23+$0xAB00];
	[tilespmem:s23+$0x12A30] =	vst v52  }
0x1ac: {  	v58 =	vld [tilespmem:s23+$0xAB10];
	[tilespmem:s23+$0x12A80] =	vst v53  }
0x1ad: {  	v59 =	vld [tilespmem:s23+$0xAB20];
	[tilespmem:s23+$0x12A90] =	vst v54  }
0x1ae: {  	v60 =	vld [tilespmem:s23+$0xAB30];
	[tilespmem:s23+$0x12AA0] =	vst v55  }
0x1af: {  	v61 =	vld [tilespmem:s23+$0xAB80];
	[tilespmem:s23+$0x12AB0] =	vst v56  }
0x1b0: {  	[tilespmem:s23+$0x12B00] =	vst v57;
	v62 =	vld [tilespmem:s23+$0xAB90]  }
0x1b1: {  	s19 =	sadd.s32 $0x1, s19;
	[tilespmem:s23+$0x12B10] =	vst v58;
	v63 =	vld [tilespmem:s23+$0xABA0]  }
0x1b2: {  	p0 =	sne.s32 s19, $0x64;
	[tilespmem:s23+$0x12B20] =	vst v59  }
.Ltmp5:
0x1b3: {  	s20 =	sshll.u32 s20, $0xE;
	[tilespmem:s23+$0x12B30] =	vst v60;
	(pc) =	sbr.rel @p0 .LBB2_2-.Ltmp5, $4  }
0x1b4: {  	s20 =	sadd.s32 s6, s20;
	[tilespmem:s23+$0x12B80] =	vst v61  }
0x1b5: {  	s20 =	sshrl.u32 s20, $0x3;
	[tilespmem:s23+$0x12B90] =	vst v62  }
0x1b6: {  	s20 =	sadd.s32 s4, s20;
	[tilespmem:s23+$0x12BA0] =	vst v63  }
0x1b7: {  	[hbm4b:s20+s2] =	stream.linear.scatter [tilespmem:s16], [sflag:$0x4], $0x4000, $0x38;
	[tilespmem:$0x16400] =	vst v63  }
0x1b8: {  	s18 =	sadd.s32 $0x1, s18  }
0x1b9: {  	_ =	swait.ge [sflag:s17], $0x4000;
	p0 =	sne.s32 s18, s7  }
.Ltmp6:
0x1ba: {  	[sflag:s17] =	ssyncset.done $0x0;
	(pc) =	sbr.rel @p0 .LBB2_1-.Ltmp6, $4  }
0x1bb: {  	[sflag:s17] =	ssyncadd.s32 $0xFFFFC000  }
0x1bc: {  	_ =	swait.ge [sflag:s15], $0x4000  }
0x1bd: {  	[sflag:s15] =	ssyncset.done $0x0  }
0x1be: {  	[sflag:s15] =	ssyncadd.s32 $0xFFFFC000  }
0x1bf: {  	_ =	sfence.sel $0x180000  }
0x1c0: {  	[bflag:$0x0] =	sbarrier.arrive $0xFFFF  }
0x1c1: {  	p0 =	sne.s32 s1, $0x0;
	_ =	strace $0x90000047  }
0x1c2: {  	s0 =	sadd.s32 @!p0 $0x100000, s0;
	[bflag:$0x2] =	sbarrier.arrive $0xFFFF  }
0x1c3: {  	[sflag:s0] =	ssyncadd.tile.s32 @!p0 $0x1;
	_ =	shalt  }
.Lfunc_end2:
_tile_overlayer_lowered:
.L_overlay_start_2:
0x1c4: {  	(tag) =	ssettag $0x2  }
0x1c5: {  	s0 =	rddreg [dreg:$0x0];
	s2 =	stileid.u32  }
0x1c6: {  	s1 =	rddreg [dreg:$0x1];
	p0 =	sne.s32 s2, $0x0  }
0x1c7: {  	s3 =	rddreg [dreg:$0x2];
	[bflag:$0x3] =	sbarrier.arrive $0xFFFF;
	s2 =	simm.s32 @!p0 $0x1C05  }
0x1c8: {  	[timem:s3], [sflag:s2] =	dma.local @!p0 [hbm:s0], s1  }
0x1c9: {  	s0 =	simm.s32 @!p0 $0x5  }
0x1ca: {  	_ =	swait.ge @!p0 [sflag:s0], s1  }
0x1cb: {  	s1 =	ssub.s32 @!p0 $0x0, s1;
	[sflag:s0] =	ssyncset.done @!p0 $0x0  }
0x1cc: {  	[sflag:s0] =	ssyncadd.s32 @!p0 s1  }
0x1cd: {  	[bflag:$0x3] =	sbarrier.arrive $0xFFFF  }
0x1ce: {  	_ =	shalt  }

// kernel: sparse-core-data-format-call.cloned.1.call-start
scs
called_computation_lowered:
.L_overlay_start_0:
0x0: {  	s2 =	sld [smem:$0x3FD9]  }
0x1: {  	s3 =	sld [smem:$0x3FFE];
	_ =	sdelay $0x1  }
0x2: {  	s1 =	srdreg.scid  }
0x3: {  	s0 =	sand.u32 $0x1, s1  }
0x4: {  	s18 =	sshll.u32 s0, $0xA;
	s2 =	sadd.s32 s3, s2  }
0x5: {  	s2 =	sadd.s32 s2, s18  }
0x6: {  	[smem:$0x3FC6] =	sst s2  }
0x7: {  	_ = 	snop  }
0x8: {  	s2 =	sld [smem:$0x3FD0];
	(tm) =	ssettm $0x1  }
0x9: {  	s19 =	sld [smem:$0x3FFB];
	_ =	sdelay $0x3  }
0xa: {  	_ =	strace s19  }
0xb: {  	s3 =	sld [smem:$0x3FFC];
	_ =	sdelay $0x3  }
0xc: {  	_ =	strace s3  }
0xd: {  	s3 =	sld [smem:$0x3FFD];
	_ =	sdelay $0x3  }
0xe: {  	_ =	strace s3  }
0xf: {  	_ =	strace $0x8FFFFFFF  }
0x10: {  	s20 =	sld [smem:$0x3FDB];
	_ =	sdelay $0x1  }
0x11: {  	s4 =	simm.s32 $_scs_section_size  }
0x12: {  	s5 =	simm.s32 $_size__tile_overlayer_lowered;
	s6 =	simm.s32 $_tile_overlayer_lowered  }
0x13: {  	s23 =	simm.s32 $0x1BFF;
	s22 =	sshll.u32 s6, $0x1;
	s3 =	sadd.s32 s4, s20  }
0x14: {  	s7 =	simm.s32 $0x0;
	s21 =	sshll.u32 s5, $0x1;
	s5 =	sadd.s32 s22, s3  }
0x15: {  	[timem:s7], [sflag:s23] =	dma.local [hbm:s5], s21  }
0x16: {  	_ =	swait.ge [sflag:s23], s21  }
0x17: {  	s4 =	ssub.s32 $0x0, s21;
	[sflag:s23] =	ssyncset.done $0x0  }
0x18: {  	[sflag:s23] =	ssyncadd.s32 s4;
	_ =	sdelay $0x1  }
0x19: {  	s24 =	simm.s32 $0x1B8B  }
0x1a: {  	_ =	swait.ge [sflag:s24], $0x1  }
0x1b: {  	[sflag:s24] =	ssyncset.done $0x0  }
0x1c: {  	s26 =	simm.s32 $0x1B8E;
	s25 =	sld [smem:$0x3FFE];
	[sflag:s24] =	ssyncadd.s32 $0xFFFFFFFF  }
0x1d: {  	s27 =	simm.s32 $execute0_lowered;
	[smem:$0x3FD2] =	sst s26  }
0x1e: {  	s5 =	sshll.u32 s27, $0x1;
	_ =	strace $0x80000049;
	[dreg:$0x1] =	wrdreg $0xFFFFFFFF  }
0x1f: {  	s28 =	simm.s32 $_size_execute0_lowered;
	s3 =	sadd.s32 s3, s5;
	[dreg:$0x0] =	wrdreg $0x0  }
0x20: {  	s5 =	sshll.u32 s28, $0x1;
	[dreg:$0x2] =	wrdreg s3  }
0x21: {  	[dreg:$0x3] =	wrdreg s5  }
0x22: {  	[dreg:$0x4] =	wrdreg $0xC0  }
0x23: {  	_ =	task [dreg:s7], $0x5FFFF  }
0x24: {  	[dreg:$0x1] =	wrdreg $0xFFFFFFFF  }
0x25: {  	[dreg:$0x0] =	wrdreg $0x60  }
0x26: {  	[dreg:$0x2] =	wrdreg s25  }
0x27: {  	[dreg:$0x3] =	wrdreg s2  }
0x28: {  	[dreg:$0x4] =	wrdreg $0x9  }
0x29: {  	_ =	task.clear_ibuf [dreg:s7], $0x5FFFF;
	_ =	strace $0x90000049  }
0x2a: {  	s29 =	simm.s32 $0x9;
	_ =	strace $0x8000004B  }
0x2b: {  	_ =	swait.ge [sflag:s29], $0x1  }
0x2c: {  	[sflag:s29] =	ssyncadd.s32 $0xFFFFFFFF  }
0x2d: {  	_ =	strace $0x9000004B  }
0x2e: {  	_ =	sfence  }
0x2f: {  	s30 =	sld [smem:$0x0];
	_ =	sdelay $0x2  }
0x30: {  	s31 =	sshll.u32 s1, $0xD;
	s1 =	sshrl.u32 s1, $0x2  }
0x31: {  	s3 =	sand.u32 $0x4000, s31;
	s1 =	sadd.s32 s1, s30  }
0x32: {  	s0 =	sor.u32 s3, s0;
	s1 =	sshll.u32 s1, $0x11  }
0x33: {  	s0 =	sor.u32 s1, s0  }
0x34: {  	s0 =	sadd.s32 $0x8F2B, s0  }
0x35: {  	[sflag:s0] =	ssyncadd.remote.s32 $0x1  }
0x36: {  	_ =	sfence.sel $0xFFFF  }
0x37: {  	[dreg:$0x0] =	wrdreg $0xFFFFFFFF;
	(pc) =	sbr.abs _section_cstart, $3  }
0x38: {  	[dreg:$0x1] =	wrdreg $0xFFFFFFFF  }
0x39: {  	_ =	task.clear_ibuf [dreg:s7], $0x2FFFF;
	_ =	strace $0x9FFFFFFF  }
0x3a: {  	(tm) =	ssettm $0x7FFFFFFF  }
0x3b: {  	_ =	shalt  }
tec
execute0_lowered:
.L_overlay_start_1:
0x0: {  	(tag) =	ssettag $0x1  }
0x1: {  	s0 =	srdreg.scid  }
0x2: {  	s1 =	sshll.u32 s0, $0x4  }
0x3: {  	s0 =	stileid.u32;
	s1 =	sand.u32 $0x10, s1  }
0x4: {  	s7 =	rddreg [dreg:$0x0];
	s1 =	sor.u32 s0, s1  }
0x5: {  	s4 =	simm.s32 $0x1;
	s8 =	simm.s32 $0x2;
	s2 =	sshll.u32 s1, $0x7  }
0x6: {  	s13 =	simm.s32 $0x0;
	s9 =	simm.s32 $0x20000;
	s1 =	ssub.s32 $0x4000, s2  }
0x7: {  	s14 =	simm.s32 $0x0;
	s11 =	simm.s32 $0x0;
	s3 =	sand.u32 $0xF80, s1  }
0x8: {  	s12 =	simm.s32 $0x0;
	s5 =	sshrl.u32 s1, $0xC;
	p0 =	sne.s32 s3, $0x0  }
.Ltmp0:
0x9: {  	s1 =	rddreg [dreg:$0x2];
	s4 =	simm.s32 @!p0 $0x0;
	(pc) =	sbr.rel .LBB1_1-.Ltmp0, $4  }
0xa: {  	s6 =	sadd.s32 $0xA00, s7;
	s3 =	rddreg [dreg:$0x1];
	s5 =	sadd.s32 s4, s5  }
0xb: {  	_ =	strace $0x8000004A;
	s4 =	simm.s32 $0x1;
	s5 =	smul.u32 $0x19, s5  }
0xc: {  	s7 =	sadd.s32 $0x40A00, s7;
	s10 =	smov.u32 s2;
	[sflag:s4] =	ssyncpa.u1 $0x0  }
0xd: {  	p0 =	por $0x0, $0x0;
	[sflag:s8] =	ssyncpa.u1 $0x0;
	s8 =	sadd.s32 $0x1, s5  }
.LBB1_7:
0xe: {  	s15 =	sadd.s32 $0x1000, s10  }
0xf: {  	s13 =	sadd.s32 $0x2, s11;
	s17 =	smov.u32 s11;
	p2 =	sgt.s32 s15, $0x3FFF  }
0x10: {  	s17 =	smov.u32 @p2 s13  }
0x11: {  	s15 =	smov.u32 @p2 s2;
	p2 =	sgt.s32 s17, $0x31  }
0x12: {  	s17 =	simm.s32 @p2 $0x0;
	p2 =	sne.s32 s12, s8  }
.Ltmp1:
0x13: {  	p1 =	slt.u32 s12, $0x2;
	(pc) =	sbr.rel @!p2 .LBB1_8-.Ltmp1, $4  }
0x14: {  	s16 =	simm.s32 @!p1 $0x2  }
0x15: {  	s14 =	smov.u32 s11;
	p0 =	por !p0, !p0;
	_ =	swait.ge @!p1 [sflag:s16], $0x4000  }
0x16: {  	s13 =	smov.u32 s10;
	[sflag:s16] =	ssyncset.done @!p1 $0x0;
	s10 =	smov.u32 s15  }
0x17: {  	s12 =	sadd.s32 $0x1, s12;
	[sflag:s16] =	ssyncadd.s32 @!p1 $0xFFFFC000;
	s11 =	smov.u32 s17  }
.LBB1_1:
0x18: {  	p1 =	sge.u32 s12, s5  }
0x19: {  	s15 =	sxor.u32 @!p1 $0xFFFFFFFF, s12;
	s16 =	sshll.u32 @!p1 s11, $0x12  }
0x1a: {  	s17 =	sshll.u32 @!p1 s10, $0x4;
	s19 =	simm.s32 @!p1 $0x40;
	s20 =	simm.s32 @!p1 $0x80  }
0x1b: {  	s15 =	sshll.u32 @!p1 s15, $0xE;
	s17 =	sand.u32 @!p1 $0x3FFF0, s17;
	s18 =	sadd.s32 @!p1 s6, s16  }
0x1c: {  	s16 =	sadd.s32 @!p1 s16, s7;
	s15 =	sand.u32 @!p1 $0x4000, s15;
	s18 =	sadd.s32 @!p1 s17, s18  }
0x1d: {  	[tilespmem:s15], [sflag:$0x1] =	stream.strided.gather @!p1 [hbm4b:s18+s19], $0x2000, s20, s19, $0x38;
	[tilespmem:$0x10100] =	vst v63  }
0x1e: {  	s31 =	sadd.s32 $0xFFFFFFFF, s12;
	s16 =	sadd.s32 @!p1 s17, s16;
	s15 =	sor.u32 @!p1 $0x2000, s15  }
0x1f: {  	[tilespmem:s15], [sflag:$0x1] =	stream.strided.gather @!p1 [hbm4b:s16+s19], $0x2000, s20, s19, $0x38;
	[tilespmem:$0x10100] =	vst v63  }
0x20: {  	p1 =	sge.u32 s31, s5  }
.Ltmp2:
0x21: {  	_ = 	snop;
	(pc) =	sbr.rel @p1 .LBB1_7-.Ltmp2, $1  }
0x22: {  	_ =	sdelay $0x3  }
0x23: {  	s15 =	simm.s32 $0x1;
	s17 =	sand.u32 $0x1, s12  }
0x24: {  	_ =	swait.ge [sflag:s4], $0x4000;
	s15 =	simm.s32 @!p0 $0x0;
	s17 =	smul.u32 $0x10200, s17  }
0x25: {  	p2 =	por $0x1, $0x1;
	[sflag:s4] =	ssyncset.done $0x0;
	s16 =	smul.u32 $0x10200, s15  }
0x26: {  	s18 =	sshll.u32 s15, $0x10;
	[sflag:s4] =	ssyncadd.s32 $0xFFFFC000;
	s30 =	sshrl.u32 s17, $0x2  }
0x27: {  	s31 =	sshrl.u32 s18, $0x2;
	s18 =	simm.s32 $0x0;
	s16 =	sshrl.u32 s16, $0x2  }
0x28: {  	s15 =	sor.u32 $0x8000, s30;
	s17 =	sadd.s32 $0x20, s31;
	s16 =	sor.u32 $0x8000, s16  }
.LBB1_3:
0x29: {  	s19 =	sshll.u32 s18, $0xD  }
0x2a: {  	s19 =	sand.u32 $0x3FFFE000, s19  }
0x2b: {  	s21 =	sadd.s32 s19, s17  }
0x2c: {  	s31 =	smul.u32 $0x8100, s18;
	v3 =	vld [tilespmem:s21+$0x10]  }
0x2d: {  	v1 =	vld [tilespmem:s21+$0xFFFFFFF0]  }
0x2e: {  	s18 =	sshra.s32 s31, $0x2;
	v0 =	vld [tilespmem:s21+$0x0]  }
0x2f: {  	s18 =	sadd.s32 s18, s16;
	v2 =	vld [tilespmem:s21+$0xFFFFFFE0]  }
0x30: {  	s19 =	sadd.s32 $0x0, s18  }
0x31: {  	p1 =	por p2, p2;
	s20 =	simm.s32 $0x4;
	s21 =	sadd.s32 $0x40, s21;
	[tilespmem:s19+$0x1830 ss:$0x81] =	vst.msk $0xffff, v3  }
.LBB1_4:
0x32: {  	v3 =	vld [tilespmem:s21+$0x10];
	p2 =	sne.s32 s20, $0x1FC;
	[tilespmem:s19+$0x810 ss:$0x81] =	vst.msk $0xffff, v1;
	s22 =	smov.u32 s20;
	s20 =	sadd.s32 $0x4, s20  }
.Ltmp3:
0x33: {  	v1 =	vld [tilespmem:s21+$0xFFFFFFF0];
	[tilespmem:s19+$0x1020 ss:$0x81] =	vst.msk $0xffff, v0;
	(pc) =	sbr.rel @p2 .LBB1_4-.Ltmp3, $4  }
0x34: {  	v0 =	vld [tilespmem:s21+$0x0];
	[tilespmem:s19+$0x0 ss:$0x81] =	vst.msk $0xffff, v2  }
0x35: {  	s19 =	sshra.s32 s22, $0x2;
	v2 =	vld [tilespmem:s21+$0xFFFFFFE0]  }
0x36: {  	s19 =	sadd.s32 s19, s18  }
0x37: {  	s21 =	sadd.s32 $0x40, s21;
	[tilespmem:s19+$0x1830 ss:$0x81] =	vst.msk $0xffff, v3  }
.Ltmp4:
0x38: {  	(pc) =	sbr.rel @p1 .LBB1_3-.Ltmp4, $4  }
0x39: {  	_ = 	snop  }
0x3a: {  	[tilespmem:s19+$0x810 ss:$0x81] =	vst.msk $0xffff, v1  }
0x3b: {  	[tilespmem:s19+$0x1020 ss:$0x81] =	vst.msk $0xffff, v0  }
0x3c: {  	s18 =	simm.s32 $0x1;
	p2 =	por $0x0, $0x0;
	[tilespmem:s19+$0x0 ss:$0x81] =	vst.msk $0xffff, v2  }
0x3d: {  	s16 =	sshll.u32 s13, $0x3;
	s17 =	sand.u32 $0x78, s13;
	s14 =	sshll.u32 s14, $0x11  }
.Ltmp5:
0x3e: {  	s30 =	sand.u32 $0x1F800, s13;
	s16 =	sand.u32 $0x3C00, s16;
	(pc) =	sbr.rel .LBB1_7-.Ltmp5, $4  }
0x3f: {  	s31 =	sand.u32 $0x7, s13;
	s14 =	sadd.s32 s3, s14;
	s16 =	sor.u32 s17, s16  }
0x40: {  	s13 =	sshll.u32 s31, $0x12;
	s14 =	sadd.s32 s30, s14;
	s16 =	sshrl.u32 s16, $0x3  }
0x41: {  	s13 =	sor.u32 $0x400, s13;
	s14 =	sadd.s32 s16, s14  }
0x42: {  	[hbm4b:s14+s13] =	stream.strided.scatter [tilespmem:s15], [sflag:$0x2], $0x4000, s9, s13, $0x20;
	[tilespmem:$0x10100] =	vst v63  }
.LBB1_8:
0x43: {  	_ =	sfence.sel $0x180000  }
0x44: {  	s2 =	simm.s32 $0x1;
	[bflag:$0x0] =	sbarrier.arrive $0xFFFF  }
0x45: {  	s31 =	simm.s32 $0x2;
	[sflag:s2] =	ssyncpa.u1 $0x1  }
0x46: {  	[sflag:s31] =	ssyncpa.u1 $0x1  }
0x47: {  	p0 =	sne.s32 s0, $0x0;
	_ =	strace $0x9000004A  }
0x48: {  	s0 =	sadd.s32 @!p0 $0x100000, s1;
	[bflag:$0x2] =	sbarrier.arrive $0xFFFF  }
0x49: {  	[sflag:s0] =	ssyncadd.tile.s32 @!p0 $0x1;
	_ =	shalt  }
.Lfunc_end1:
_tile_overlayer_lowered:
.L_overlay_start_2:
0x4a: {  	(tag) =	ssettag $0x2  }
0x4b: {  	s0 =	rddreg [dreg:$0x0];
	s2 =	stileid.u32  }
0x4c: {  	s1 =	rddreg [dreg:$0x1];
	p0 =	sne.s32 s2, $0x0  }
0x4d: {  	s3 =	rddreg [dreg:$0x2];
	[bflag:$0x3] =	sbarrier.arrive $0xFFFF;
	s2 =	simm.s32 @!p0 $0x1C01  }
0x4e: {  	[timem:s3], [sflag:s2] =	dma.local @!p0 [hbm:s0], s1  }
0x4f: {  	s0 =	simm.s32 @!p0 $0x1  }
0x50: {  	_ =	swait.ge @!p0 [sflag:s0], s1  }
0x51: {  	s1 =	ssub.s32 @!p0 $0x0, s1;
	[sflag:s0] =	ssyncset.done @!p0 $0x0  }
0x52: {  	[sflag:s0] =	ssyncadd.s32 @!p0 s1  }
0x53: {  	[bflag:$0x3] =	sbarrier.arrive $0xFFFF  }
0x54: {  	_ =	shalt  }

</sc_bundles>
